<compile_context>
chip_gen: v7x
topology: tpu7x:2x2x1
jax: 0.10.2.dev20260603
libtpu: 0.0.44.dev20260713+nightly
codegen_flags: <defaults>
</compile_context>

<pallas_src>
import functools

import jax
import jax.numpy as jnp
from jax import lax
from jax.experimental import pallas as pl
from jax.experimental.pallas import tpu as pltpu
from jax.experimental.pallas import tpu_sc as plsc

NUM_EMB = 1_000_000
EMBEDDING_DIM = 32
BATCH = 16384
NUM_CORES = 2
NUM_SUBCORES = 16
NUM_WORKERS = NUM_CORES * NUM_SUBCORES
B_PER_W = BATCH // NUM_WORKERS
LANES = 16
CHUNK = 8
NRING = 3
NCHUNK = B_PER_W // CHUNK
NTRIP = NCHUNK // NRING
NTAIL = NCHUNK - NTRIP * NRING


@functools.partial(
    pl.kernel,
    mesh=plsc.VectorSubcoreMesh(core_axis_name="c", subcore_axis_name="s"),
    out_type=jax.ShapeDtypeStruct((BATCH, EMBEDDING_DIM), jnp.float32),
    scratch_types=[
        pltpu.VMEM((B_PER_W + LANES,), jnp.int32),
        pltpu.VMEM((CHUNK, EMBEDDING_DIM, 128), jnp.float32),
        pltpu.VMEM((CHUNK, EMBEDDING_DIM, 128), jnp.float32),
        pltpu.VMEM((CHUNK, EMBEDDING_DIM, 128), jnp.float32),
        pltpu.VMEM((CHUNK, EMBEDDING_DIM), jnp.float32),
        pltpu.SemaphoreType.DMA,
        pltpu.SemaphoreType.DMA,
        pltpu.SemaphoreType.DMA,
    ],
    compiler_params=pltpu.CompilerParams(
        use_tc_tiling_on_sc=True, needs_layout_passes=False
    ),
)
def _emb_lookup(wt, idx_hbm, out, idx_v, buf0, buf1, buf2, rows_v, sem0, sem1, sem2):
    wid = lax.axis_index("s") * NUM_CORES + lax.axis_index("c")
    base = wid * B_PER_W
    pltpu.sync_copy(idx_hbm.at[pl.ds(base, B_PER_W)], idx_v.at[pl.ds(0, B_PER_W)])
    bufs = (buf0, buf1, buf2)
    sems = (sem0, sem1, sem2)

    def chunk_cols_lanes(c):
        ivec = idx_v[pl.ds(c * CHUNK, LANES)]
        cols = lax.shift_right_logical(ivec, 7) * 128
        lanes_vec = lax.bitwise_and(ivec, 127)
        return cols, lanes_vec

    def fire(cols, half, buf, sem):
        for kk in range(CHUNK):
            col = pl.multiple_of(cols[half * CHUNK + kk], 128)
            pltpu.async_copy(wt.at[:, pl.ds(col, 128)], buf.at[kk], sem)

    def fire_chunk(c, buf, sem):
        cols, _ = chunk_cols_lanes(c)
        fire(cols, 0, buf, sem)

    def drain(buf, sem):
        for kk in range(CHUNK):
            pltpu.make_async_copy(
                wt.at[:, pl.ds(0, 128)], buf.at[kk], sem
            ).wait()

    def extract(lanes_vec, half, buf):
        for kk in range(CHUNK):
            lane = lanes_vec[half * CHUNK + kk]
            for dd in range(EMBEDDING_DIM // LANES):
                rows = lax.iota(jnp.int32, LANES) + dd * LANES
                vals = plsc.load_gather(
                    buf,
                    [jnp.full((LANES,), kk, jnp.int32),
                     rows,
                     jnp.broadcast_to(lane, (LANES,))],
                )
                rows_v[kk, pl.ds(dd * LANES, LANES)] = vals

    for r in range(NRING):
        fire_chunk(r, bufs[r], sems[r])

    def process(c, buf, sem, refire_c):
        _, lanes_vec = chunk_cols_lanes(c)
        drain(buf, sem)
        extract(lanes_vec, 0, buf)
        off = pl.multiple_of(base + c * CHUNK, 8)
        pltpu.sync_copy(rows_v, out.at[pl.ds(off, CHUNK)])

        @pl.when(refire_c < NCHUNK)
        def _():
            fire_chunk(refire_c, buf, sem)

    def body(p, carry):
        for r in range(NRING):
            c = p * NRING + r
            process(c, bufs[r], sems[r], c + NRING)
        return carry

    lax.fori_loop(0, NTRIP, body, 0)
    for r in range(NTAIL):
        c = NTRIP * NRING + r
        process(c, bufs[r], sems[r], jnp.int32(NCHUNK))


def kernel(x, weight):
    return _emb_lookup(weight.T, x.astype(jnp.int32))

# --- scband reference (transcript-rebuilt; emitter-appended) ---
"""Pipeline reference for scband-embedding-50611894616718 (READ-ONLY COPY).

The authoritative reference and input builder live on the scoring server;
editing this copy changes nothing except your own understanding.
"""

import jax, jax.numpy as jnp
import numpy as np

NUM_EMBEDDINGS = 1000000
EMBEDDING_DIM = 32
BATCH = 16384


def setup_inputs(seed: int = 0) -> dict:
    key = jax.random.key(seed)
    k_idx, k_w = jax.random.split(key, 2)
    x = jax.random.randint(k_idx, (BATCH,), 0, NUM_EMBEDDINGS, dtype=jnp.int64 if jax.config.jax_enable_x64 else jnp.int32)
    # Learned embedding table, init ~ normal(stddev=0.02) as in the original module.
    weight = jax.random.normal(k_w, (NUM_EMBEDDINGS, EMBEDDING_DIM), dtype=jnp.float32) * 0.02
    return {"x": x, "weight": weight}


def reference(x, weight):
    # Original module: Embedding()(scalar) -> weight[x]; called per-token (vmapped over the batch).
    # Vectorized faithful equivalent: row gather from the embedding table.
    return jnp.take(weight, x, axis=0)

if __name__ == "__main__":
    import jax
    _d = setup_inputs()
    print(jax.jit(kernel)(*tuple(_d.values())))

</pallas_src>

<mosaic_0001>
#map = affine_map<(d0, d1) -> (0, 0)>
#map1 = affine_map<(d0, d1) -> (0)>
module attributes {stable_mosaic.version = 14 : i64} {
  func.func @_emb_lookup(%arg0: i32, %arg1: i32, %arg2: memref<32x1000000xf32, #tpu.memory_space<hbm>>, %arg3: memref<16384xi32, #tpu.memory_space<hbm>>, %arg4: memref<16384x32xf32, #tpu.memory_space<hbm>>, %arg5: memref<528xi32, #tpu.memory_space<vmem>>, %arg6: memref<8x32x128xf32, #tpu.memory_space<vmem>>, %arg7: memref<8x32x128xf32, #tpu.memory_space<vmem>>, %arg8: memref<8x32x128xf32, #tpu.memory_space<vmem>>, %arg9: memref<8x32xf32, #tpu.memory_space<vmem>>, %arg10: memref<!tpu.dma_semaphore, #tpu.memory_space<semaphore_mem>>, %arg11: memref<!tpu.dma_semaphore, #tpu.memory_space<semaphore_mem>>, %arg12: memref<!tpu.dma_semaphore, #tpu.memory_space<semaphore_mem>>) attributes {dimension_semantics = [#tpu.dimension_semantics<core_parallel>, #tpu.dimension_semantics<subcore_parallel>], iteration_bounds = array<i64: 2, 16>, scalar_prefetch = 0 : i64, scratch_operands = 8 : i64, tpu.core_type = #tpu.core_type<sc_vector_subcore>, window_params = [{transform_indices = #map}, {transform_indices = #map1}, {transform_indices = #map}]} {
    %mul3A = arith.constant 2 : i32
    %mul3A_0 = arith.muli %arg1, %mul3A : i32
    %add3A = arith.addi %mul3A_0, %arg0 : i32
    %mul3A_1 = arith.constant 512 : i32
    %mul3A_2 = arith.muli %add3A, %mul3A_1 : i32
    "tpu.region"() ({
      %run_scoped3A = tpu.sem_alloc : memref<!tpu.dma_semaphore, #tpu.memory_space<semaphore_mem>>
      %dma_start3A_759 = arith.constant 0 : i32
      %dma_start3A_760 = tpu.memref_slice %arg5[%dma_start3A_759] : memref<528xi32, #tpu.memory_space<vmem>> -> memref<512xi32, #tpu.memory_space<vmem>>
      %dma_start3A_761 = tpu.memref_slice %arg3[%mul3A_2] : memref<16384xi32, #tpu.memory_space<hbm>> -> memref<512xi32, #tpu.memory_space<hbm>>
      %dma_start3A_762 = arith.constant 0 : i32
      %dma_start3A_763 = tpu.memref_slice %arg5[%dma_start3A_762] : memref<528xi32, #tpu.memory_space<vmem>> -> memref<512xi32, #tpu.memory_space<vmem>>
      %dma_start3A_764 = tpu.memref_slice %arg3[%mul3A_2] : memref<16384xi32, #tpu.memory_space<hbm>> -> memref<512xi32, #tpu.memory_space<hbm>>
      tpu.enqueue_dma source(%dma_start3A_764 : memref<512xi32, #tpu.memory_space<hbm>>) target(%dma_start3A_763 : memref<512xi32, #tpu.memory_space<vmem>>) target_semaphore(%run_scoped3A : memref<!tpu.dma_semaphore, #tpu.memory_space<semaphore_mem>>)
      %dma_wait3A_765 = arith.constant 0 : i32
      %dma_wait3A_766 = tpu.memref_slice %arg5[%dma_wait3A_765] : memref<528xi32, #tpu.memory_space<vmem>> -> memref<512xi32, #tpu.memory_space<vmem>>
      %dma_wait3A_767 = tpu.memref_slice %arg3[%mul3A_2] : memref<16384xi32, #tpu.memory_space<hbm>> -> memref<512xi32, #tpu.memory_space<hbm>>
      %dma_wait3A_768 = arith.constant 0 : i32
      %dma_wait3A_769 = tpu.memref_slice %arg5[%dma_wait3A_768] : memref<528xi32, #tpu.memory_space<vmem>> -> memref<512xi32, #tpu.memory_space<vmem>>
      %dma_wait3A_770 = tpu.memref_slice %arg3[%mul3A_2] : memref<16384xi32, #tpu.memory_space<hbm>> -> memref<512xi32, #tpu.memory_space<hbm>>
      tpu.wait_dma2 semaphore(%run_scoped3A : memref<!tpu.dma_semaphore, #tpu.memory_space<semaphore_mem>>) src(%dma_wait3A_770 : memref<512xi32, #tpu.memory_space<hbm>>) dst(%dma_wait3A_769 : memref<512xi32, #tpu.memory_space<vmem>>)
      tpu.yield
    }) : () -> ()
    %get3A = arith.constant 0 : index
    %get3A_3 = tpu.vector_load %arg5[%get3A] {strides = array<i32>} : memref<528xi32, #tpu.memory_space<vmem>>, vector<16xi32>,
    %shift_right_logical3A = arith.constant 7 : i32
    %shift_right_logical3A_4 = vector.broadcast %shift_right_logical3A : i32 to vector<16xi32>
    %shift_right_logical3A_5 = arith.shrui %get3A_3, %shift_right_logical3A_4 : vector<16xi32>
    %mul3A_6 = arith.constant 128 : i32
    %mul3A_7 = vector.broadcast %mul3A_6 : i32 to vector<16xi32>
    %mul3A_8 = arith.muli %shift_right_logical3A_5, %mul3A_7 : vector<16xi32>
    %and3A = arith.constant 127 : i32
    %and3A_9 = vector.broadcast %and3A : i32 to vector<16xi32>
    %and3A_10 = arith.andi %get3A_3, %and3A_9 : vector<16xi32>
    %slice3A = vector.extract_strided_slice %mul3A_8 {offsets = [0], sizes = [1], strides = [1]} : vector<16xi32> to vector<1xi32>
    %squeeze3A = vector.extract %slice3A[0] : i32 from vector<1xi32>
    %multiple_of3A = tpu.assume_multiple %squeeze3A, 128 : i32
    %dma_start3A = arith.constant 0 : i32
    %dma_start3A_11 = arith.constant 0 : i32
    %dma_start3A_12 = arith.constant 0 : i32
    %dma_start3A_13 = tpu.memref_slice %arg6[%dma_start3A, %dma_start3A_11, %dma_start3A_12] : memref<8x32x128xf32, #tpu.memory_space<vmem>> -> memref<1x32x128xf32, #tpu.memory_space<vmem>>
    %dma_start3A_14 = tpu.memref_squeeze %dma_start3A_13 : memref<1x32x128xf32, #tpu.memory_space<vmem>> -> memref<32x128xf32, #tpu.memory_space<vmem>>
    %dma_start3A_15 = arith.constant 0 : i32
    %dma_start3A_16 = tpu.memref_slice %arg2[%dma_start3A_15, %multiple_of3A] : memref<32x1000000xf32, #tpu.memory_space<hbm>> -> memref<32x128xf32, #tpu.memory_space<hbm>>
    %dma_start3A_17 = arith.constant 0 : i32
    %dma_start3A_18 = arith.constant 0 : i32
    %dma_start3A_19 = tpu.memref_slice %arg6[%dma_start3A, %dma_start3A_17, %dma_start3A_18] : memref<8x32x128xf32, #tpu.memory_space<vmem>> -> memref<1x32x128xf32, #tpu.memory_space<vmem>>
    %dma_start3A_20 = tpu.memref_squeeze %dma_start3A_19 : memref<1x32x128xf32, #tpu.memory_space<vmem>> -> memref<32x128xf32, #tpu.memory_space<vmem>>
    %dma_start3A_21 = arith.constant 0 : i32
    %dma_start3A_22 = tpu.memref_slice %arg2[%dma_start3A_21, %multiple_of3A] : memref<32x1000000xf32, #tpu.memory_space<hbm>> -> memref<32x128xf32, #tpu.memory_space<hbm>>
    tpu.enqueue_dma source(%dma_start3A_22 : memref<32x128xf32, #tpu.memory_space<hbm>>) target(%dma_start3A_20 : memref<32x128xf32, #tpu.memory_space<vmem>>) target_semaphore(%arg10 : memref<!tpu.dma_semaphore, #tpu.memory_space<semaphore_mem>>)
    %slice3A_23 = vector.extract_strided_slice %mul3A_8 {offsets = [1], sizes = [1], strides = [1]} : vector<16xi32> to vector<1xi32>
    %squeeze3A_24 = vector.extract %slice3A_23[0] : i32 from vector<1xi32>
    %multiple_of3A_25 = tpu.assume_multiple %squeeze3A_24, 128 : i32
    %dma_start3A_26 = arith.constant 1 : i32
    %dma_start3A_27 = arith.constant 0 : i32
    %dma_start3A_28 = arith.constant 0 : i32
    %dma_start3A_29 = tpu.memref_slice %arg6[%dma_start3A_26, %dma_start3A_27, %dma_start3A_28] : memref<8x32x128xf32, #tpu.memory_space<vmem>> -> memref<1x32x128xf32, #tpu.memory_space<vmem>>
    %dma_start3A_30 = tpu.memref_squeeze %dma_start3A_29 : memref<1x32x128xf32, #tpu.memory_space<vmem>> -> memref<32x128xf32, #tpu.memory_space<vmem>>
    %dma_start3A_31 = arith.constant 0 : i32
    %dma_start3A_32 = tpu.memref_slice %arg2[%dma_start3A_31, %multiple_of3A_25] : memref<32x1000000xf32, #tpu.memory_space<hbm>> -> memref<32x128xf32, #tpu.memory_space<hbm>>
    %dma_start3A_33 = arith.constant 0 : i32
    %dma_start3A_34 = arith.constant 0 : i32
    %dma_start3A_35 = tpu.memref_slice %arg6[%dma_start3A_26, %dma_start3A_33, %dma_start3A_34] : memref<8x32x128xf32, #tpu.memory_space<vmem>> -> memref<1x32x128xf32, #tpu.memory_space<vmem>>
    %dma_start3A_36 = tpu.memref_squeeze %dma_start3A_35 : memref<1x32x128xf32, #tpu.memory_space<vmem>> -> memref<32x128xf32, #tpu.memory_space<vmem>>
    %dma_start3A_37 = arith.constant 0 : i32
    %dma_start3A_38 = tpu.memref_slice %arg2[%dma_start3A_37, %multiple_of3A_25] : memref<32x1000000xf32, #tpu.memory_space<hbm>> -> memref<32x128xf32, #tpu.memory_space<hbm>>
    tpu.enqueue_dma source(%dma_start3A_38 : memref<32x128xf32, #tpu.memory_space<hbm>>) target(%dma_start3A_36 : memref<32x128xf32, #tpu.memory_space<vmem>>) target_semaphore(%arg10 : memref<!tpu.dma_semaphore, #tpu.memory_space<semaphore_mem>>)
    %slice3A_39 = vector.extract_strided_slice %mul3A_8 {offsets = [2], sizes = [1], strides = [1]} : vector<16xi32> to vector<1xi32>
    %squeeze3A_40 = vector.extract %slice3A_39[0] : i32 from vector<1xi32>
    %multiple_of3A_41 = tpu.assume_multiple %squeeze3A_40, 128 : i32
    %dma_start3A_42 = arith.constant 2 : i32
    %dma_start3A_43 = arith.constant 0 : i32
    %dma_start3A_44 = arith.constant 0 : i32
    %dma_start3A_45 = tpu.memref_slice %arg6[%dma_start3A_42, %dma_start3A_43, %dma_start3A_44] : memref<8x32x128xf32, #tpu.memory_space<vmem>> -> memref<1x32x128xf32, #tpu.memory_space<vmem>>
    %dma_start3A_46 = tpu.memref_squeeze %dma_start3A_45 : memref<1x32x128xf32, #tpu.memory_space<vmem>> -> memref<32x128xf32, #tpu.memory_space<vmem>>
    %dma_start3A_47 = arith.constant 0 : i32
    %dma_start3A_48 = tpu.memref_slice %arg2[%dma_start3A_47, %multiple_of3A_41] : memref<32x1000000xf32, #tpu.memory_space<hbm>> -> memref<32x128xf32, #tpu.memory_space<hbm>>
    %dma_start3A_49 = arith.constant 0 : i32
    %dma_start3A_50 = arith.constant 0 : i32
    %dma_start3A_51 = tpu.memref_slice %arg6[%dma_start3A_42, %dma_start3A_49, %dma_start3A_50] : memref<8x32x128xf32, #tpu.memory_space<vmem>> -> memref<1x32x128xf32, #tpu.memory_space<vmem>>
    %dma_start3A_52 = tpu.memref_squeeze %dma_start3A_51 : memref<1x32x128xf32, #tpu.memory_space<vmem>> -> memref<32x128xf32, #tpu.memory_space<vmem>>
    %dma_start3A_53 = arith.constant 0 : i32
    %dma_start3A_54 = tpu.memref_slice %arg2[%dma_start3A_53, %multiple_of3A_41] : memref<32x1000000xf32, #tpu.memory_space<hbm>> -> memref<32x128xf32, #tpu.memory_space<hbm>>
    tpu.enqueue_dma source(%dma_start3A_54 : memref<32x128xf32, #tpu.memory_space<hbm>>) target(%dma_start3A_52 : memref<32x128xf32, #tpu.memory_space<vmem>>) target_semaphore(%arg10 : memref<!tpu.dma_semaphore, #tpu.memory_space<semaphore_mem>>)
    %slice3A_55 = vector.extract_strided_slice %mul3A_8 {offsets = [3], sizes = [1], strides = [1]} : vector<16xi32> to vector<1xi32>
    %squeeze3A_56 = vector.extract %slice3A_55[0] : i32 from vector<1xi32>
    %multiple_of3A_57 = tpu.assume_multiple %squeeze3A_56, 128 : i32
    %dma_start3A_58 = arith.constant 3 : i32
    %dma_start3A_59 = arith.constant 0 : i32
    %dma_start3A_60 = arith.constant 0 : i32
    %dma_start3A_61 = tpu.memref_slice %arg6[%dma_start3A_58, %dma_start3A_59, %dma_start3A_60] : memref<8x32x128xf32, #tpu.memory_space<vmem>> -> memref<1x32x128xf32, #tpu.memory_space<vmem>>
    %dma_start3A_62 = tpu.memref_squeeze %dma_start3A_61 : memref<1x32x128xf32, #tpu.memory_space<vmem>> -> memref<32x128xf32, #tpu.memory_space<vmem>>
    %dma_start3A_63 = arith.constant 0 : i32
    %dma_start3A_64 = tpu.memref_slice %arg2[%dma_start3A_63, %multiple_of3A_57] : memref<32x1000000xf32, #tpu.memory_space<hbm>> -> memref<32x128xf32, #tpu.memory_space<hbm>>
    %dma_start3A_65 = arith.constant 0 : i32
    %dma_start3A_66 = arith.constant 0 : i32
    %dma_start3A_67 = tpu.memref_slice %arg6[%dma_start3A_58, %dma_start3A_65, %dma_start3A_66] : memref<8x32x128xf32, #tpu.memory_space<vmem>> -> memref<1x32x128xf32, #tpu.memory_space<vmem>>
    %dma_start3A_68 = tpu.memref_squeeze %dma_start3A_67 : memref<1x32x128xf32, #tpu.memory_space<vmem>> -> memref<32x128xf32, #tpu.memory_space<vmem>>
    %dma_start3A_69 = arith.constant 0 : i32
    %dma_start3A_70 = tpu.memref_slice %arg2[%dma_start3A_69, %multiple_of3A_57] : memref<32x1000000xf32, #tpu.memory_space<hbm>> -> memref<32x128xf32, #tpu.memory_space<hbm>>
    tpu.enqueue_dma source(%dma_start3A_70 : memref<32x128xf32, #tpu.memory_space<hbm>>) target(%dma_start3A_68 : memref<32x128xf32, #tpu.memory_space<vmem>>) target_semaphore(%arg10 : memref<!tpu.dma_semaphore, #tpu.memory_space<semaphore_mem>>)
    %slice3A_71 = vector.extract_strided_slice %mul3A_8 {offsets = [4], sizes = [1], strides = [1]} : vector<16xi32> to vector<1xi32>
    %squeeze3A_72 = vector.extract %slice3A_71[0] : i32 from vector<1xi32>
    %multiple_of3A_73 = tpu.assume_multiple %squeeze3A_72, 128 : i32
    %dma_start3A_74 = arith.constant 4 : i32
    %dma_start3A_75 = arith.constant 0 : i32
    %dma_start3A_76 = arith.constant 0 : i32
    %dma_start3A_77 = tpu.memref_slice %arg6[%dma_start3A_74, %dma_start3A_75, %dma_start3A_76] : memref<8x32x128xf32, #tpu.memory_space<vmem>> -> memref<1x32x128xf32, #tpu.memory_space<vmem>>
    %dma_start3A_78 = tpu.memref_squeeze %dma_start3A_77 : memref<1x32x128xf32, #tpu.memory_space<vmem>> -> memref<32x128xf32, #tpu.memory_space<vmem>>
    %dma_start3A_79 = arith.constant 0 : i32
    %dma_start3A_80 = tpu.memref_slice %arg2[%dma_start3A_79, %multiple_of3A_73] : memref<32x1000000xf32, #tpu.memory_space<hbm>> -> memref<32x128xf32, #tpu.memory_space<hbm>>
    %dma_start3A_81 = arith.constant 0 : i32
    %dma_start3A_82 = arith.constant 0 : i32
    %dma_start3A_83 = tpu.memref_slice %arg6[%dma_start3A_74, %dma_start3A_81, %dma_start3A_82] : memref<8x32x128xf32, #tpu.memory_space<vmem>> -> memref<1x32x128xf32, #tpu.memory_space<vmem>>
    %dma_start3A_84 = tpu.memref_squeeze %dma_start3A_83 : memref<1x32x128xf32, #tpu.memory_space<vmem>> -> memref<32x128xf32, #tpu.memory_space<vmem>>
    %dma_start3A_85 = arith.constant 0 : i32
    %dma_start3A_86 = tpu.memref_slice %arg2[%dma_start3A_85, %multiple_of3A_73] : memref<32x1000000xf32, #tpu.memory_space<hbm>> -> memref<32x128xf32, #tpu.memory_space<hbm>>
    tpu.enqueue_dma source(%dma_start3A_86 : memref<32x128xf32, #tpu.memory_space<hbm>>) target(%dma_start3A_84 : memref<32x128xf32, #tpu.memory_space<vmem>>) target_semaphore(%arg10 : memref<!tpu.dma_semaphore, #tpu.memory_space<semaphore_mem>>)
    %slice3A_87 = vector.extract_strided_slice %mul3A_8 {offsets = [5], sizes = [1], strides = [1]} : vector<16xi32> to vector<1xi32>
    %squeeze3A_88 = vector.extract %slice3A_87[0] : i32 from vector<1xi32>
    %multiple_of3A_89 = tpu.assume_multiple %squeeze3A_88, 128 : i32
    %dma_start3A_90 = arith.constant 5 : i32
    %dma_start3A_91 = arith.constant 0 : i32
    %dma_start3A_92 = arith.constant 0 : i32
    %dma_start3A_93 = tpu.memref_slice %arg6[%dma_start3A_90, %dma_start3A_91, %dma_start3A_92] : memref<8x32x128xf32, #tpu.memory_space<vmem>> -> memref<1x32x128xf32, #tpu.memory_space<vmem>>
    %dma_start3A_94 = tpu.memref_squeeze %dma_start3A_93 : memref<1x32x128xf32, #tpu.memory_space<vmem>> -> memref<32x128xf32, #tpu.memory_space<vmem>>
    %dma_start3A_95 = arith.constant 0 : i32
    %dma_start3A_96 = tpu.memref_slice %arg2[%dma_start3A_95, %multiple_of3A_89] : memref<32x1000000xf32, #tpu.memory_space<hbm>> -> memref<32x128xf32, #tpu.memory_space<hbm>>
    %dma_start3A_97 = arith.constant 0 : i32
    %dma_start3A_98 = arith.constant 0 : i32
    %dma_start3A_99 = tpu.memref_slice %arg6[%dma_start3A_90, %dma_start3A_97, %dma_start3A_98] : memref<8x32x128xf32, #tpu.memory_space<vmem>> -> memref<1x32x128xf32, #tpu.memory_space<vmem>>
    %dma_start3A_100 = tpu.memref_squeeze %dma_start3A_99 : memref<1x32x128xf32, #tpu.memory_space<vmem>> -> memref<32x128xf32, #tpu.memory_space<vmem>>
    %dma_start3A_101 = arith.constant 0 : i32
    %dma_start3A_102 = tpu.memref_slice %arg2[%dma_start3A_101, %multiple_of3A_89] : memref<32x1000000xf32, #tpu.memory_space<hbm>> -> memref<32x128xf32, #tpu.memory_space<hbm>>
    tpu.enqueue_dma source(%dma_start3A_102 : memref<32x128xf32, #tpu.memory_space<hbm>>) target(%dma_start3A_100 : memref<32x128xf32, #tpu.memory_space<vmem>>) target_semaphore(%arg10 : memref<!tpu.dma_semaphore, #tpu.memory_space<semaphore_mem>>)
    %slice3A_103 = vector.extract_strided_slice %mul3A_8 {offsets = [6], sizes = [1], strides = [1]} : vector<16xi32> to vector<1xi32>
    %squeeze3A_104 = vector.extract %slice3A_103[0] : i32 from vector<1xi32>
    %multiple_of3A_105 = tpu.assume_multiple %squeeze3A_104, 128 : i32
    %dma_start3A_106 = arith.constant 6 : i32
    %dma_start3A_107 = arith.constant 0 : i32
    %dma_start3A_108 = arith.constant 0 : i32
    %dma_start3A_109 = tpu.memref_slice %arg6[%dma_start3A_106, %dma_start3A_107, %dma_start3A_108] : memref<8x32x128xf32, #tpu.memory_space<vmem>> -> memref<1x32x128xf32, #tpu.memory_space<vmem>>
    %dma_start3A_110 = tpu.memref_squeeze %dma_start3A_109 : memref<1x32x128xf32, #tpu.memory_space<vmem>> -> memref<32x128xf32, #tpu.memory_space<vmem>>
    %dma_start3A_111 = arith.constant 0 : i32
    %dma_start3A_112 = tpu.memref_slice %arg2[%dma_start3A_111, %multiple_of3A_105] : memref<32x1000000xf32, #tpu.memory_space<hbm>> -> memref<32x128xf32, #tpu.memory_space<hbm>>
    %dma_start3A_113 = arith.constant 0 : i32
    %dma_start3A_114 = arith.constant 0 : i32
    %dma_start3A_115 = tpu.memref_slice %arg6[%dma_start3A_106, %dma_start3A_113, %dma_start3A_114] : memref<8x32x128xf32, #tpu.memory_space<vmem>> -> memref<1x32x128xf32, #tpu.memory_space<vmem>>
    %dma_start3A_116 = tpu.memref_squeeze %dma_start3A_115 : memref<1x32x128xf32, #tpu.memory_space<vmem>> -> memref<32x128xf32, #tpu.memory_space<vmem>>
    %dma_start3A_117 = arith.constant 0 : i32
    %dma_start3A_118 = tpu.memref_slice %arg2[%dma_start3A_117, %multiple_of3A_105] : memref<32x1000000xf32, #tpu.memory_space<hbm>> -> memref<32x128xf32, #tpu.memory_space<hbm>>
    tpu.enqueue_dma source(%dma_start3A_118 : memref<32x128xf32, #tpu.memory_space<hbm>>) target(%dma_start3A_116 : memref<32x128xf32, #tpu.memory_space<vmem>>) target_semaphore(%arg10 : memref<!tpu.dma_semaphore, #tpu.memory_space<semaphore_mem>>)
    %slice3A_119 = vector.extract_strided_slice %mul3A_8 {offsets = [7], sizes = [1], strides = [1]} : vector<16xi32> to vector<1xi32>
    %squeeze3A_120 = vector.extract %slice3A_119[0] : i32 from vector<1xi32>
    %multiple_of3A_121 = tpu.assume_multiple %squeeze3A_120, 128 : i32
    %dma_start3A_122 = arith.constant 7 : i32
    %dma_start3A_123 = arith.constant 0 : i32
    %dma_start3A_124 = arith.constant 0 : i32
    %dma_start3A_125 = tpu.memref_slice %arg6[%dma_start3A_122, %dma_start3A_123, %dma_start3A_124] : memref<8x32x128xf32, #tpu.memory_space<vmem>> -> memref<1x32x128xf32, #tpu.memory_space<vmem>>
    %dma_start3A_126 = tpu.memref_squeeze %dma_start3A_125 : memref<1x32x128xf32, #tpu.memory_space<vmem>> -> memref<32x128xf32, #tpu.memory_space<vmem>>
    %dma_start3A_127 = arith.constant 0 : i32
    %dma_start3A_128 = tpu.memref_slice %arg2[%dma_start3A_127, %multiple_of3A_121] : memref<32x1000000xf32, #tpu.memory_space<hbm>> -> memref<32x128xf32, #tpu.memory_space<hbm>>
    %dma_start3A_129 = arith.constant 0 : i32
    %dma_start3A_130 = arith.constant 0 : i32
    %dma_start3A_131 = tpu.memref_slice %arg6[%dma_start3A_122, %dma_start3A_129, %dma_start3A_130] : memref<8x32x128xf32, #tpu.memory_space<vmem>> -> memref<1x32x128xf32, #tpu.memory_space<vmem>>
    %dma_start3A_132 = tpu.memref_squeeze %dma_start3A_131 : memref<1x32x128xf32, #tpu.memory_space<vmem>> -> memref<32x128xf32, #tpu.memory_space<vmem>>
    %dma_start3A_133 = arith.constant 0 : i32
    %dma_start3A_134 = tpu.memref_slice %arg2[%dma_start3A_133, %multiple_of3A_121] : memref<32x1000000xf32, #tpu.memory_space<hbm>> -> memref<32x128xf32, #tpu.memory_space<hbm>>
    tpu.enqueue_dma source(%dma_start3A_134 : memref<32x128xf32, #tpu.memory_space<hbm>>) target(%dma_start3A_132 : memref<32x128xf32, #tpu.memory_space<vmem>>) target_semaphore(%arg10 : memref<!tpu.dma_semaphore, #tpu.memory_space<semaphore_mem>>)
    %get3A_135 = arith.constant 8 : index
    %get3A_136 = tpu.vector_load %arg5[%get3A_135] {strides = array<i32>} : memref<528xi32, #tpu.memory_space<vmem>>, vector<16xi32>,
    %shift_right_logical3A_137 = arith.constant 7 : i32
    %shift_right_logical3A_138 = vector.broadcast %shift_right_logical3A_137 : i32 to vector<16xi32>
    %shift_right_logical3A_139 = arith.shrui %get3A_136, %shift_right_logical3A_138 : vector<16xi32>
    %mul3A_140 = arith.constant 128 : i32
    %mul3A_141 = vector.broadcast %mul3A_140 : i32 to vector<16xi32>
    %mul3A_142 = arith.muli %shift_right_logical3A_139, %mul3A_141 : vector<16xi32>
    %and3A_143 = arith.constant 127 : i32
    %and3A_144 = vector.broadcast %and3A_143 : i32 to vector<16xi32>
    %and3A_145 = arith.andi %get3A_136, %and3A_144 : vector<16xi32>
    %slice3A_146 = vector.extract_strided_slice %mul3A_142 {offsets = [0], sizes = [1], strides = [1]} : vector<16xi32> to vector<1xi32>
    %squeeze3A_147 = vector.extract %slice3A_146[0] : i32 from vector<1xi32>
    %multiple_of3A_148 = tpu.assume_multiple %squeeze3A_147, 128 : i32
    %dma_start3A_149 = arith.constant 0 : i32
    %dma_start3A_150 = arith.constant 0 : i32
    %dma_start3A_151 = arith.constant 0 : i32
    %dma_start3A_152 = tpu.memref_slice %arg7[%dma_start3A_149, %dma_start3A_150, %dma_start3A_151] : memref<8x32x128xf32, #tpu.memory_space<vmem>> -> memref<1x32x128xf32, #tpu.memory_space<vmem>>
    %dma_start3A_153 = tpu.memref_squeeze %dma_start3A_152 : memref<1x32x128xf32, #tpu.memory_space<vmem>> -> memref<32x128xf32, #tpu.memory_space<vmem>>
    %dma_start3A_154 = arith.constant 0 : i32
    %dma_start3A_155 = tpu.memref_slice %arg2[%dma_start3A_154, %multiple_of3A_148] : memref<32x1000000xf32, #tpu.memory_space<hbm>> -> memref<32x128xf32, #tpu.memory_space<hbm>>
    %dma_start3A_156 = arith.constant 0 : i32
    %dma_start3A_157 = arith.constant 0 : i32
    %dma_start3A_158 = tpu.memref_slice %arg7[%dma_start3A_149, %dma_start3A_156, %dma_start3A_157] : memref<8x32x128xf32, #tpu.memory_space<vmem>> -> memref<1x32x128xf32, #tpu.memory_space<vmem>>
    %dma_start3A_159 = tpu.memref_squeeze %dma_start3A_158 : memref<1x32x128xf32, #tpu.memory_space<vmem>> -> memref<32x128xf32, #tpu.memory_space<vmem>>
    %dma_start3A_160 = arith.constant 0 : i32
    %dma_start3A_161 = tpu.memref_slice %arg2[%dma_start3A_160, %multiple_of3A_148] : memref<32x1000000xf32, #tpu.memory_space<hbm>> -> memref<32x128xf32, #tpu.memory_space<hbm>>
    tpu.enqueue_dma source(%dma_start3A_161 : memref<32x128xf32, #tpu.memory_space<hbm>>) target(%dma_start3A_159 : memref<32x128xf32, #tpu.memory_space<vmem>>) target_semaphore(%arg11 : memref<!tpu.dma_semaphore, #tpu.memory_space<semaphore_mem>>)
    %slice3A_162 = vector.extract_strided_slice %mul3A_142 {offsets = [1], sizes = [1], strides = [1]} : vector<16xi32> to vector<1xi32>
    %squeeze3A_163 = vector.extract %slice3A_162[0] : i32 from vector<1xi32>
    %multiple_of3A_164 = tpu.assume_multiple %squeeze3A_163, 128 : i32
    %dma_start3A_165 = arith.constant 1 : i32
    %dma_start3A_166 = arith.constant 0 : i32
    %dma_start3A_167 = arith.constant 0 : i32
    %dma_start3A_168 = tpu.memref_slice %arg7[%dma_start3A_165, %dma_start3A_166, %dma_start3A_167] : memref<8x32x128xf32, #tpu.memory_space<vmem>> -> memref<1x32x128xf32, #tpu.memory_space<vmem>>
    %dma_start3A_169 = tpu.memref_squeeze %dma_start3A_168 : memref<1x32x128xf32, #tpu.memory_space<vmem>> -> memref<32x128xf32, #tpu.memory_space<vmem>>
    %dma_start3A_170 = arith.constant 0 : i32
    %dma_start3A_171 = tpu.memref_slice %arg2[%dma_start3A_170, %multiple_of3A_164] : memref<32x1000000xf32, #tpu.memory_space<hbm>> -> memref<32x128xf32, #tpu.memory_space<hbm>>
    %dma_start3A_172 = arith.constant 0 : i32
    %dma_start3A_173 = arith.constant 0 : i32
    %dma_start3A_174 = tpu.memref_slice %arg7[%dma_start3A_165, %dma_start3A_172, %dma_start3A_173] : memref<8x32x128xf32, #tpu.memory_space<vmem>> -> memref<1x32x128xf32, #tpu.memory_space<vmem>>
    %dma_start3A_175 = tpu.memref_squeeze %dma_start3A_174 : memref<1x32x128xf32, #tpu.memory_space<vmem>> -> memref<32x128xf32, #tpu.memory_space<vmem>>
    %dma_start3A_176 = arith.constant 0 : i32
    %dma_start3A_177 = tpu.memref_slice %arg2[%dma_start3A_176, %multiple_of3A_164] : memref<32x1000000xf32, #tpu.memory_space<hbm>> -> memref<32x128xf32, #tpu.memory_space<hbm>>
    tpu.enqueue_dma source(%dma_start3A_177 : memref<32x128xf32, #tpu.memory_space<hbm>>) target(%dma_start3A_175 : memref<32x128xf32, #tpu.memory_space<vmem>>) target_semaphore(%arg11 : memref<!tpu.dma_semaphore, #tpu.memory_space<semaphore_mem>>)
    %slice3A_178 = vector.extract_strided_slice %mul3A_142 {offsets = [2], sizes = [1], strides = [1]} : vector<16xi32> to vector<1xi32>
    %squeeze3A_179 = vector.extract %slice3A_178[0] : i32 from vector<1xi32>
    %multiple_of3A_180 = tpu.assume_multiple %squeeze3A_179, 128 : i32
    %dma_start3A_181 = arith.constant 2 : i32
    %dma_start3A_182 = arith.constant 0 : i32
    %dma_start3A_183 = arith.constant 0 : i32
    %dma_start3A_184 = tpu.memref_slice %arg7[%dma_start3A_181, %dma_start3A_182, %dma_start3A_183] : memref<8x32x128xf32, #tpu.memory_space<vmem>> -> memref<1x32x128xf32, #tpu.memory_space<vmem>>
    %dma_start3A_185 = tpu.memref_squeeze %dma_start3A_184 : memref<1x32x128xf32, #tpu.memory_space<vmem>> -> memref<32x128xf32, #tpu.memory_space<vmem>>
    %dma_start3A_186 = arith.constant 0 : i32
    %dma_start3A_187 = tpu.memref_slice %arg2[%dma_start3A_186, %multiple_of3A_180] : memref<32x1000000xf32, #tpu.memory_space<hbm>> -> memref<32x128xf32, #tpu.memory_space<hbm>>
    %dma_start3A_188 = arith.constant 0 : i32
    %dma_start3A_189 = arith.constant 0 : i32
    %dma_start3A_190 = tpu.memref_slice %arg7[%dma_start3A_181, %dma_start3A_188, %dma_start3A_189] : memref<8x32x128xf32, #tpu.memory_space<vmem>> -> memref<1x32x128xf32, #tpu.memory_space<vmem>>
    %dma_start3A_191 = tpu.memref_squeeze %dma_start3A_190 : memref<1x32x128xf32, #tpu.memory_space<vmem>> -> memref<32x128xf32, #tpu.memory_space<vmem>>
    %dma_start3A_192 = arith.constant 0 : i32
    %dma_start3A_193 = tpu.memref_slice %arg2[%dma_start3A_192, %multiple_of3A_180] : memref<32x1000000xf32, #tpu.memory_space<hbm>> -> memref<32x128xf32, #tpu.memory_space<hbm>>
    tpu.enqueue_dma source(%dma_start3A_193 : memref<32x128xf32, #tpu.memory_space<hbm>>) target(%dma_start3A_191 : memref<32x128xf32, #tpu.memory_space<vmem>>) target_semaphore(%arg11 : memref<!tpu.dma_semaphore, #tpu.memory_space<semaphore_mem>>)
    %slice3A_194 = vector.extract_strided_slice %mul3A_142 {offsets = [3], sizes = [1], strides = [1]} : vector<16xi32> to vector<1xi32>
    %squeeze3A_195 = vector.extract %slice3A_194[0] : i32 from vector<1xi32>
    %multiple_of3A_196 = tpu.assume_multiple %squeeze3A_195, 128 : i32
    %dma_start3A_197 = arith.constant 3 : i32
    %dma_start3A_198 = arith.constant 0 : i32
    %dma_start3A_199 = arith.constant 0 : i32
    %dma_start3A_200 = tpu.memref_slice %arg7[%dma_start3A_197, %dma_start3A_198, %dma_start3A_199] : memref<8x32x128xf32, #tpu.memory_space<vmem>> -> memref<1x32x128xf32, #tpu.memory_space<vmem>>
    %dma_start3A_201 = tpu.memref_squeeze %dma_start3A_200 : memref<1x32x128xf32, #tpu.memory_space<vmem>> -> memref<32x128xf32, #tpu.memory_space<vmem>>
    %dma_start3A_202 = arith.constant 0 : i32
    %dma_start3A_203 = tpu.memref_slice %arg2[%dma_start3A_202, %multiple_of3A_196] : memref<32x1000000xf32, #tpu.memory_space<hbm>> -> memref<32x128xf32, #tpu.memory_space<hbm>>
    %dma_start3A_204 = arith.constant 0 : i32
    %dma_start3A_205 = arith.constant 0 : i32
    %dma_start3A_206 = tpu.memref_slice %arg7[%dma_start3A_197, %dma_start3A_204, %dma_start3A_205] : memref<8x32x128xf32, #tpu.memory_space<vmem>> -> memref<1x32x128xf32, #tpu.memory_space<vmem>>
    %dma_start3A_207 = tpu.memref_squeeze %dma_start3A_206 : memref<1x32x128xf32, #tpu.memory_space<vmem>> -> memref<32x128xf32, #tpu.memory_space<vmem>>
    %dma_start3A_208 = arith.constant 0 : i32
    %dma_start3A_209 = tpu.memref_slice %arg2[%dma_start3A_208, %multiple_of3A_196] : memref<32x1000000xf32, #tpu.memory_space<hbm>> -> memref<32x128xf32, #tpu.memory_space<hbm>>
    tpu.enqueue_dma source(%dma_start3A_209 : memref<32x128xf32, #tpu.memory_space<hbm>>) target(%dma_start3A_207 : memref<32x128xf32, #tpu.memory_space<vmem>>) target_semaphore(%arg11 : memref<!tpu.dma_semaphore, #tpu.memory_space<semaphore_mem>>)
    %slice3A_210 = vector.extract_strided_slice %mul3A_142 {offsets = [4], sizes = [1], strides = [1]} : vector<16xi32> to vector<1xi32>
    %squeeze3A_211 = vector.extract %slice3A_210[0] : i32 from vector<1xi32>
    %multiple_of3A_212 = tpu.assume_multiple %squeeze3A_211, 128 : i32
    %dma_start3A_213 = arith.constant 4 : i32
    %dma_start3A_214 = arith.constant 0 : i32
    %dma_start3A_215 = arith.constant 0 : i32
    %dma_start3A_216 = tpu.memref_slice %arg7[%dma_start3A_213, %dma_start3A_214, %dma_start3A_215] : memref<8x32x128xf32, #tpu.memory_space<vmem>> -> memref<1x32x128xf32, #tpu.memory_space<vmem>>
    %dma_start3A_217 = tpu.memref_squeeze %dma_start3A_216 : memref<1x32x128xf32, #tpu.memory_space<vmem>> -> memref<32x128xf32, #tpu.memory_space<vmem>>
    %dma_start3A_218 = arith.constant 0 : i32
    %dma_start3A_219 = tpu.memref_slice %arg2[%dma_start3A_218, %multiple_of3A_212] : memref<32x1000000xf32, #tpu.memory_space<hbm>> -> memref<32x128xf32, #tpu.memory_space<hbm>>
    %dma_start3A_220 = arith.constant 0 : i32
    %dma_start3A_221 = arith.constant 0 : i32
    %dma_start3A_222 = tpu.memref_slice %arg7[%dma_start3A_213, %dma_start3A_220, %dma_start3A_221] : memref<8x32x128xf32, #tpu.memory_space<vmem>> -> memref<1x32x128xf32, #tpu.memory_space<vmem>>
    %dma_start3A_223 = tpu.memref_squeeze %dma_start3A_222 : memref<1x32x128xf32, #tpu.memory_space<vmem>> -> memref<32x128xf32, #tpu.memory_space<vmem>>
    %dma_start3A_224 = arith.constant 0 : i32
    %dma_start3A_225 = tpu.memref_slice %arg2[%dma_start3A_224, %multiple_of3A_212] : memref<32x1000000xf32, #tpu.memory_space<hbm>> -> memref<32x128xf32, #tpu.memory_space<hbm>>
    tpu.enqueue_dma source(%dma_start3A_225 : memref<32x128xf32, #tpu.memory_space<hbm>>) target(%dma_start3A_223 : memref<32x128xf32, #tpu.memory_space<vmem>>) target_semaphore(%arg11 : memref<!tpu.dma_semaphore, #tpu.memory_space<semaphore_mem>>)
    %slice3A_226 = vector.extract_strided_slice %mul3A_142 {offsets = [5], sizes = [1], strides = [1]} : vector<16xi32> to vector<1xi32>
    %squeeze3A_227 = vector.extract %slice3A_226[0] : i32 from vector<1xi32>
    %multiple_of3A_228 = tpu.assume_multiple %squeeze3A_227, 128 : i32
    %dma_start3A_229 = arith.constant 5 : i32
    %dma_start3A_230 = arith.constant 0 : i32
    %dma_start3A_231 = arith.constant 0 : i32
    %dma_start3A_232 = tpu.memref_slice %arg7[%dma_start3A_229, %dma_start3A_230, %dma_start3A_231] : memref<8x32x128xf32, #tpu.memory_space<vmem>> -> memref<1x32x128xf32, #tpu.memory_space<vmem>>
    %dma_start3A_233 = tpu.memref_squeeze %dma_start3A_232 : memref<1x32x128xf32, #tpu.memory_space<vmem>> -> memref<32x128xf32, #tpu.memory_space<vmem>>
    %dma_start3A_234 = arith.constant 0 : i32
    %dma_start3A_235 = tpu.memref_slice %arg2[%dma_start3A_234, %multiple_of3A_228] : memref<32x1000000xf32, #tpu.memory_space<hbm>> -> memref<32x128xf32, #tpu.memory_space<hbm>>
    %dma_start3A_236 = arith.constant 0 : i32
    %dma_start3A_237 = arith.constant 0 : i32
    %dma_start3A_238 = tpu.memref_slice %arg7[%dma_start3A_229, %dma_start3A_236, %dma_start3A_237] : memref<8x32x128xf32, #tpu.memory_space<vmem>> -> memref<1x32x128xf32, #tpu.memory_space<vmem>>
    %dma_start3A_239 = tpu.memref_squeeze %dma_start3A_238 : memref<1x32x128xf32, #tpu.memory_space<vmem>> -> memref<32x128xf32, #tpu.memory_space<vmem>>
    %dma_start3A_240 = arith.constant 0 : i32
    %dma_start3A_241 = tpu.memref_slice %arg2[%dma_start3A_240, %multiple_of3A_228] : memref<32x1000000xf32, #tpu.memory_space<hbm>> -> memref<32x128xf32, #tpu.memory_space<hbm>>
    tpu.enqueue_dma source(%dma_start3A_241 : memref<32x128xf32, #tpu.memory_space<hbm>>) target(%dma_start3A_239 : memref<32x128xf32, #tpu.memory_space<vmem>>) target_semaphore(%arg11 : memref<!tpu.dma_semaphore, #tpu.memory_space<semaphore_mem>>)
    %slice3A_242 = vector.extract_strided_slice %mul3A_142 {offsets = [6], sizes = [1], strides = [1]} : vector<16xi32> to vector<1xi32>
    %squeeze3A_243 = vector.extract %slice3A_242[0] : i32 from vector<1xi32>
    %multiple_of3A_244 = tpu.assume_multiple %squeeze3A_243, 128 : i32
    %dma_start3A_245 = arith.constant 6 : i32
    %dma_start3A_246 = arith.constant 0 : i32
    %dma_start3A_247 = arith.constant 0 : i32
    %dma_start3A_248 = tpu.memref_slice %arg7[%dma_start3A_245, %dma_start3A_246, %dma_start3A_247] : memref<8x32x128xf32, #tpu.memory_space<vmem>> -> memref<1x32x128xf32, #tpu.memory_space<vmem>>
    %dma_start3A_249 = tpu.memref_squeeze %dma_start3A_248 : memref<1x32x128xf32, #tpu.memory_space<vmem>> -> memref<32x128xf32, #tpu.memory_space<vmem>>
    %dma_start3A_250 = arith.constant 0 : i32
    %dma_start3A_251 = tpu.memref_slice %arg2[%dma_start3A_250, %multiple_of3A_244] : memref<32x1000000xf32, #tpu.memory_space<hbm>> -> memref<32x128xf32, #tpu.memory_space<hbm>>
    %dma_start3A_252 = arith.constant 0 : i32
    %dma_start3A_253 = arith.constant 0 : i32
    %dma_start3A_254 = tpu.memref_slice %arg7[%dma_start3A_245, %dma_start3A_252, %dma_start3A_253] : memref<8x32x128xf32, #tpu.memory_space<vmem>> -> memref<1x32x128xf32, #tpu.memory_space<vmem>>
    %dma_start3A_255 = tpu.memref_squeeze %dma_start3A_254 : memref<1x32x128xf32, #tpu.memory_space<vmem>> -> memref<32x128xf32, #tpu.memory_space<vmem>>
    %dma_start3A_256 = arith.constant 0 : i32
    %dma_start3A_257 = tpu.memref_slice %arg2[%dma_start3A_256, %multiple_of3A_244] : memref<32x1000000xf32, #tpu.memory_space<hbm>> -> memref<32x128xf32, #tpu.memory_space<hbm>>
    tpu.enqueue_dma source(%dma_start3A_257 : memref<32x128xf32, #tpu.memory_space<hbm>>) target(%dma_start3A_255 : memref<32x128xf32, #tpu.memory_space<vmem>>) target_semaphore(%arg11 : memref<!tpu.dma_semaphore, #tpu.memory_space<semaphore_mem>>)
    %slice3A_258 = vector.extract_strided_slice %mul3A_142 {offsets = [7], sizes = [1], strides = [1]} : vector<16xi32> to vector<1xi32>
    %squeeze3A_259 = vector.extract %slice3A_258[0] : i32 from vector<1xi32>
    %multiple_of3A_260 = tpu.assume_multiple %squeeze3A_259, 128 : i32
    %dma_start3A_261 = arith.constant 7 : i32
    %dma_start3A_262 = arith.constant 0 : i32
    %dma_start3A_263 = arith.constant 0 : i32
    %dma_start3A_264 = tpu.memref_slice %arg7[%dma_start3A_261, %dma_start3A_262, %dma_start3A_263] : memref<8x32x128xf32, #tpu.memory_space<vmem>> -> memref<1x32x128xf32, #tpu.memory_space<vmem>>
    %dma_start3A_265 = tpu.memref_squeeze %dma_start3A_264 : memref<1x32x128xf32, #tpu.memory_space<vmem>> -> memref<32x128xf32, #tpu.memory_space<vmem>>
    %dma_start3A_266 = arith.constant 0 : i32
    %dma_start3A_267 = tpu.memref_slice %arg2[%dma_start3A_266, %multiple_of3A_260] : memref<32x1000000xf32, #tpu.memory_space<hbm>> -> memref<32x128xf32, #tpu.memory_space<hbm>>
    %dma_start3A_268 = arith.constant 0 : i32
    %dma_start3A_269 = arith.constant 0 : i32
    %dma_start3A_270 = tpu.memref_slice %arg7[%dma_start3A_261, %dma_start3A_268, %dma_start3A_269] : memref<8x32x128xf32, #tpu.memory_space<vmem>> -> memref<1x32x128xf32, #tpu.memory_space<vmem>>
    %dma_start3A_271 = tpu.memref_squeeze %dma_start3A_270 : memref<1x32x128xf32, #tpu.memory_space<vmem>> -> memref<32x128xf32, #tpu.memory_space<vmem>>
    %dma_start3A_272 = arith.constant 0 : i32
    %dma_start3A_273 = tpu.memref_slice %arg2[%dma_start3A_272, %multiple_of3A_260] : memref<32x1000000xf32, #tpu.memory_space<hbm>> -> memref<32x128xf32, #tpu.memory_space<hbm>>
    tpu.enqueue_dma source(%dma_start3A_273 : memref<32x128xf32, #tpu.memory_space<hbm>>) target(%dma_start3A_271 : memref<32x128xf32, #tpu.memory_space<vmem>>) target_semaphore(%arg11 : memref<!tpu.dma_semaphore, #tpu.memory_space<semaphore_mem>>)
    %get3A_274 = arith.constant 16 : index
    %get3A_275 = tpu.vector_load %arg5[%get3A_274] {strides = array<i32>} : memref<528xi32, #tpu.memory_space<vmem>>, vector<16xi32>,
    %shift_right_logical3A_276 = arith.constant 7 : i32
    %shift_right_logical3A_277 = vector.broadcast %shift_right_logical3A_276 : i32 to vector<16xi32>
    %shift_right_logical3A_278 = arith.shrui %get3A_275, %shift_right_logical3A_277 : vector<16xi32>
    %mul3A_279 = arith.constant 128 : i32
    %mul3A_280 = vector.broadcast %mul3A_279 : i32 to vector<16xi32>
    %mul3A_281 = arith.muli %shift_right_logical3A_278, %mul3A_280 : vector<16xi32>
    %and3A_282 = arith.constant 127 : i32
    %and3A_283 = vector.broadcast %and3A_282 : i32 to vector<16xi32>
    %and3A_284 = arith.andi %get3A_275, %and3A_283 : vector<16xi32>
    %slice3A_285 = vector.extract_strided_slice %mul3A_281 {offsets = [0], sizes = [1], strides = [1]} : vector<16xi32> to vector<1xi32>
    %squeeze3A_286 = vector.extract %slice3A_285[0] : i32 from vector<1xi32>
    %multiple_of3A_287 = tpu.assume_multiple %squeeze3A_286, 128 : i32
    %dma_start3A_288 = arith.constant 0 : i32
    %dma_start3A_289 = arith.constant 0 : i32
    %dma_start3A_290 = arith.constant 0 : i32
    %dma_start3A_291 = tpu.memref_slice %arg8[%dma_start3A_288, %dma_start3A_289, %dma_start3A_290] : memref<8x32x128xf32, #tpu.memory_space<vmem>> -> memref<1x32x128xf32, #tpu.memory_space<vmem>>
    %dma_start3A_292 = tpu.memref_squeeze %dma_start3A_291 : memref<1x32x128xf32, #tpu.memory_space<vmem>> -> memref<32x128xf32, #tpu.memory_space<vmem>>
    %dma_start3A_293 = arith.constant 0 : i32
    %dma_start3A_294 = tpu.memref_slice %arg2[%dma_start3A_293, %multiple_of3A_287] : memref<32x1000000xf32, #tpu.memory_space<hbm>> -> memref<32x128xf32, #tpu.memory_space<hbm>>
    %dma_start3A_295 = arith.constant 0 : i32
    %dma_start3A_296 = arith.constant 0 : i32
    %dma_start3A_297 = tpu.memref_slice %arg8[%dma_start3A_288, %dma_start3A_295, %dma_start3A_296] : memref<8x32x128xf32, #tpu.memory_space<vmem>> -> memref<1x32x128xf32, #tpu.memory_space<vmem>>
    %dma_start3A_298 = tpu.memref_squeeze %dma_start3A_297 : memref<1x32x128xf32, #tpu.memory_space<vmem>> -> memref<32x128xf32, #tpu.memory_space<vmem>>
    %dma_start3A_299 = arith.constant 0 : i32
    %dma_start3A_300 = tpu.memref_slice %arg2[%dma_start3A_299, %multiple_of3A_287] : memref<32x1000000xf32, #tpu.memory_space<hbm>> -> memref<32x128xf32, #tpu.memory_space<hbm>>
    tpu.enqueue_dma source(%dma_start3A_300 : memref<32x128xf32, #tpu.memory_space<hbm>>) target(%dma_start3A_298 : memref<32x128xf32, #tpu.memory_space<vmem>>) target_semaphore(%arg12 : memref<!tpu.dma_semaphore, #tpu.memory_space<semaphore_mem>>)
    %slice3A_301 = vector.extract_strided_slice %mul3A_281 {offsets = [1], sizes = [1], strides = [1]} : vector<16xi32> to vector<1xi32>
    %squeeze3A_302 = vector.extract %slice3A_301[0] : i32 from vector<1xi32>
    %multiple_of3A_303 = tpu.assume_multiple %squeeze3A_302, 128 : i32
    %dma_start3A_304 = arith.constant 1 : i32
    %dma_start3A_305 = arith.constant 0 : i32
    %dma_start3A_306 = arith.constant 0 : i32
    %dma_start3A_307 = tpu.memref_slice %arg8[%dma_start3A_304, %dma_start3A_305, %dma_start3A_306] : memref<8x32x128xf32, #tpu.memory_space<vmem>> -> memref<1x32x128xf32, #tpu.memory_space<vmem>>
    %dma_start3A_308 = tpu.memref_squeeze %dma_start3A_307 : memref<1x32x128xf32, #tpu.memory_space<vmem>> -> memref<32x128xf32, #tpu.memory_space<vmem>>
    %dma_start3A_309 = arith.constant 0 : i32
    %dma_start3A_310 = tpu.memref_slice %arg2[%dma_start3A_309, %multiple_of3A_303] : memref<32x1000000xf32, #tpu.memory_space<hbm>> -> memref<32x128xf32, #tpu.memory_space<hbm>>
    %dma_start3A_311 = arith.constant 0 : i32
    %dma_start3A_312 = arith.constant 0 : i32
    %dma_start3A_313 = tpu.memref_slice %arg8[%dma_start3A_304, %dma_start3A_311, %dma_start3A_312] : memref<8x32x128xf32, #tpu.memory_space<vmem>> -> memref<1x32x128xf32, #tpu.memory_space<vmem>>
    %dma_start3A_314 = tpu.memref_squeeze %dma_start3A_313 : memref<1x32x128xf32, #tpu.memory_space<vmem>> -> memref<32x128xf32, #tpu.memory_space<vmem>>
    %dma_start3A_315 = arith.constant 0 : i32
    %dma_start3A_316 = tpu.memref_slice %arg2[%dma_start3A_315, %multiple_of3A_303] : memref<32x1000000xf32, #tpu.memory_space<hbm>> -> memref<32x128xf32, #tpu.memory_space<hbm>>
    tpu.enqueue_dma source(%dma_start3A_316 : memref<32x128xf32, #tpu.memory_space<hbm>>) target(%dma_start3A_314 : memref<32x128xf32, #tpu.memory_space<vmem>>) target_semaphore(%arg12 : memref<!tpu.dma_semaphore, #tpu.memory_space<semaphore_mem>>)
    %slice3A_317 = vector.extract_strided_slice %mul3A_281 {offsets = [2], sizes = [1], strides = [1]} : vector<16xi32> to vector<1xi32>
    %squeeze3A_318 = vector.extract %slice3A_317[0] : i32 from vector<1xi32>
    %multiple_of3A_319 = tpu.assume_multiple %squeeze3A_318, 128 : i32
    %dma_start3A_320 = arith.constant 2 : i32
    %dma_start3A_321 = arith.constant 0 : i32
    %dma_start3A_322 = arith.constant 0 : i32
    %dma_start3A_323 = tpu.memref_slice %arg8[%dma_start3A_320, %dma_start3A_321, %dma_start3A_322] : memref<8x32x128xf32, #tpu.memory_space<vmem>> -> memref<1x32x128xf32, #tpu.memory_space<vmem>>
    %dma_start3A_324 = tpu.memref_squeeze %dma_start3A_323 : memref<1x32x128xf32, #tpu.memory_space<vmem>> -> memref<32x128xf32, #tpu.memory_space<vmem>>
    %dma_start3A_325 = arith.constant 0 : i32
    %dma_start3A_326 = tpu.memref_slice %arg2[%dma_start3A_325, %multiple_of3A_319] : memref<32x1000000xf32, #tpu.memory_space<hbm>> -> memref<32x128xf32, #tpu.memory_space<hbm>>
    %dma_start3A_327 = arith.constant 0 : i32
    %dma_start3A_328 = arith.constant 0 : i32
    %dma_start3A_329 = tpu.memref_slice %arg8[%dma_start3A_320, %dma_start3A_327, %dma_start3A_328] : memref<8x32x128xf32, #tpu.memory_space<vmem>> -> memref<1x32x128xf32, #tpu.memory_space<vmem>>
    %dma_start3A_330 = tpu.memref_squeeze %dma_start3A_329 : memref<1x32x128xf32, #tpu.memory_space<vmem>> -> memref<32x128xf32, #tpu.memory_space<vmem>>
    %dma_start3A_331 = arith.constant 0 : i32
    %dma_start3A_332 = tpu.memref_slice %arg2[%dma_start3A_331, %multiple_of3A_319] : memref<32x1000000xf32, #tpu.memory_space<hbm>> -> memref<32x128xf32, #tpu.memory_space<hbm>>
    tpu.enqueue_dma source(%dma_start3A_332 : memref<32x128xf32, #tpu.memory_space<hbm>>) target(%dma_start3A_330 : memref<32x128xf32, #tpu.memory_space<vmem>>) target_semaphore(%arg12 : memref<!tpu.dma_semaphore, #tpu.memory_space<semaphore_mem>>)
    %slice3A_333 = vector.extract_strided_slice %mul3A_281 {offsets = [3], sizes = [1], strides = [1]} : vector<16xi32> to vector<1xi32>
    %squeeze3A_334 = vector.extract %slice3A_333[0] : i32 from vector<1xi32>
    %multiple_of3A_335 = tpu.assume_multiple %squeeze3A_334, 128 : i32
    %dma_start3A_336 = arith.constant 3 : i32
    %dma_start3A_337 = arith.constant 0 : i32
    %dma_start3A_338 = arith.constant 0 : i32
    %dma_start3A_339 = tpu.memref_slice %arg8[%dma_start3A_336, %dma_start3A_337, %dma_start3A_338] : memref<8x32x128xf32, #tpu.memory_space<vmem>> -> memref<1x32x128xf32, #tpu.memory_space<vmem>>
    %dma_start3A_340 = tpu.memref_squeeze %dma_start3A_339 : memref<1x32x128xf32, #tpu.memory_space<vmem>> -> memref<32x128xf32, #tpu.memory_space<vmem>>
    %dma_start3A_341 = arith.constant 0 : i32
    %dma_start3A_342 = tpu.memref_slice %arg2[%dma_start3A_341, %multiple_of3A_335] : memref<32x1000000xf32, #tpu.memory_space<hbm>> -> memref<32x128xf32, #tpu.memory_space<hbm>>
    %dma_start3A_343 = arith.constant 0 : i32
    %dma_start3A_344 = arith.constant 0 : i32
    %dma_start3A_345 = tpu.memref_slice %arg8[%dma_start3A_336, %dma_start3A_343, %dma_start3A_344] : memref<8x32x128xf32, #tpu.memory_space<vmem>> -> memref<1x32x128xf32, #tpu.memory_space<vmem>>
    %dma_start3A_346 = tpu.memref_squeeze %dma_start3A_345 : memref<1x32x128xf32, #tpu.memory_space<vmem>> -> memref<32x128xf32, #tpu.memory_space<vmem>>
    %dma_start3A_347 = arith.constant 0 : i32
    %dma_start3A_348 = tpu.memref_slice %arg2[%dma_start3A_347, %multiple_of3A_335] : memref<32x1000000xf32, #tpu.memory_space<hbm>> -> memref<32x128xf32, #tpu.memory_space<hbm>>
    tpu.enqueue_dma source(%dma_start3A_348 : memref<32x128xf32, #tpu.memory_space<hbm>>) target(%dma_start3A_346 : memref<32x128xf32, #tpu.memory_space<vmem>>) target_semaphore(%arg12 : memref<!tpu.dma_semaphore, #tpu.memory_space<semaphore_mem>>)
    %slice3A_349 = vector.extract_strided_slice %mul3A_281 {offsets = [4], sizes = [1], strides = [1]} : vector<16xi32> to vector<1xi32>
    %squeeze3A_350 = vector.extract %slice3A_349[0] : i32 from vector<1xi32>
    %multiple_of3A_351 = tpu.assume_multiple %squeeze3A_350, 128 : i32
    %dma_start3A_352 = arith.constant 4 : i32
    %dma_start3A_353 = arith.constant 0 : i32
    %dma_start3A_354 = arith.constant 0 : i32
    %dma_start3A_355 = tpu.memref_slice %arg8[%dma_start3A_352, %dma_start3A_353, %dma_start3A_354] : memref<8x32x128xf32, #tpu.memory_space<vmem>> -> memref<1x32x128xf32, #tpu.memory_space<vmem>>
    %dma_start3A_356 = tpu.memref_squeeze %dma_start3A_355 : memref<1x32x128xf32, #tpu.memory_space<vmem>> -> memref<32x128xf32, #tpu.memory_space<vmem>>
    %dma_start3A_357 = arith.constant 0 : i32
    %dma_start3A_358 = tpu.memref_slice %arg2[%dma_start3A_357, %multiple_of3A_351] : memref<32x1000000xf32, #tpu.memory_space<hbm>> -> memref<32x128xf32, #tpu.memory_space<hbm>>
    %dma_start3A_359 = arith.constant 0 : i32
    %dma_start3A_360 = arith.constant 0 : i32
    %dma_start3A_361 = tpu.memref_slice %arg8[%dma_start3A_352, %dma_start3A_359, %dma_start3A_360] : memref<8x32x128xf32, #tpu.memory_space<vmem>> -> memref<1x32x128xf32, #tpu.memory_space<vmem>>
    %dma_start3A_362 = tpu.memref_squeeze %dma_start3A_361 : memref<1x32x128xf32, #tpu.memory_space<vmem>> -> memref<32x128xf32, #tpu.memory_space<vmem>>
    %dma_start3A_363 = arith.constant 0 : i32
    %dma_start3A_364 = tpu.memref_slice %arg2[%dma_start3A_363, %multiple_of3A_351] : memref<32x1000000xf32, #tpu.memory_space<hbm>> -> memref<32x128xf32, #tpu.memory_space<hbm>>
    tpu.enqueue_dma source(%dma_start3A_364 : memref<32x128xf32, #tpu.memory_space<hbm>>) target(%dma_start3A_362 : memref<32x128xf32, #tpu.memory_space<vmem>>) target_semaphore(%arg12 : memref<!tpu.dma_semaphore, #tpu.memory_space<semaphore_mem>>)
    %slice3A_365 = vector.extract_strided_slice %mul3A_281 {offsets = [5], sizes = [1], strides = [1]} : vector<16xi32> to vector<1xi32>
    %squeeze3A_366 = vector.extract %slice3A_365[0] : i32 from vector<1xi32>
    %multiple_of3A_367 = tpu.assume_multiple %squeeze3A_366, 128 : i32
    %dma_start3A_368 = arith.constant 5 : i32
    %dma_start3A_369 = arith.constant 0 : i32
    %dma_start3A_370 = arith.constant 0 : i32
    %dma_start3A_371 = tpu.memref_slice %arg8[%dma_start3A_368, %dma_start3A_369, %dma_start3A_370] : memref<8x32x128xf32, #tpu.memory_space<vmem>> -> memref<1x32x128xf32, #tpu.memory_space<vmem>>
    %dma_start3A_372 = tpu.memref_squeeze %dma_start3A_371 : memref<1x32x128xf32, #tpu.memory_space<vmem>> -> memref<32x128xf32, #tpu.memory_space<vmem>>
    %dma_start3A_373 = arith.constant 0 : i32
    %dma_start3A_374 = tpu.memref_slice %arg2[%dma_start3A_373, %multiple_of3A_367] : memref<32x1000000xf32, #tpu.memory_space<hbm>> -> memref<32x128xf32, #tpu.memory_space<hbm>>
    %dma_start3A_375 = arith.constant 0 : i32
    %dma_start3A_376 = arith.constant 0 : i32
    %dma_start3A_377 = tpu.memref_slice %arg8[%dma_start3A_368, %dma_start3A_375, %dma_start3A_376] : memref<8x32x128xf32, #tpu.memory_space<vmem>> -> memref<1x32x128xf32, #tpu.memory_space<vmem>>
    %dma_start3A_378 = tpu.memref_squeeze %dma_start3A_377 : memref<1x32x128xf32, #tpu.memory_space<vmem>> -> memref<32x128xf32, #tpu.memory_space<vmem>>
    %dma_start3A_379 = arith.constant 0 : i32
    %dma_start3A_380 = tpu.memref_slice %arg2[%dma_start3A_379, %multiple_of3A_367] : memref<32x1000000xf32, #tpu.memory_space<hbm>> -> memref<32x128xf32, #tpu.memory_space<hbm>>
    tpu.enqueue_dma source(%dma_start3A_380 : memref<32x128xf32, #tpu.memory_space<hbm>>) target(%dma_start3A_378 : memref<32x128xf32, #tpu.memory_space<vmem>>) target_semaphore(%arg12 : memref<!tpu.dma_semaphore, #tpu.memory_space<semaphore_mem>>)
    %slice3A_381 = vector.extract_strided_slice %mul3A_281 {offsets = [6], sizes = [1], strides = [1]} : vector<16xi32> to vector<1xi32>
    %squeeze3A_382 = vector.extract %slice3A_381[0] : i32 from vector<1xi32>
    %multiple_of3A_383 = tpu.assume_multiple %squeeze3A_382, 128 : i32
    %dma_start3A_384 = arith.constant 6 : i32
    %dma_start3A_385 = arith.constant 0 : i32
    %dma_start3A_386 = arith.constant 0 : i32
    %dma_start3A_387 = tpu.memref_slice %arg8[%dma_start3A_384, %dma_start3A_385, %dma_start3A_386] : memref<8x32x128xf32, #tpu.memory_space<vmem>> -> memref<1x32x128xf32, #tpu.memory_space<vmem>>
    %dma_start3A_388 = tpu.memref_squeeze %dma_start3A_387 : memref<1x32x128xf32, #tpu.memory_space<vmem>> -> memref<32x128xf32, #tpu.memory_space<vmem>>
    %dma_start3A_389 = arith.constant 0 : i32
    %dma_start3A_390 = tpu.memref_slice %arg2[%dma_start3A_389, %multiple_of3A_383] : memref<32x1000000xf32, #tpu.memory_space<hbm>> -> memref<32x128xf32, #tpu.memory_space<hbm>>
    %dma_start3A_391 = arith.constant 0 : i32
    %dma_start3A_392 = arith.constant 0 : i32
    %dma_start3A_393 = tpu.memref_slice %arg8[%dma_start3A_384, %dma_start3A_391, %dma_start3A_392] : memref<8x32x128xf32, #tpu.memory_space<vmem>> -> memref<1x32x128xf32, #tpu.memory_space<vmem>>
    %dma_start3A_394 = tpu.memref_squeeze %dma_start3A_393 : memref<1x32x128xf32, #tpu.memory_space<vmem>> -> memref<32x128xf32, #tpu.memory_space<vmem>>
    %dma_start3A_395 = arith.constant 0 : i32
    %dma_start3A_396 = tpu.memref_slice %arg2[%dma_start3A_395, %multiple_of3A_383] : memref<32x1000000xf32, #tpu.memory_space<hbm>> -> memref<32x128xf32, #tpu.memory_space<hbm>>
    tpu.enqueue_dma source(%dma_start3A_396 : memref<32x128xf32, #tpu.memory_space<hbm>>) target(%dma_start3A_394 : memref<32x128xf32, #tpu.memory_space<vmem>>) target_semaphore(%arg12 : memref<!tpu.dma_semaphore, #tpu.memory_space<semaphore_mem>>)
    %slice3A_397 = vector.extract_strided_slice %mul3A_281 {offsets = [7], sizes = [1], strides = [1]} : vector<16xi32> to vector<1xi32>
    %squeeze3A_398 = vector.extract %slice3A_397[0] : i32 from vector<1xi32>
    %multiple_of3A_399 = tpu.assume_multiple %squeeze3A_398, 128 : i32
    %dma_start3A_400 = arith.constant 7 : i32
    %dma_start3A_401 = arith.constant 0 : i32
    %dma_start3A_402 = arith.constant 0 : i32
    %dma_start3A_403 = tpu.memref_slice %arg8[%dma_start3A_400, %dma_start3A_401, %dma_start3A_402] : memref<8x32x128xf32, #tpu.memory_space<vmem>> -> memref<1x32x128xf32, #tpu.memory_space<vmem>>
    %dma_start3A_404 = tpu.memref_squeeze %dma_start3A_403 : memref<1x32x128xf32, #tpu.memory_space<vmem>> -> memref<32x128xf32, #tpu.memory_space<vmem>>
    %dma_start3A_405 = arith.constant 0 : i32
    %dma_start3A_406 = tpu.memref_slice %arg2[%dma_start3A_405, %multiple_of3A_399] : memref<32x1000000xf32, #tpu.memory_space<hbm>> -> memref<32x128xf32, #tpu.memory_space<hbm>>
    %dma_start3A_407 = arith.constant 0 : i32
    %dma_start3A_408 = arith.constant 0 : i32
    %dma_start3A_409 = tpu.memref_slice %arg8[%dma_start3A_400, %dma_start3A_407, %dma_start3A_408] : memref<8x32x128xf32, #tpu.memory_space<vmem>> -> memref<1x32x128xf32, #tpu.memory_space<vmem>>
    %dma_start3A_410 = tpu.memref_squeeze %dma_start3A_409 : memref<1x32x128xf32, #tpu.memory_space<vmem>> -> memref<32x128xf32, #tpu.memory_space<vmem>>
    %dma_start3A_411 = arith.constant 0 : i32
    %dma_start3A_412 = tpu.memref_slice %arg2[%dma_start3A_411, %multiple_of3A_399] : memref<32x1000000xf32, #tpu.memory_space<hbm>> -> memref<32x128xf32, #tpu.memory_space<hbm>>
    tpu.enqueue_dma source(%dma_start3A_412 : memref<32x128xf32, #tpu.memory_space<hbm>>) target(%dma_start3A_410 : memref<32x128xf32, #tpu.memory_space<vmem>>) target_semaphore(%arg12 : memref<!tpu.dma_semaphore, #tpu.memory_space<semaphore_mem>>)
    %scan3A = arith.constant 0 : i32
    %scan3A_413 = arith.constant 0 : i32
    %scan3A_414 = arith.constant 21 : i32
    %scan3A_415 = arith.addi %scan3A_413, %scan3A_414 : i32
    %scan3A_416 = arith.constant 1 : i32
    scf.for %scan3A_759 = %scan3A_413 to %scan3A_415 step %scan3A_416  : i32 {
      %mul3A_760 = arith.constant 3 : i32
      %mul3A_761 = arith.muli %scan3A_759, %mul3A_760 : i32
      %add3A_762 = arith.constant 0 : i32
      %add3A_763 = arith.addi %mul3A_761, %add3A_762 : i32
      %add3A_764 = arith.constant 3 : i32
      %add3A_765 = arith.addi %add3A_763, %add3A_764 : i32
      %mul3A_766 = arith.constant 8 : i32
      %mul3A_767 = arith.muli %add3A_763, %mul3A_766 : i32
      %get3A_768 = arith.index_cast %mul3A_767 : i32 to index
      %get3A_769 = tpu.vector_load %arg5[%get3A_768] {strides = array<i32>} : memref<528xi32, #tpu.memory_space<vmem>>, vector<16xi32>,
      %shift_right_logical3A_770 = arith.constant 7 : i32
      %shift_right_logical3A_771 = vector.broadcast %shift_right_logical3A_770 : i32 to vector<16xi32>
      %shift_right_logical3A_772 = arith.shrui %get3A_769, %shift_right_logical3A_771 : vector<16xi32>
      %mul3A_773 = arith.constant 128 : i32
      %mul3A_774 = vector.broadcast %mul3A_773 : i32 to vector<16xi32>
      %mul3A_775 = arith.muli %shift_right_logical3A_772, %mul3A_774 : vector<16xi32>
      %and3A_776 = arith.constant 127 : i32
      %and3A_777 = vector.broadcast %and3A_776 : i32 to vector<16xi32>
      %and3A_778 = arith.andi %get3A_769, %and3A_777 : vector<16xi32>
      %dma_wait3A_779 = arith.constant 0 : i32
      %dma_wait3A_780 = arith.constant 0 : i32
      %dma_wait3A_781 = arith.constant 0 : i32
      %dma_wait3A_782 = tpu.memref_slice %arg6[%dma_wait3A_779, %dma_wait3A_780, %dma_wait3A_781] : memref<8x32x128xf32, #tpu.memory_space<vmem>> -> memref<1x32x128xf32, #tpu.memory_space<vmem>>
      %dma_wait3A_783 = tpu.memref_squeeze %dma_wait3A_782 : memref<1x32x128xf32, #tpu.memory_space<vmem>> -> memref<32x128xf32, #tpu.memory_space<vmem>>
      %dma_wait3A_784 = arith.constant 0 : i32
      %dma_wait3A_785 = arith.constant 0 : i32
      %dma_wait3A_786 = tpu.memref_slice %arg2[%dma_wait3A_784, %dma_wait3A_785] : memref<32x1000000xf32, #tpu.memory_space<hbm>> -> memref<32x128xf32, #tpu.memory_space<hbm>>
      %dma_wait3A_787 = arith.constant 0 : i32
      %dma_wait3A_788 = arith.constant 0 : i32
      %dma_wait3A_789 = tpu.memref_slice %arg6[%dma_wait3A_779, %dma_wait3A_787, %dma_wait3A_788] : memref<8x32x128xf32, #tpu.memory_space<vmem>> -> memref<1x32x128xf32, #tpu.memory_space<vmem>>
      %dma_wait3A_790 = tpu.memref_squeeze %dma_wait3A_789 : memref<1x32x128xf32, #tpu.memory_space<vmem>> -> memref<32x128xf32, #tpu.memory_space<vmem>>
      %dma_wait3A_791 = arith.constant 0 : i32
      %dma_wait3A_792 = arith.constant 0 : i32
      %dma_wait3A_793 = tpu.memref_slice %arg2[%dma_wait3A_791, %dma_wait3A_792] : memref<32x1000000xf32, #tpu.memory_space<hbm>> -> memref<32x128xf32, #tpu.memory_space<hbm>>
      tpu.wait_dma2 semaphore(%arg10 : memref<!tpu.dma_semaphore, #tpu.memory_space<semaphore_mem>>) src(%dma_wait3A_793 : memref<32x128xf32, #tpu.memory_space<hbm>>) dst(%dma_wait3A_790 : memref<32x128xf32, #tpu.memory_space<vmem>>)
      %dma_wait3A_794 = arith.constant 1 : i32
      %dma_wait3A_795 = arith.constant 0 : i32
      %dma_wait3A_796 = arith.constant 0 : i32
      %dma_wait3A_797 = tpu.memref_slice %arg6[%dma_wait3A_794, %dma_wait3A_795, %dma_wait3A_796] : memref<8x32x128xf32, #tpu.memory_space<vmem>> -> memref<1x32x128xf32, #tpu.memory_space<vmem>>
      %dma_wait3A_798 = tpu.memref_squeeze %dma_wait3A_797 : memref<1x32x128xf32, #tpu.memory_space<vmem>> -> memref<32x128xf32, #tpu.memory_space<vmem>>
      %dma_wait3A_799 = arith.constant 0 : i32
      %dma_wait3A_800 = arith.constant 0 : i32
      %dma_wait3A_801 = tpu.memref_slice %arg2[%dma_wait3A_799, %dma_wait3A_800] : memref<32x1000000xf32, #tpu.memory_space<hbm>> -> memref<32x128xf32, #tpu.memory_space<hbm>>
      %dma_wait3A_802 = arith.constant 0 : i32
      %dma_wait3A_803 = arith.constant 0 : i32
      %dma_wait3A_804 = tpu.memref_slice %arg6[%dma_wait3A_794, %dma_wait3A_802, %dma_wait3A_803] : memref<8x32x128xf32, #tpu.memory_space<vmem>> -> memref<1x32x128xf32, #tpu.memory_space<vmem>>
      %dma_wait3A_805 = tpu.memref_squeeze %dma_wait3A_804 : memref<1x32x128xf32, #tpu.memory_space<vmem>> -> memref<32x128xf32, #tpu.memory_space<vmem>>
      %dma_wait3A_806 = arith.constant 0 : i32
      %dma_wait3A_807 = arith.constant 0 : i32
      %dma_wait3A_808 = tpu.memref_slice %arg2[%dma_wait3A_806, %dma_wait3A_807] : memref<32x1000000xf32, #tpu.memory_space<hbm>> -> memref<32x128xf32, #tpu.memory_space<hbm>>
      tpu.wait_dma2 semaphore(%arg10 : memref<!tpu.dma_semaphore, #tpu.memory_space<semaphore_mem>>) src(%dma_wait3A_808 : memref<32x128xf32, #tpu.memory_space<hbm>>) dst(%dma_wait3A_805 : memref<32x128xf32, #tpu.memory_space<vmem>>)
      %dma_wait3A_809 = arith.constant 2 : i32
      %dma_wait3A_810 = arith.constant 0 : i32
      %dma_wait3A_811 = arith.constant 0 : i32
      %dma_wait3A_812 = tpu.memref_slice %arg6[%dma_wait3A_809, %dma_wait3A_810, %dma_wait3A_811] : memref<8x32x128xf32, #tpu.memory_space<vmem>> -> memref<1x32x128xf32, #tpu.memory_space<vmem>>
      %dma_wait3A_813 = tpu.memref_squeeze %dma_wait3A_812 : memref<1x32x128xf32, #tpu.memory_space<vmem>> -> memref<32x128xf32, #tpu.memory_space<vmem>>
      %dma_wait3A_814 = arith.constant 0 : i32
      %dma_wait3A_815 = arith.constant 0 : i32
      %dma_wait3A_816 = tpu.memref_slice %arg2[%dma_wait3A_814, %dma_wait3A_815] : memref<32x1000000xf32, #tpu.memory_space<hbm>> -> memref<32x128xf32, #tpu.memory_space<hbm>>
      %dma_wait3A_817 = arith.constant 0 : i32
      %dma_wait3A_818 = arith.constant 0 : i32
      %dma_wait3A_819 = tpu.memref_slice %arg6[%dma_wait3A_809, %dma_wait3A_817, %dma_wait3A_818] : memref<8x32x128xf32, #tpu.memory_space<vmem>> -> memref<1x32x128xf32, #tpu.memory_space<vmem>>
      %dma_wait3A_820 = tpu.memref_squeeze %dma_wait3A_819 : memref<1x32x128xf32, #tpu.memory_space<vmem>> -> memref<32x128xf32, #tpu.memory_space<vmem>>
      %dma_wait3A_821 = arith.constant 0 : i32
      %dma_wait3A_822 = arith.constant 0 : i32
      %dma_wait3A_823 = tpu.memref_slice %arg2[%dma_wait3A_821, %dma_wait3A_822] : memref<32x1000000xf32, #tpu.memory_space<hbm>> -> memref<32x128xf32, #tpu.memory_space<hbm>>
      tpu.wait_dma2 semaphore(%arg10 : memref<!tpu.dma_semaphore, #tpu.memory_space<semaphore_mem>>) src(%dma_wait3A_823 : memref<32x128xf32, #tpu.memory_space<hbm>>) dst(%dma_wait3A_820 : memref<32x128xf32, #tpu.memory_space<vmem>>)
      %dma_wait3A_824 = arith.constant 3 : i32
      %dma_wait3A_825 = arith.constant 0 : i32
      %dma_wait3A_826 = arith.constant 0 : i32
      %dma_wait3A_827 = tpu.memref_slice %arg6[%dma_wait3A_824, %dma_wait3A_825, %dma_wait3A_826] : memref<8x32x128xf32, #tpu.memory_space<vmem>> -> memref<1x32x128xf32, #tpu.memory_space<vmem>>
      %dma_wait3A_828 = tpu.memref_squeeze %dma_wait3A_827 : memref<1x32x128xf32, #tpu.memory_space<vmem>> -> memref<32x128xf32, #tpu.memory_space<vmem>>
      %dma_wait3A_829 = arith.constant 0 : i32
      %dma_wait3A_830 = arith.constant 0 : i32
      %dma_wait3A_831 = tpu.memref_slice %arg2[%dma_wait3A_829, %dma_wait3A_830] : memref<32x1000000xf32, #tpu.memory_space<hbm>> -> memref<32x128xf32, #tpu.memory_space<hbm>>
      %dma_wait3A_832 = arith.constant 0 : i32
      %dma_wait3A_833 = arith.constant 0 : i32
      %dma_wait3A_834 = tpu.memref_slice %arg6[%dma_wait3A_824, %dma_wait3A_832, %dma_wait3A_833] : memref<8x32x128xf32, #tpu.memory_space<vmem>> -> memref<1x32x128xf32, #tpu.memory_space<vmem>>
      %dma_wait3A_835 = tpu.memref_squeeze %dma_wait3A_834 : memref<1x32x128xf32, #tpu.memory_space<vmem>> -> memref<32x128xf32, #tpu.memory_space<vmem>>
      %dma_wait3A_836 = arith.constant 0 : i32
      %dma_wait3A_837 = arith.constant 0 : i32
      %dma_wait3A_838 = tpu.memref_slice %arg2[%dma_wait3A_836, %dma_wait3A_837] : memref<32x1000000xf32, #tpu.memory_space<hbm>> -> memref<32x128xf32, #tpu.memory_space<hbm>>
      tpu.wait_dma2 semaphore(%arg10 : memref<!tpu.dma_semaphore, #tpu.memory_space<semaphore_mem>>) src(%dma_wait3A_838 : memref<32x128xf32, #tpu.memory_space<hbm>>) dst(%dma_wait3A_835 : memref<32x128xf32, #tpu.memory_space<vmem>>)
      %dma_wait3A_839 = arith.constant 4 : i32
      %dma_wait3A_840 = arith.constant 0 : i32
      %dma_wait3A_841 = arith.constant 0 : i32
      %dma_wait3A_842 = tpu.memref_slice %arg6[%dma_wait3A_839, %dma_wait3A_840, %dma_wait3A_841] : memref<8x32x128xf32, #tpu.memory_space<vmem>> -> memref<1x32x128xf32, #tpu.memory_space<vmem>>
      %dma_wait3A_843 = tpu.memref_squeeze %dma_wait3A_842 : memref<1x32x128xf32, #tpu.memory_space<vmem>> -> memref<32x128xf32, #tpu.memory_space<vmem>>
      %dma_wait3A_844 = arith.constant 0 : i32
      %dma_wait3A_845 = arith.constant 0 : i32
      %dma_wait3A_846 = tpu.memref_slice %arg2[%dma_wait3A_844, %dma_wait3A_845] : memref<32x1000000xf32, #tpu.memory_space<hbm>> -> memref<32x128xf32, #tpu.memory_space<hbm>>
      %dma_wait3A_847 = arith.constant 0 : i32
      %dma_wait3A_848 = arith.constant 0 : i32
      %dma_wait3A_849 = tpu.memref_slice %arg6[%dma_wait3A_839, %dma_wait3A_847, %dma_wait3A_848] : memref<8x32x128xf32, #tpu.memory_space<vmem>> -> memref<1x32x128xf32, #tpu.memory_space<vmem>>
      %dma_wait3A_850 = tpu.memref_squeeze %dma_wait3A_849 : memref<1x32x128xf32, #tpu.memory_space<vmem>> -> memref<32x128xf32, #tpu.memory_space<vmem>>
      %dma_wait3A_851 = arith.constant 0 : i32
      %dma_wait3A_852 = arith.constant 0 : i32
      %dma_wait3A_853 = tpu.memref_slice %arg2[%dma_wait3A_851, %dma_wait3A_852] : memref<32x1000000xf32, #tpu.memory_space<hbm>> -> memref<32x128xf32, #tpu.memory_space<hbm>>
      tpu.wait_dma2 semaphore(%arg10 : memref<!tpu.dma_semaphore, #tpu.memory_space<semaphore_mem>>) src(%dma_wait3A_853 : memref<32x128xf32, #tpu.memory_space<hbm>>) dst(%dma_wait3A_850 : memref<32x128xf32, #tpu.memory_space<vmem>>)
      %dma_wait3A_854 = arith.constant 5 : i32
      %dma_wait3A_855 = arith.constant 0 : i32
      %dma_wait3A_856 = arith.constant 0 : i32
      %dma_wait3A_857 = tpu.memref_slice %arg6[%dma_wait3A_854, %dma_wait3A_855, %dma_wait3A_856] : memref<8x32x128xf32, #tpu.memory_space<vmem>> -> memref<1x32x128xf32, #tpu.memory_space<vmem>>
      %dma_wait3A_858 = tpu.memref_squeeze %dma_wait3A_857 : memref<1x32x128xf32, #tpu.memory_space<vmem>> -> memref<32x128xf32, #tpu.memory_space<vmem>>
      %dma_wait3A_859 = arith.constant 0 : i32
      %dma_wait3A_860 = arith.constant 0 : i32
      %dma_wait3A_861 = tpu.memref_slice %arg2[%dma_wait3A_859, %dma_wait3A_860] : memref<32x1000000xf32, #tpu.memory_space<hbm>> -> memref<32x128xf32, #tpu.memory_space<hbm>>
      %dma_wait3A_862 = arith.constant 0 : i32
      %dma_wait3A_863 = arith.constant 0 : i32
      %dma_wait3A_864 = tpu.memref_slice %arg6[%dma_wait3A_854, %dma_wait3A_862, %dma_wait3A_863] : memref<8x32x128xf32, #tpu.memory_space<vmem>> -> memref<1x32x128xf32, #tpu.memory_space<vmem>>
      %dma_wait3A_865 = tpu.memref_squeeze %dma_wait3A_864 : memref<1x32x128xf32, #tpu.memory_space<vmem>> -> memref<32x128xf32, #tpu.memory_space<vmem>>
      %dma_wait3A_866 = arith.constant 0 : i32
      %dma_wait3A_867 = arith.constant 0 : i32
      %dma_wait3A_868 = tpu.memref_slice %arg2[%dma_wait3A_866, %dma_wait3A_867] : memref<32x1000000xf32, #tpu.memory_space<hbm>> -> memref<32x128xf32, #tpu.memory_space<hbm>>
      tpu.wait_dma2 semaphore(%arg10 : memref<!tpu.dma_semaphore, #tpu.memory_space<semaphore_mem>>) src(%dma_wait3A_868 : memref<32x128xf32, #tpu.memory_space<hbm>>) dst(%dma_wait3A_865 : memref<32x128xf32, #tpu.memory_space<vmem>>)
      %dma_wait3A_869 = arith.constant 6 : i32
      %dma_wait3A_870 = arith.constant 0 : i32
      %dma_wait3A_871 = arith.constant 0 : i32
      %dma_wait3A_872 = tpu.memref_slice %arg6[%dma_wait3A_869, %dma_wait3A_870, %dma_wait3A_871] : memref<8x32x128xf32, #tpu.memory_space<vmem>> -> memref<1x32x128xf32, #tpu.memory_space<vmem>>
      %dma_wait3A_873 = tpu.memref_squeeze %dma_wait3A_872 : memref<1x32x128xf32, #tpu.memory_space<vmem>> -> memref<32x128xf32, #tpu.memory_space<vmem>>
      %dma_wait3A_874 = arith.constant 0 : i32
      %dma_wait3A_875 = arith.constant 0 : i32
      %dma_wait3A_876 = tpu.memref_slice %arg2[%dma_wait3A_874, %dma_wait3A_875] : memref<32x1000000xf32, #tpu.memory_space<hbm>> -> memref<32x128xf32, #tpu.memory_space<hbm>>
      %dma_wait3A_877 = arith.constant 0 : i32
      %dma_wait3A_878 = arith.constant 0 : i32
      %dma_wait3A_879 = tpu.memref_slice %arg6[%dma_wait3A_869, %dma_wait3A_877, %dma_wait3A_878] : memref<8x32x128xf32, #tpu.memory_space<vmem>> -> memref<1x32x128xf32, #tpu.memory_space<vmem>>
      %dma_wait3A_880 = tpu.memref_squeeze %dma_wait3A_879 : memref<1x32x128xf32, #tpu.memory_space<vmem>> -> memref<32x128xf32, #tpu.memory_space<vmem>>
      %dma_wait3A_881 = arith.constant 0 : i32
      %dma_wait3A_882 = arith.constant 0 : i32
      %dma_wait3A_883 = tpu.memref_slice %arg2[%dma_wait3A_881, %dma_wait3A_882] : memref<32x1000000xf32, #tpu.memory_space<hbm>> -> memref<32x128xf32, #tpu.memory_space<hbm>>
      tpu.wait_dma2 semaphore(%arg10 : memref<!tpu.dma_semaphore, #tpu.memory_space<semaphore_mem>>) src(%dma_wait3A_883 : memref<32x128xf32, #tpu.memory_space<hbm>>) dst(%dma_wait3A_880 : memref<32x128xf32, #tpu.memory_space<vmem>>)
      %dma_wait3A_884 = arith.constant 7 : i32
      %dma_wait3A_885 = arith.constant 0 : i32
      %dma_wait3A_886 = arith.constant 0 : i32
      %dma_wait3A_887 = tpu.memref_slice %arg6[%dma_wait3A_884, %dma_wait3A_885, %dma_wait3A_886] : memref<8x32x128xf32, #tpu.memory_space<vmem>> -> memref<1x32x128xf32, #tpu.memory_space<vmem>>
      %dma_wait3A_888 = tpu.memref_squeeze %dma_wait3A_887 : memref<1x32x128xf32, #tpu.memory_space<vmem>> -> memref<32x128xf32, #tpu.memory_space<vmem>>
      %dma_wait3A_889 = arith.constant 0 : i32
      %dma_wait3A_890 = arith.constant 0 : i32
      %dma_wait3A_891 = tpu.memref_slice %arg2[%dma_wait3A_889, %dma_wait3A_890] : memref<32x1000000xf32, #tpu.memory_space<hbm>> -> memref<32x128xf32, #tpu.memory_space<hbm>>
      %dma_wait3A_892 = arith.constant 0 : i32
      %dma_wait3A_893 = arith.constant 0 : i32
      %dma_wait3A_894 = tpu.memref_slice %arg6[%dma_wait3A_884, %dma_wait3A_892, %dma_wait3A_893] : memref<8x32x128xf32, #tpu.memory_space<vmem>> -> memref<1x32x128xf32, #tpu.memory_space<vmem>>
      %dma_wait3A_895 = tpu.memref_squeeze %dma_wait3A_894 : memref<1x32x128xf32, #tpu.memory_space<vmem>> -> memref<32x128xf32, #tpu.memory_space<vmem>>
      %dma_wait3A_896 = arith.constant 0 : i32
      %dma_wait3A_897 = arith.constant 0 : i32
      %dma_wait3A_898 = tpu.memref_slice %arg2[%dma_wait3A_896, %dma_wait3A_897] : memref<32x1000000xf32, #tpu.memory_space<hbm>> -> memref<32x128xf32, #tpu.memory_space<hbm>>
      tpu.wait_dma2 semaphore(%arg10 : memref<!tpu.dma_semaphore, #tpu.memory_space<semaphore_mem>>) src(%dma_wait3A_898 : memref<32x128xf32, #tpu.memory_space<hbm>>) dst(%dma_wait3A_895 : memref<32x128xf32, #tpu.memory_space<vmem>>)
      %slice3A_899 = vector.extract_strided_slice %and3A_778 {offsets = [0], sizes = [1], strides = [1]} : vector<16xi32> to vector<1xi32>
      %squeeze3A_900 = vector.extract %slice3A_899[0] : i32 from vector<1xi32>
      %iota3A_901 = tpu.iota {dimensions = array<i32: 0>} : vector<16xi32>
      %add3A_902 = arith.constant 0 : i32
      %add3A_903 = vector.broadcast %add3A_902 : i32 to vector<16xi32>
      %add3A_904 = arith.addi %iota3A_901, %add3A_903 : vector<16xi32>
      %broadcast_in_dim3A_905 = arith.constant 0 : i32
      %broadcast_in_dim3A_906 = vector.broadcast %broadcast_in_dim3A_905 : i32 to vector<16xi32>
      %broadcast_in_dim3A_907 = vector.broadcast %squeeze3A_900 : i32 to vector<16xi32>
      %gather3A_908 = tpu.vector_load_idx %arg6[%broadcast_in_dim3A_906, %add3A_904, %broadcast_in_dim3A_907] : memref<8x32x128xf32, #tpu.memory_space<vmem>>[vector<16xi32>, vector<16xi32>, vector<16xi32>], vector<16xf32>,
      %swap3A_909 = arith.constant 0 : i32
      %swap3A_910 = arith.index_cast %swap3A_909 : i32 to index
      %swap3A_911 = arith.constant 0 : index
      %swap3A_912 = tpu.vector_load %arg9[%swap3A_910, %swap3A_911] {strides = array<i32>} : memref<8x32xf32, #tpu.memory_space<vmem>>, vector<16xf32>,
      tpu.vector_store %arg9[%swap3A_910, %swap3A_911], %gather3A_908 {strides = array<i32>} : memref<8x32xf32, #tpu.memory_space<vmem>>, vector<16xf32>,
      %iota3A_913 = tpu.iota {dimensions = array<i32: 0>} : vector<16xi32>
      %add3A_914 = arith.constant 16 : i32
      %add3A_915 = vector.broadcast %add3A_914 : i32 to vector<16xi32>
      %add3A_916 = arith.addi %iota3A_913, %add3A_915 : vector<16xi32>
      %broadcast_in_dim3A_917 = arith.constant 0 : i32
      %broadcast_in_dim3A_918 = vector.broadcast %broadcast_in_dim3A_917 : i32 to vector<16xi32>
      %broadcast_in_dim3A_919 = vector.broadcast %squeeze3A_900 : i32 to vector<16xi32>
      %gather3A_920 = tpu.vector_load_idx %arg6[%broadcast_in_dim3A_918, %add3A_916, %broadcast_in_dim3A_919] : memref<8x32x128xf32, #tpu.memory_space<vmem>>[vector<16xi32>, vector<16xi32>, vector<16xi32>], vector<16xf32>,
      %swap3A_921 = arith.constant 0 : i32
      %swap3A_922 = arith.index_cast %swap3A_921 : i32 to index
      %swap3A_923 = arith.constant 16 : index
      %swap3A_924 = tpu.vector_load %arg9[%swap3A_922, %swap3A_923] {strides = array<i32>} : memref<8x32xf32, #tpu.memory_space<vmem>>, vector<16xf32>,
      tpu.vector_store %arg9[%swap3A_922, %swap3A_923], %gather3A_920 {strides = array<i32>} : memref<8x32xf32, #tpu.memory_space<vmem>>, vector<16xf32>,
      %slice3A_925 = vector.extract_strided_slice %and3A_778 {offsets = [1], sizes = [1], strides = [1]} : vector<16xi32> to vector<1xi32>
      %squeeze3A_926 = vector.extract %slice3A_925[0] : i32 from vector<1xi32>
      %iota3A_927 = tpu.iota {dimensions = array<i32: 0>} : vector<16xi32>
      %add3A_928 = arith.constant 0 : i32
      %add3A_929 = vector.broadcast %add3A_928 : i32 to vector<16xi32>
      %add3A_930 = arith.addi %iota3A_927, %add3A_929 : vector<16xi32>
      %broadcast_in_dim3A_931 = arith.constant 1 : i32
      %broadcast_in_dim3A_932 = vector.broadcast %broadcast_in_dim3A_931 : i32 to vector<16xi32>
      %broadcast_in_dim3A_933 = vector.broadcast %squeeze3A_926 : i32 to vector<16xi32>
      %gather3A_934 = tpu.vector_load_idx %arg6[%broadcast_in_dim3A_932, %add3A_930, %broadcast_in_dim3A_933] : memref<8x32x128xf32, #tpu.memory_space<vmem>>[vector<16xi32>, vector<16xi32>, vector<16xi32>], vector<16xf32>,
      %swap3A_935 = arith.constant 1 : i32
      %swap3A_936 = arith.index_cast %swap3A_935 : i32 to index
      %swap3A_937 = arith.constant 0 : index
      %swap3A_938 = tpu.vector_load %arg9[%swap3A_936, %swap3A_937] {strides = array<i32>} : memref<8x32xf32, #tpu.memory_space<vmem>>, vector<16xf32>,
      tpu.vector_store %arg9[%swap3A_936, %swap3A_937], %gather3A_934 {strides = array<i32>} : memref<8x32xf32, #tpu.memory_space<vmem>>, vector<16xf32>,
      %iota3A_939 = tpu.iota {dimensions = array<i32: 0>} : vector<16xi32>
      %add3A_940 = arith.constant 16 : i32
      %add3A_941 = vector.broadcast %add3A_940 : i32 to vector<16xi32>
      %add3A_942 = arith.addi %iota3A_939, %add3A_941 : vector<16xi32>
      %broadcast_in_dim3A_943 = arith.constant 1 : i32
      %broadcast_in_dim3A_944 = vector.broadcast %broadcast_in_dim3A_943 : i32 to vector<16xi32>
      %broadcast_in_dim3A_945 = vector.broadcast %squeeze3A_926 : i32 to vector<16xi32>
      %gather3A_946 = tpu.vector_load_idx %arg6[%broadcast_in_dim3A_944, %add3A_942, %broadcast_in_dim3A_945] : memref<8x32x128xf32, #tpu.memory_space<vmem>>[vector<16xi32>, vector<16xi32>, vector<16xi32>], vector<16xf32>,
      %swap3A_947 = arith.constant 1 : i32
      %swap3A_948 = arith.index_cast %swap3A_947 : i32 to index
      %swap3A_949 = arith.constant 16 : index
      %swap3A_950 = tpu.vector_load %arg9[%swap3A_948, %swap3A_949] {strides = array<i32>} : memref<8x32xf32, #tpu.memory_space<vmem>>, vector<16xf32>,
      tpu.vector_store %arg9[%swap3A_948, %swap3A_949], %gather3A_946 {strides = array<i32>} : memref<8x32xf32, #tpu.memory_space<vmem>>, vector<16xf32>,
      %slice3A_951 = vector.extract_strided_slice %and3A_778 {offsets = [2], sizes = [1], strides = [1]} : vector<16xi32> to vector<1xi32>
      %squeeze3A_952 = vector.extract %slice3A_951[0] : i32 from vector<1xi32>
      %iota3A_953 = tpu.iota {dimensions = array<i32: 0>} : vector<16xi32>
      %add3A_954 = arith.constant 0 : i32
      %add3A_955 = vector.broadcast %add3A_954 : i32 to vector<16xi32>
      %add3A_956 = arith.addi %iota3A_953, %add3A_955 : vector<16xi32>
      %broadcast_in_dim3A_957 = arith.constant 2 : i32
      %broadcast_in_dim3A_958 = vector.broadcast %broadcast_in_dim3A_957 : i32 to vector<16xi32>
      %broadcast_in_dim3A_959 = vector.broadcast %squeeze3A_952 : i32 to vector<16xi32>
      %gather3A_960 = tpu.vector_load_idx %arg6[%broadcast_in_dim3A_958, %add3A_956, %broadcast_in_dim3A_959] : memref<8x32x128xf32, #tpu.memory_space<vmem>>[vector<16xi32>, vector<16xi32>, vector<16xi32>], vector<16xf32>,
      %swap3A_961 = arith.constant 2 : i32
      %swap3A_962 = arith.index_cast %swap3A_961 : i32 to index
      %swap3A_963 = arith.constant 0 : index
      %swap3A_964 = tpu.vector_load %arg9[%swap3A_962, %swap3A_963] {strides = array<i32>} : memref<8x32xf32, #tpu.memory_space<vmem>>, vector<16xf32>,
      tpu.vector_store %arg9[%swap3A_962, %swap3A_963], %gather3A_960 {strides = array<i32>} : memref<8x32xf32, #tpu.memory_space<vmem>>, vector<16xf32>,
      %iota3A_965 = tpu.iota {dimensions = array<i32: 0>} : vector<16xi32>
      %add3A_966 = arith.constant 16 : i32
      %add3A_967 = vector.broadcast %add3A_966 : i32 to vector<16xi32>
      %add3A_968 = arith.addi %iota3A_965, %add3A_967 : vector<16xi32>
      %broadcast_in_dim3A_969 = arith.constant 2 : i32
      %broadcast_in_dim3A_970 = vector.broadcast %broadcast_in_dim3A_969 : i32 to vector<16xi32>
      %broadcast_in_dim3A_971 = vector.broadcast %squeeze3A_952 : i32 to vector<16xi32>
      %gather3A_972 = tpu.vector_load_idx %arg6[%broadcast_in_dim3A_970, %add3A_968, %broadcast_in_dim3A_971] : memref<8x32x128xf32, #tpu.memory_space<vmem>>[vector<16xi32>, vector<16xi32>, vector<16xi32>], vector<16xf32>,
      %swap3A_973 = arith.constant 2 : i32
      %swap3A_974 = arith.index_cast %swap3A_973 : i32 to index
      %swap3A_975 = arith.constant 16 : index
      %swap3A_976 = tpu.vector_load %arg9[%swap3A_974, %swap3A_975] {strides = array<i32>} : memref<8x32xf32, #tpu.memory_space<vmem>>, vector<16xf32>,
      tpu.vector_store %arg9[%swap3A_974, %swap3A_975], %gather3A_972 {strides = array<i32>} : memref<8x32xf32, #tpu.memory_space<vmem>>, vector<16xf32>,
      %slice3A_977 = vector.extract_strided_slice %and3A_778 {offsets = [3], sizes = [1], strides = [1]} : vector<16xi32> to vector<1xi32>
      %squeeze3A_978 = vector.extract %slice3A_977[0] : i32 from vector<1xi32>
      %iota3A_979 = tpu.iota {dimensions = array<i32: 0>} : vector<16xi32>
      %add3A_980 = arith.constant 0 : i32
      %add3A_981 = vector.broadcast %add3A_980 : i32 to vector<16xi32>
      %add3A_982 = arith.addi %iota3A_979, %add3A_981 : vector<16xi32>
      %broadcast_in_dim3A_983 = arith.constant 3 : i32
      %broadcast_in_dim3A_984 = vector.broadcast %broadcast_in_dim3A_983 : i32 to vector<16xi32>
      %broadcast_in_dim3A_985 = vector.broadcast %squeeze3A_978 : i32 to vector<16xi32>
      %gather3A_986 = tpu.vector_load_idx %arg6[%broadcast_in_dim3A_984, %add3A_982, %broadcast_in_dim3A_985] : memref<8x32x128xf32, #tpu.memory_space<vmem>>[vector<16xi32>, vector<16xi32>, vector<16xi32>], vector<16xf32>,
      %swap3A_987 = arith.constant 3 : i32
      %swap3A_988 = arith.index_cast %swap3A_987 : i32 to index
      %swap3A_989 = arith.constant 0 : index
      %swap3A_990 = tpu.vector_load %arg9[%swap3A_988, %swap3A_989] {strides = array<i32>} : memref<8x32xf32, #tpu.memory_space<vmem>>, vector<16xf32>,
      tpu.vector_store %arg9[%swap3A_988, %swap3A_989], %gather3A_986 {strides = array<i32>} : memref<8x32xf32, #tpu.memory_space<vmem>>, vector<16xf32>,
      %iota3A_991 = tpu.iota {dimensions = array<i32: 0>} : vector<16xi32>
      %add3A_992 = arith.constant 16 : i32
      %add3A_993 = vector.broadcast %add3A_992 : i32 to vector<16xi32>
      %add3A_994 = arith.addi %iota3A_991, %add3A_993 : vector<16xi32>
      %broadcast_in_dim3A_995 = arith.constant 3 : i32
      %broadcast_in_dim3A_996 = vector.broadcast %broadcast_in_dim3A_995 : i32 to vector<16xi32>
      %broadcast_in_dim3A_997 = vector.broadcast %squeeze3A_978 : i32 to vector<16xi32>
      %gather3A_998 = tpu.vector_load_idx %arg6[%broadcast_in_dim3A_996, %add3A_994, %broadcast_in_dim3A_997] : memref<8x32x128xf32, #tpu.memory_space<vmem>>[vector<16xi32>, vector<16xi32>, vector<16xi32>], vector<16xf32>,
      %swap3A_999 = arith.constant 3 : i32
      %swap3A_1000 = arith.index_cast %swap3A_999 : i32 to index
      %swap3A_1001 = arith.constant 16 : index
      %swap3A_1002 = tpu.vector_load %arg9[%swap3A_1000, %swap3A_1001] {strides = array<i32>} : memref<8x32xf32, #tpu.memory_space<vmem>>, vector<16xf32>,
      tpu.vector_store %arg9[%swap3A_1000, %swap3A_1001], %gather3A_998 {strides = array<i32>} : memref<8x32xf32, #tpu.memory_space<vmem>>, vector<16xf32>,
      %slice3A_1003 = vector.extract_strided_slice %and3A_778 {offsets = [4], sizes = [1], strides = [1]} : vector<16xi32> to vector<1xi32>
      %squeeze3A_1004 = vector.extract %slice3A_1003[0] : i32 from vector<1xi32>
      %iota3A_1005 = tpu.iota {dimensions = array<i32: 0>} : vector<16xi32>
      %add3A_1006 = arith.constant 0 : i32
      %add3A_1007 = vector.broadcast %add3A_1006 : i32 to vector<16xi32>
      %add3A_1008 = arith.addi %iota3A_1005, %add3A_1007 : vector<16xi32>
      %broadcast_in_dim3A_1009 = arith.constant 4 : i32
      %broadcast_in_dim3A_1010 = vector.broadcast %broadcast_in_dim3A_1009 : i32 to vector<16xi32>
      %broadcast_in_dim3A_1011 = vector.broadcast %squeeze3A_1004 : i32 to vector<16xi32>
      %gather3A_1012 = tpu.vector_load_idx %arg6[%broadcast_in_dim3A_1010, %add3A_1008, %broadcast_in_dim3A_1011] : memref<8x32x128xf32, #tpu.memory_space<vmem>>[vector<16xi32>, vector<16xi32>, vector<16xi32>], vector<16xf32>,
      %swap3A_1013 = arith.constant 4 : i32
      %swap3A_1014 = arith.index_cast %swap3A_1013 : i32 to index
      %swap3A_1015 = arith.constant 0 : index
      %swap3A_1016 = tpu.vector_load %arg9[%swap3A_1014, %swap3A_1015] {strides = array<i32>} : memref<8x32xf32, #tpu.memory_space<vmem>>, vector<16xf32>,
      tpu.vector_store %arg9[%swap3A_1014, %swap3A_1015], %gather3A_1012 {strides = array<i32>} : memref<8x32xf32, #tpu.memory_space<vmem>>, vector<16xf32>,
      %iota3A_1017 = tpu.iota {dimensions = array<i32: 0>} : vector<16xi32>
      %add3A_1018 = arith.constant 16 : i32
      %add3A_1019 = vector.broadcast %add3A_1018 : i32 to vector<16xi32>
      %add3A_1020 = arith.addi %iota3A_1017, %add3A_1019 : vector<16xi32>
      %broadcast_in_dim3A_1021 = arith.constant 4 : i32
      %broadcast_in_dim3A_1022 = vector.broadcast %broadcast_in_dim3A_1021 : i32 to vector<16xi32>
      %broadcast_in_dim3A_1023 = vector.broadcast %squeeze3A_1004 : i32 to vector<16xi32>
      %gather3A_1024 = tpu.vector_load_idx %arg6[%broadcast_in_dim3A_1022, %add3A_1020, %broadcast_in_dim3A_1023] : memref<8x32x128xf32, #tpu.memory_space<vmem>>[vector<16xi32>, vector<16xi32>, vector<16xi32>], vector<16xf32>,
      %swap3A_1025 = arith.constant 4 : i32
      %swap3A_1026 = arith.index_cast %swap3A_1025 : i32 to index
      %swap3A_1027 = arith.constant 16 : index
      %swap3A_1028 = tpu.vector_load %arg9[%swap3A_1026, %swap3A_1027] {strides = array<i32>} : memref<8x32xf32, #tpu.memory_space<vmem>>, vector<16xf32>,
      tpu.vector_store %arg9[%swap3A_1026, %swap3A_1027], %gather3A_1024 {strides = array<i32>} : memref<8x32xf32, #tpu.memory_space<vmem>>, vector<16xf32>,
      %slice3A_1029 = vector.extract_strided_slice %and3A_778 {offsets = [5], sizes = [1], strides = [1]} : vector<16xi32> to vector<1xi32>
      %squeeze3A_1030 = vector.extract %slice3A_1029[0] : i32 from vector<1xi32>
      %iota3A_1031 = tpu.iota {dimensions = array<i32: 0>} : vector<16xi32>
      %add3A_1032 = arith.constant 0 : i32
      %add3A_1033 = vector.broadcast %add3A_1032 : i32 to vector<16xi32>
      %add3A_1034 = arith.addi %iota3A_1031, %add3A_1033 : vector<16xi32>
      %broadcast_in_dim3A_1035 = arith.constant 5 : i32
      %broadcast_in_dim3A_1036 = vector.broadcast %broadcast_in_dim3A_1035 : i32 to vector<16xi32>
      %broadcast_in_dim3A_1037 = vector.broadcast %squeeze3A_1030 : i32 to vector<16xi32>
      %gather3A_1038 = tpu.vector_load_idx %arg6[%broadcast_in_dim3A_1036, %add3A_1034, %broadcast_in_dim3A_1037] : memref<8x32x128xf32, #tpu.memory_space<vmem>>[vector<16xi32>, vector<16xi32>, vector<16xi32>], vector<16xf32>,
      %swap3A_1039 = arith.constant 5 : i32
      %swap3A_1040 = arith.index_cast %swap3A_1039 : i32 to index
      %swap3A_1041 = arith.constant 0 : index
      %swap3A_1042 = tpu.vector_load %arg9[%swap3A_1040, %swap3A_1041] {strides = array<i32>} : memref<8x32xf32, #tpu.memory_space<vmem>>, vector<16xf32>,
      tpu.vector_store %arg9[%swap3A_1040, %swap3A_1041], %gather3A_1038 {strides = array<i32>} : memref<8x32xf32, #tpu.memory_space<vmem>>, vector<16xf32>,
      %iota3A_1043 = tpu.iota {dimensions = array<i32: 0>} : vector<16xi32>
      %add3A_1044 = arith.constant 16 : i32
      %add3A_1045 = vector.broadcast %add3A_1044 : i32 to vector<16xi32>
      %add3A_1046 = arith.addi %iota3A_1043, %add3A_1045 : vector<16xi32>
      %broadcast_in_dim3A_1047 = arith.constant 5 : i32
      %broadcast_in_dim3A_1048 = vector.broadcast %broadcast_in_dim3A_1047 : i32 to vector<16xi32>
      %broadcast_in_dim3A_1049 = vector.broadcast %squeeze3A_1030 : i32 to vector<16xi32>
      %gather3A_1050 = tpu.vector_load_idx %arg6[%broadcast_in_dim3A_1048, %add3A_1046, %broadcast_in_dim3A_1049] : memref<8x32x128xf32, #tpu.memory_space<vmem>>[vector<16xi32>, vector<16xi32>, vector<16xi32>], vector<16xf32>,
      %swap3A_1051 = arith.constant 5 : i32
      %swap3A_1052 = arith.index_cast %swap3A_1051 : i32 to index
      %swap3A_1053 = arith.constant 16 : index
      %swap3A_1054 = tpu.vector_load %arg9[%swap3A_1052, %swap3A_1053] {strides = array<i32>} : memref<8x32xf32, #tpu.memory_space<vmem>>, vector<16xf32>,
      tpu.vector_store %arg9[%swap3A_1052, %swap3A_1053], %gather3A_1050 {strides = array<i32>} : memref<8x32xf32, #tpu.memory_space<vmem>>, vector<16xf32>,
      %slice3A_1055 = vector.extract_strided_slice %and3A_778 {offsets = [6], sizes = [1], strides = [1]} : vector<16xi32> to vector<1xi32>
      %squeeze3A_1056 = vector.extract %slice3A_1055[0] : i32 from vector<1xi32>
      %iota3A_1057 = tpu.iota {dimensions = array<i32: 0>} : vector<16xi32>
      %add3A_1058 = arith.constant 0 : i32
      %add3A_1059 = vector.broadcast %add3A_1058 : i32 to vector<16xi32>
      %add3A_1060 = arith.addi %iota3A_1057, %add3A_1059 : vector<16xi32>
      %broadcast_in_dim3A_1061 = arith.constant 6 : i32
      %broadcast_in_dim3A_1062 = vector.broadcast %broadcast_in_dim3A_1061 : i32 to vector<16xi32>
      %broadcast_in_dim3A_1063 = vector.broadcast %squeeze3A_1056 : i32 to vector<16xi32>
      %gather3A_1064 = tpu.vector_load_idx %arg6[%broadcast_in_dim3A_1062, %add3A_1060, %broadcast_in_dim3A_1063] : memref<8x32x128xf32, #tpu.memory_space<vmem>>[vector<16xi32>, vector<16xi32>, vector<16xi32>], vector<16xf32>,
      %swap3A_1065 = arith.constant 6 : i32
      %swap3A_1066 = arith.index_cast %swap3A_1065 : i32 to index
      %swap3A_1067 = arith.constant 0 : index
      %swap3A_1068 = tpu.vector_load %arg9[%swap3A_1066, %swap3A_1067] {strides = array<i32>} : memref<8x32xf32, #tpu.memory_space<vmem>>, vector<16xf32>,
      tpu.vector_store %arg9[%swap3A_1066, %swap3A_1067], %gather3A_1064 {strides = array<i32>} : memref<8x32xf32, #tpu.memory_space<vmem>>, vector<16xf32>,
      %iota3A_1069 = tpu.iota {dimensions = array<i32: 0>} : vector<16xi32>
      %add3A_1070 = arith.constant 16 : i32
      %add3A_1071 = vector.broadcast %add3A_1070 : i32 to vector<16xi32>
      %add3A_1072 = arith.addi %iota3A_1069, %add3A_1071 : vector<16xi32>
      %broadcast_in_dim3A_1073 = arith.constant 6 : i32
      %broadcast_in_dim3A_1074 = vector.broadcast %broadcast_in_dim3A_1073 : i32 to vector<16xi32>
      %broadcast_in_dim3A_1075 = vector.broadcast %squeeze3A_1056 : i32 to vector<16xi32>
      %gather3A_1076 = tpu.vector_load_idx %arg6[%broadcast_in_dim3A_1074, %add3A_1072, %broadcast_in_dim3A_1075] : memref<8x32x128xf32, #tpu.memory_space<vmem>>[vector<16xi32>, vector<16xi32>, vector<16xi32>], vector<16xf32>,
      %swap3A_1077 = arith.constant 6 : i32
      %swap3A_1078 = arith.index_cast %swap3A_1077 : i32 to index
      %swap3A_1079 = arith.constant 16 : index
      %swap3A_1080 = tpu.vector_load %arg9[%swap3A_1078, %swap3A_1079] {strides = array<i32>} : memref<8x32xf32, #tpu.memory_space<vmem>>, vector<16xf32>,
      tpu.vector_store %arg9[%swap3A_1078, %swap3A_1079], %gather3A_1076 {strides = array<i32>} : memref<8x32xf32, #tpu.memory_space<vmem>>, vector<16xf32>,
      %slice3A_1081 = vector.extract_strided_slice %and3A_778 {offsets = [7], sizes = [1], strides = [1]} : vector<16xi32> to vector<1xi32>
      %squeeze3A_1082 = vector.extract %slice3A_1081[0] : i32 from vector<1xi32>
      %iota3A_1083 = tpu.iota {dimensions = array<i32: 0>} : vector<16xi32>
      %add3A_1084 = arith.constant 0 : i32
      %add3A_1085 = vector.broadcast %add3A_1084 : i32 to vector<16xi32>
      %add3A_1086 = arith.addi %iota3A_1083, %add3A_1085 : vector<16xi32>
      %broadcast_in_dim3A_1087 = arith.constant 7 : i32
      %broadcast_in_dim3A_1088 = vector.broadcast %broadcast_in_dim3A_1087 : i32 to vector<16xi32>
      %broadcast_in_dim3A_1089 = vector.broadcast %squeeze3A_1082 : i32 to vector<16xi32>
      %gather3A_1090 = tpu.vector_load_idx %arg6[%broadcast_in_dim3A_1088, %add3A_1086, %broadcast_in_dim3A_1089] : memref<8x32x128xf32, #tpu.memory_space<vmem>>[vector<16xi32>, vector<16xi32>, vector<16xi32>], vector<16xf32>,
      %swap3A_1091 = arith.constant 7 : i32
      %swap3A_1092 = arith.index_cast %swap3A_1091 : i32 to index
      %swap3A_1093 = arith.constant 0 : index
      %swap3A_1094 = tpu.vector_load %arg9[%swap3A_1092, %swap3A_1093] {strides = array<i32>} : memref<8x32xf32, #tpu.memory_space<vmem>>, vector<16xf32>,
      tpu.vector_store %arg9[%swap3A_1092, %swap3A_1093], %gather3A_1090 {strides = array<i32>} : memref<8x32xf32, #tpu.memory_space<vmem>>, vector<16xf32>,
      %iota3A_1095 = tpu.iota {dimensions = array<i32: 0>} : vector<16xi32>
      %add3A_1096 = arith.constant 16 : i32
      %add3A_1097 = vector.broadcast %add3A_1096 : i32 to vector<16xi32>
      %add3A_1098 = arith.addi %iota3A_1095, %add3A_1097 : vector<16xi32>
      %broadcast_in_dim3A_1099 = arith.constant 7 : i32
      %broadcast_in_dim3A_1100 = vector.broadcast %broadcast_in_dim3A_1099 : i32 to vector<16xi32>
      %broadcast_in_dim3A_1101 = vector.broadcast %squeeze3A_1082 : i32 to vector<16xi32>
      %gather3A_1102 = tpu.vector_load_idx %arg6[%broadcast_in_dim3A_1100, %add3A_1098, %broadcast_in_dim3A_1101] : memref<8x32x128xf32, #tpu.memory_space<vmem>>[vector<16xi32>, vector<16xi32>, vector<16xi32>], vector<16xf32>,
      %swap3A_1103 = arith.constant 7 : i32
      %swap3A_1104 = arith.index_cast %swap3A_1103 : i32 to index
      %swap3A_1105 = arith.constant 16 : index
      %swap3A_1106 = tpu.vector_load %arg9[%swap3A_1104, %swap3A_1105] {strides = array<i32>} : memref<8x32xf32, #tpu.memory_space<vmem>>, vector<16xf32>,
      tpu.vector_store %arg9[%swap3A_1104, %swap3A_1105], %gather3A_1102 {strides = array<i32>} : memref<8x32xf32, #tpu.memory_space<vmem>>, vector<16xf32>,
      %mul3A_1107 = arith.constant 8 : i32
      %mul3A_1108 = arith.muli %add3A_763, %mul3A_1107 : i32
      %add3A_1109 = arith.addi %mul3A_2, %mul3A_1108 : i32
      %multiple_of3A_1110 = tpu.assume_multiple %add3A_1109, 8 : i32
      "tpu.region"() ({
        %run_scoped3A = tpu.sem_alloc : memref<!tpu.dma_semaphore, #tpu.memory_space<semaphore_mem>>
        %dma_start3A_1828 = arith.constant 0 : i32
        %dma_start3A_1829 = tpu.memref_slice %arg4[%multiple_of3A_1110, %dma_start3A_1828] : memref<16384x32xf32, #tpu.memory_space<hbm>> -> memref<8x32xf32, #tpu.memory_space<hbm>>
        %dma_start3A_1830 = arith.constant 0 : i32
        %dma_start3A_1831 = tpu.memref_slice %arg4[%multiple_of3A_1110, %dma_start3A_1830] : memref<16384x32xf32, #tpu.memory_space<hbm>> -> memref<8x32xf32, #tpu.memory_space<hbm>>
        tpu.enqueue_dma source(%arg9 : memref<8x32xf32, #tpu.memory_space<vmem>>) target(%dma_start3A_1831 : memref<8x32xf32, #tpu.memory_space<hbm>>) target_semaphore(%run_scoped3A : memref<!tpu.dma_semaphore, #tpu.memory_space<semaphore_mem>>)
        %dma_wait3A_1832 = arith.constant 0 : i32
        %dma_wait3A_1833 = tpu.memref_slice %arg4[%multiple_of3A_1110, %dma_wait3A_1832] : memref<16384x32xf32, #tpu.memory_space<hbm>> -> memref<8x32xf32, #tpu.memory_space<hbm>>
        %dma_wait3A_1834 = arith.constant 0 : i32
        %dma_wait3A_1835 = tpu.memref_slice %arg4[%multiple_of3A_1110, %dma_wait3A_1834] : memref<16384x32xf32, #tpu.memory_space<hbm>> -> memref<8x32xf32, #tpu.memory_space<hbm>>
        tpu.wait_dma2 semaphore(%run_scoped3A : memref<!tpu.dma_semaphore, #tpu.memory_space<semaphore_mem>>) src(%arg9 : memref<8x32xf32, #tpu.memory_space<vmem>>) dst(%dma_wait3A_1835 : memref<8x32xf32, #tpu.memory_space<hbm>>)
        tpu.yield
      }) : () -> ()
      %lt3A_1111 = arith.constant 64 : i32
      %lt3A_1112 = arith.cmpi slt, %add3A_765, %lt3A_1111 : i32
      %convert_element_type3A_1113 = arith.extui %lt3A_1112 : i1 to i32
      %cond3A_1114 = arith.constant 0 : i32
      %cond3A_1115 = arith.cmpi ne, %convert_element_type3A_1113, %cond3A_1114 : i32
      scf.if %cond3A_1115 {
        %mul3A_1828 = arith.constant 8 : i32
        %mul3A_1829 = arith.muli %add3A_765, %mul3A_1828 : i32
        %get3A_1830 = arith.index_cast %mul3A_1829 : i32 to index
        %get3A_1831 = tpu.vector_load %arg5[%get3A_1830] {strides = array<i32>} : memref<528xi32, #tpu.memory_space<vmem>>, vector<16xi32>,
        %shift_right_logical3A_1832 = arith.constant 7 : i32
        %shift_right_logical3A_1833 = vector.broadcast %shift_right_logical3A_1832 : i32 to vector<16xi32>
        %shift_right_logical3A_1834 = arith.shrui %get3A_1831, %shift_right_logical3A_1833 : vector<16xi32>
        %mul3A_1835 = arith.constant 128 : i32
        %mul3A_1836 = vector.broadcast %mul3A_1835 : i32 to vector<16xi32>
        %mul3A_1837 = arith.muli %shift_right_logical3A_1834, %mul3A_1836 : vector<16xi32>
        %and3A_1838 = arith.constant 127 : i32
        %and3A_1839 = vector.broadcast %and3A_1838 : i32 to vector<16xi32>
        %and3A_1840 = arith.andi %get3A_1831, %and3A_1839 : vector<16xi32>
        %slice3A_1841 = vector.extract_strided_slice %mul3A_1837 {offsets = [0], sizes = [1], strides = [1]} : vector<16xi32> to vector<1xi32>
        %squeeze3A_1842 = vector.extract %slice3A_1841[0] : i32 from vector<1xi32>
        %multiple_of3A_1843 = tpu.assume_multiple %squeeze3A_1842, 128 : i32
        %dma_start3A_1844 = arith.constant 0 : i32
        %dma_start3A_1845 = arith.constant 0 : i32
        %dma_start3A_1846 = arith.constant 0 : i32
        %dma_start3A_1847 = tpu.memref_slice %arg6[%dma_start3A_1844, %dma_start3A_1845, %dma_start3A_1846] : memref<8x32x128xf32, #tpu.memory_space<vmem>> -> memref<1x32x128xf32, #tpu.memory_space<vmem>>
        %dma_start3A_1848 = tpu.memref_squeeze %dma_start3A_1847 : memref<1x32x128xf32, #tpu.memory_space<vmem>> -> memref<32x128xf32, #tpu.memory_space<vmem>>
        %dma_start3A_1849 = arith.constant 0 : i32
        %dma_start3A_1850 = tpu.memref_slice %arg2[%dma_start3A_1849, %multiple_of3A_1843] : memref<32x1000000xf32, #tpu.memory_space<hbm>> -> memref<32x128xf32, #tpu.memory_space<hbm>>
        %dma_start3A_1851 = arith.constant 0 : i32
        %dma_start3A_1852 = arith.constant 0 : i32
        %dma_start3A_1853 = tpu.memref_slice %arg6[%dma_start3A_1844, %dma_start3A_1851, %dma_start3A_1852] : memref<8x32x128xf32, #tpu.memory_space<vmem>> -> memref<1x32x128xf32, #tpu.memory_space<vmem>>
        %dma_start3A_1854 = tpu.memref_squeeze %dma_start3A_1853 : memref<1x32x128xf32, #tpu.memory_space<vmem>> -> memref<32x128xf32, #tpu.memory_space<vmem>>
        %dma_start3A_1855 = arith.constant 0 : i32
        %dma_start3A_1856 = tpu.memref_slice %arg2[%dma_start3A_1855, %multiple_of3A_1843] : memref<32x1000000xf32, #tpu.memory_space<hbm>> -> memref<32x128xf32, #tpu.memory_space<hbm>>
        tpu.enqueue_dma source(%dma_start3A_1856 : memref<32x128xf32, #tpu.memory_space<hbm>>) target(%dma_start3A_1854 : memref<32x128xf32, #tpu.memory_space<vmem>>) target_semaphore(%arg10 : memref<!tpu.dma_semaphore, #tpu.memory_space<semaphore_mem>>)
        %slice3A_1857 = vector.extract_strided_slice %mul3A_1837 {offsets = [1], sizes = [1], strides = [1]} : vector<16xi32> to vector<1xi32>
        %squeeze3A_1858 = vector.extract %slice3A_1857[0] : i32 from vector<1xi32>
        %multiple_of3A_1859 = tpu.assume_multiple %squeeze3A_1858, 128 : i32
        %dma_start3A_1860 = arith.constant 1 : i32
        %dma_start3A_1861 = arith.constant 0 : i32
        %dma_start3A_1862 = arith.constant 0 : i32
        %dma_start3A_1863 = tpu.memref_slice %arg6[%dma_start3A_1860, %dma_start3A_1861, %dma_start3A_1862] : memref<8x32x128xf32, #tpu.memory_space<vmem>> -> memref<1x32x128xf32, #tpu.memory_space<vmem>>
        %dma_start3A_1864 = tpu.memref_squeeze %dma_start3A_1863 : memref<1x32x128xf32, #tpu.memory_space<vmem>> -> memref<32x128xf32, #tpu.memory_space<vmem>>
        %dma_start3A_1865 = arith.constant 0 : i32
        %dma_start3A_1866 = tpu.memref_slice %arg2[%dma_start3A_1865, %multiple_of3A_1859] : memref<32x1000000xf32, #tpu.memory_space<hbm>> -> memref<32x128xf32, #tpu.memory_space<hbm>>
        %dma_start3A_1867 = arith.constant 0 : i32
        %dma_start3A_1868 = arith.constant 0 : i32
        %dma_start3A_1869 = tpu.memref_slice %arg6[%dma_start3A_1860, %dma_start3A_1867, %dma_start3A_1868] : memref<8x32x128xf32, #tpu.memory_space<vmem>> -> memref<1x32x128xf32, #tpu.memory_space<vmem>>
        %dma_start3A_1870 = tpu.memref_squeeze %dma_start3A_1869 : memref<1x32x128xf32, #tpu.memory_space<vmem>> -> memref<32x128xf32, #tpu.memory_space<vmem>>
        %dma_start3A_1871 = arith.constant 0 : i32
        %dma_start3A_1872 = tpu.memref_slice %arg2[%dma_start3A_1871, %multiple_of3A_1859] : memref<32x1000000xf32, #tpu.memory_space<hbm>> -> memref<32x128xf32, #tpu.memory_space<hbm>>
        tpu.enqueue_dma source(%dma_start3A_1872 : memref<32x128xf32, #tpu.memory_space<hbm>>) target(%dma_start3A_1870 : memref<32x128xf32, #tpu.memory_space<vmem>>) target_semaphore(%arg10 : memref<!tpu.dma_semaphore, #tpu.memory_space<semaphore_mem>>)
        %slice3A_1873 = vector.extract_strided_slice %mul3A_1837 {offsets = [2], sizes = [1], strides = [1]} : vector<16xi32> to vector<1xi32>
        %squeeze3A_1874 = vector.extract %slice3A_1873[0] : i32 from vector<1xi32>
        %multiple_of3A_1875 = tpu.assume_multiple %squeeze3A_1874, 128 : i32
        %dma_start3A_1876 = arith.constant 2 : i32
        %dma_start3A_1877 = arith.constant 0 : i32
        %dma_start3A_1878 = arith.constant 0 : i32
        %dma_start3A_1879 = tpu.memref_slice %arg6[%dma_start3A_1876, %dma_start3A_1877, %dma_start3A_1878] : memref<8x32x128xf32, #tpu.memory_space<vmem>> -> memref<1x32x128xf32, #tpu.memory_space<vmem>>
        %dma_start3A_1880 = tpu.memref_squeeze %dma_start3A_1879 : memref<1x32x128xf32, #tpu.memory_space<vmem>> -> memref<32x128xf32, #tpu.memory_space<vmem>>
        %dma_start3A_1881 = arith.constant 0 : i32
        %dma_start3A_1882 = tpu.memref_slice %arg2[%dma_start3A_1881, %multiple_of3A_1875] : memref<32x1000000xf32, #tpu.memory_space<hbm>> -> memref<32x128xf32, #tpu.memory_space<hbm>>
        %dma_start3A_1883 = arith.constant 0 : i32
        %dma_start3A_1884 = arith.constant 0 : i32
        %dma_start3A_1885 = tpu.memref_slice %arg6[%dma_start3A_1876, %dma_start3A_1883, %dma_start3A_1884] : memref<8x32x128xf32, #tpu.memory_space<vmem>> -> memref<1x32x128xf32, #tpu.memory_space<vmem>>
        %dma_start3A_1886 = tpu.memref_squeeze %dma_start3A_1885 : memref<1x32x128xf32, #tpu.memory_space<vmem>> -> memref<32x128xf32, #tpu.memory_space<vmem>>
        %dma_start3A_1887 = arith.constant 0 : i32
        %dma_start3A_1888 = tpu.memref_slice %arg2[%dma_start3A_1887, %multiple_of3A_1875] : memref<32x1000000xf32, #tpu.memory_space<hbm>> -> memref<32x128xf32, #tpu.memory_space<hbm>>
        tpu.enqueue_dma source(%dma_start3A_1888 : memref<32x128xf32, #tpu.memory_space<hbm>>) target(%dma_start3A_1886 : memref<32x128xf32, #tpu.memory_space<vmem>>) target_semaphore(%arg10 : memref<!tpu.dma_semaphore, #tpu.memory_space<semaphore_mem>>)
        %slice3A_1889 = vector.extract_strided_slice %mul3A_1837 {offsets = [3], sizes = [1], strides = [1]} : vector<16xi32> to vector<1xi32>
        %squeeze3A_1890 = vector.extract %slice3A_1889[0] : i32 from vector<1xi32>
        %multiple_of3A_1891 = tpu.assume_multiple %squeeze3A_1890, 128 : i32
        %dma_start3A_1892 = arith.constant 3 : i32
        %dma_start3A_1893 = arith.constant 0 : i32
        %dma_start3A_1894 = arith.constant 0 : i32
        %dma_start3A_1895 = tpu.memref_slice %arg6[%dma_start3A_1892, %dma_start3A_1893, %dma_start3A_1894] : memref<8x32x128xf32, #tpu.memory_space<vmem>> -> memref<1x32x128xf32, #tpu.memory_space<vmem>>
        %dma_start3A_1896 = tpu.memref_squeeze %dma_start3A_1895 : memref<1x32x128xf32, #tpu.memory_space<vmem>> -> memref<32x128xf32, #tpu.memory_space<vmem>>
        %dma_start3A_1897 = arith.constant 0 : i32
        %dma_start3A_1898 = tpu.memref_slice %arg2[%dma_start3A_1897, %multiple_of3A_1891] : memref<32x1000000xf32, #tpu.memory_space<hbm>> -> memref<32x128xf32, #tpu.memory_space<hbm>>
        %dma_start3A_1899 = arith.constant 0 : i32
        %dma_start3A_1900 = arith.constant 0 : i32
        %dma_start3A_1901 = tpu.memref_slice %arg6[%dma_start3A_1892, %dma_start3A_1899, %dma_start3A_1900] : memref<8x32x128xf32, #tpu.memory_space<vmem>> -> memref<1x32x128xf32, #tpu.memory_space<vmem>>
        %dma_start3A_1902 = tpu.memref_squeeze %dma_start3A_1901 : memref<1x32x128xf32, #tpu.memory_space<vmem>> -> memref<32x128xf32, #tpu.memory_space<vmem>>
        %dma_start3A_1903 = arith.constant 0 : i32
        %dma_start3A_1904 = tpu.memref_slice %arg2[%dma_start3A_1903, %multiple_of3A_1891] : memref<32x1000000xf32, #tpu.memory_space<hbm>> -> memref<32x128xf32, #tpu.memory_space<hbm>>
        tpu.enqueue_dma source(%dma_start3A_1904 : memref<32x128xf32, #tpu.memory_space<hbm>>) target(%dma_start3A_1902 : memref<32x128xf32, #tpu.memory_space<vmem>>) target_semaphore(%arg10 : memref<!tpu.dma_semaphore, #tpu.memory_space<semaphore_mem>>)
        %slice3A_1905 = vector.extract_strided_slice %mul3A_1837 {offsets = [4], sizes = [1], strides = [1]} : vector<16xi32> to vector<1xi32>
        %squeeze3A_1906 = vector.extract %slice3A_1905[0] : i32 from vector<1xi32>
        %multiple_of3A_1907 = tpu.assume_multiple %squeeze3A_1906, 128 : i32
        %dma_start3A_1908 = arith.constant 4 : i32
        %dma_start3A_1909 = arith.constant 0 : i32
        %dma_start3A_1910 = arith.constant 0 : i32
        %dma_start3A_1911 = tpu.memref_slice %arg6[%dma_start3A_1908, %dma_start3A_1909, %dma_start3A_1910] : memref<8x32x128xf32, #tpu.memory_space<vmem>> -> memref<1x32x128xf32, #tpu.memory_space<vmem>>
        %dma_start3A_1912 = tpu.memref_squeeze %dma_start3A_1911 : memref<1x32x128xf32, #tpu.memory_space<vmem>> -> memref<32x128xf32, #tpu.memory_space<vmem>>
        %dma_start3A_1913 = arith.constant 0 : i32
        %dma_start3A_1914 = tpu.memref_slice %arg2[%dma_start3A_1913, %multiple_of3A_1907] : memref<32x1000000xf32, #tpu.memory_space<hbm>> -> memref<32x128xf32, #tpu.memory_space<hbm>>
        %dma_start3A_1915 = arith.constant 0 : i32
        %dma_start3A_1916 = arith.constant 0 : i32
        %dma_start3A_1917 = tpu.memref_slice %arg6[%dma_start3A_1908, %dma_start3A_1915, %dma_start3A_1916] : memref<8x32x128xf32, #tpu.memory_space<vmem>> -> memref<1x32x128xf32, #tpu.memory_space<vmem>>
        %dma_start3A_1918 = tpu.memref_squeeze %dma_start3A_1917 : memref<1x32x128xf32, #tpu.memory_space<vmem>> -> memref<32x128xf32, #tpu.memory_space<vmem>>
        %dma_start3A_1919 = arith.constant 0 : i32
        %dma_start3A_1920 = tpu.memref_slice %arg2[%dma_start3A_1919, %multiple_of3A_1907] : memref<32x1000000xf32, #tpu.memory_space<hbm>> -> memref<32x128xf32, #tpu.memory_space<hbm>>
        tpu.enqueue_dma source(%dma_start3A_1920 : memref<32x128xf32, #tpu.memory_space<hbm>>) target(%dma_start3A_1918 : memref<32x128xf32, #tpu.memory_space<vmem>>) target_semaphore(%arg10 : memref<!tpu.dma_semaphore, #tpu.memory_space<semaphore_mem>>)
        %slice3A_1921 = vector.extract_strided_slice %mul3A_1837 {offsets = [5], sizes = [1], strides = [1]} : vector<16xi32> to vector<1xi32>
        %squeeze3A_1922 = vector.extract %slice3A_1921[0] : i32 from vector<1xi32>
        %multiple_of3A_1923 = tpu.assume_multiple %squeeze3A_1922, 128 : i32
        %dma_start3A_1924 = arith.constant 5 : i32
        %dma_start3A_1925 = arith.constant 0 : i32
        %dma_start3A_1926 = arith.constant 0 : i32
        %dma_start3A_1927 = tpu.memref_slice %arg6[%dma_start3A_1924, %dma_start3A_1925, %dma_start3A_1926] : memref<8x32x128xf32, #tpu.memory_space<vmem>> -> memref<1x32x128xf32, #tpu.memory_space<vmem>>
        %dma_start3A_1928 = tpu.memref_squeeze %dma_start3A_1927 : memref<1x32x128xf32, #tpu.memory_space<vmem>> -> memref<32x128xf32, #tpu.memory_space<vmem>>
        %dma_start3A_1929 = arith.constant 0 : i32
        %dma_start3A_1930 = tpu.memref_slice %arg2[%dma_start3A_1929, %multiple_of3A_1923] : memref<32x1000000xf32, #tpu.memory_space<hbm>> -> memref<32x128xf32, #tpu.memory_space<hbm>>
        %dma_start3A_1931 = arith.constant 0 : i32
        %dma_start3A_1932 = arith.constant 0 : i32
        %dma_start3A_1933 = tpu.memref_slice %arg6[%dma_start3A_1924, %dma_start3A_1931, %dma_start3A_1932] : memref<8x32x128xf32, #tpu.memory_space<vmem>> -> memref<1x32x128xf32, #tpu.memory_space<vmem>>
        %dma_start3A_1934 = tpu.memref_squeeze %dma_start3A_1933 : memref<1x32x128xf32, #tpu.memory_space<vmem>> -> memref<32x128xf32, #tpu.memory_space<vmem>>
        %dma_start3A_1935 = arith.constant 0 : i32
        %dma_start3A_1936 = tpu.memref_slice %arg2[%dma_start3A_1935, %multiple_of3A_1923] : memref<32x1000000xf32, #tpu.memory_space<hbm>> -> memref<32x128xf32, #tpu.memory_space<hbm>>
        tpu.enqueue_dma source(%dma_start3A_1936 : memref<32x128xf32, #tpu.memory_space<hbm>>) target(%dma_start3A_1934 : memref<32x128xf32, #tpu.memory_space<vmem>>) target_semaphore(%arg10 : memref<!tpu.dma_semaphore, #tpu.memory_space<semaphore_mem>>)
        %slice3A_1937 = vector.extract_strided_slice %mul3A_1837 {offsets = [6], sizes = [1], strides = [1]} : vector<16xi32> to vector<1xi32>
        %squeeze3A_1938 = vector.extract %slice3A_1937[0] : i32 from vector<1xi32>
        %multiple_of3A_1939 = tpu.assume_multiple %squeeze3A_1938, 128 : i32
        %dma_start3A_1940 = arith.constant 6 : i32
        %dma_start3A_1941 = arith.constant 0 : i32
        %dma_start3A_1942 = arith.constant 0 : i32
        %dma_start3A_1943 = tpu.memref_slice %arg6[%dma_start3A_1940, %dma_start3A_1941, %dma_start3A_1942] : memref<8x32x128xf32, #tpu.memory_space<vmem>> -> memref<1x32x128xf32, #tpu.memory_space<vmem>>
        %dma_start3A_1944 = tpu.memref_squeeze %dma_start3A_1943 : memref<1x32x128xf32, #tpu.memory_space<vmem>> -> memref<32x128xf32, #tpu.memory_space<vmem>>
        %dma_start3A_1945 = arith.constant 0 : i32
        %dma_start3A_1946 = tpu.memref_slice %arg2[%dma_start3A_1945, %multiple_of3A_1939] : memref<32x1000000xf32, #tpu.memory_space<hbm>> -> memref<32x128xf32, #tpu.memory_space<hbm>>
        %dma_start3A_1947 = arith.constant 0 : i32
        %dma_start3A_1948 = arith.constant 0 : i32
        %dma_start3A_1949 = tpu.memref_slice %arg6[%dma_start3A_1940, %dma_start3A_1947, %dma_start3A_1948] : memref<8x32x128xf32, #tpu.memory_space<vmem>> -> memref<1x32x128xf32, #tpu.memory_space<vmem>>
        %dma_start3A_1950 = tpu.memref_squeeze %dma_start3A_1949 : memref<1x32x128xf32, #tpu.memory_space<vmem>> -> memref<32x128xf32, #tpu.memory_space<vmem>>
        %dma_start3A_1951 = arith.constant 0 : i32
        %dma_start3A_1952 = tpu.memref_slice %arg2[%dma_start3A_1951, %multiple_of3A_1939] : memref<32x1000000xf32, #tpu.memory_space<hbm>> -> memref<32x128xf32, #tpu.memory_space<hbm>>
        tpu.enqueue_dma source(%dma_start3A_1952 : memref<32x128xf32, #tpu.memory_space<hbm>>) target(%dma_start3A_1950 : memref<32x128xf32, #tpu.memory_space<vmem>>) target_semaphore(%arg10 : memref<!tpu.dma_semaphore, #tpu.memory_space<semaphore_mem>>)
        %slice3A_1953 = vector.extract_strided_slice %mul3A_1837 {offsets = [7], sizes = [1], strides = [1]} : vector<16xi32> to vector<1xi32>
        %squeeze3A_1954 = vector.extract %slice3A_1953[0] : i32 from vector<1xi32>
        %multiple_of3A_1955 = tpu.assume_multiple %squeeze3A_1954, 128 : i32
        %dma_start3A_1956 = arith.constant 7 : i32
        %dma_start3A_1957 = arith.constant 0 : i32
        %dma_start3A_1958 = arith.constant 0 : i32
        %dma_start3A_1959 = tpu.memref_slice %arg6[%dma_start3A_1956, %dma_start3A_1957, %dma_start3A_1958] : memref<8x32x128xf32, #tpu.memory_space<vmem>> -> memref<1x32x128xf32, #tpu.memory_space<vmem>>
        %dma_start3A_1960 = tpu.memref_squeeze %dma_start3A_1959 : memref<1x32x128xf32, #tpu.memory_space<vmem>> -> memref<32x128xf32, #tpu.memory_space<vmem>>
        %dma_start3A_1961 = arith.constant 0 : i32
        %dma_start3A_1962 = tpu.memref_slice %arg2[%dma_start3A_1961, %multiple_of3A_1955] : memref<32x1000000xf32, #tpu.memory_space<hbm>> -> memref<32x128xf32, #tpu.memory_space<hbm>>
        %dma_start3A_1963 = arith.constant 0 : i32
        %dma_start3A_1964 = arith.constant 0 : i32
        %dma_start3A_1965 = tpu.memref_slice %arg6[%dma_start3A_1956, %dma_start3A_1963, %dma_start3A_1964] : memref<8x32x128xf32, #tpu.memory_space<vmem>> -> memref<1x32x128xf32, #tpu.memory_space<vmem>>
        %dma_start3A_1966 = tpu.memref_squeeze %dma_start3A_1965 : memref<1x32x128xf32, #tpu.memory_space<vmem>> -> memref<32x128xf32, #tpu.memory_space<vmem>>
        %dma_start3A_1967 = arith.constant 0 : i32
        %dma_start3A_1968 = tpu.memref_slice %arg2[%dma_start3A_1967, %multiple_of3A_1955] : memref<32x1000000xf32, #tpu.memory_space<hbm>> -> memref<32x128xf32, #tpu.memory_space<hbm>>
        tpu.enqueue_dma source(%dma_start3A_1968 : memref<32x128xf32, #tpu.memory_space<hbm>>) target(%dma_start3A_1966 : memref<32x128xf32, #tpu.memory_space<vmem>>) target_semaphore(%arg10 : memref<!tpu.dma_semaphore, #tpu.memory_space<semaphore_mem>>)
      } else {
      }
      %mul3A_1116 = arith.constant 3 : i32
      %mul3A_1117 = arith.muli %scan3A_759, %mul3A_1116 : i32
      %add3A_1118 = arith.constant 1 : i32
      %add3A_1119 = arith.addi %mul3A_1117, %add3A_1118 : i32
      %add3A_1120 = arith.constant 3 : i32
      %add3A_1121 = arith.addi %add3A_1119, %add3A_1120 : i32
      %mul3A_1122 = arith.constant 8 : i32
      %mul3A_1123 = arith.muli %add3A_1119, %mul3A_1122 : i32
      %get3A_1124 = arith.index_cast %mul3A_1123 : i32 to index
      %get3A_1125 = tpu.vector_load %arg5[%get3A_1124] {strides = array<i32>} : memref<528xi32, #tpu.memory_space<vmem>>, vector<16xi32>,
      %shift_right_logical3A_1126 = arith.constant 7 : i32
      %shift_right_logical3A_1127 = vector.broadcast %shift_right_logical3A_1126 : i32 to vector<16xi32>
      %shift_right_logical3A_1128 = arith.shrui %get3A_1125, %shift_right_logical3A_1127 : vector<16xi32>
      %mul3A_1129 = arith.constant 128 : i32
      %mul3A_1130 = vector.broadcast %mul3A_1129 : i32 to vector<16xi32>
      %mul3A_1131 = arith.muli %shift_right_logical3A_1128, %mul3A_1130 : vector<16xi32>
      %and3A_1132 = arith.constant 127 : i32
      %and3A_1133 = vector.broadcast %and3A_1132 : i32 to vector<16xi32>
      %and3A_1134 = arith.andi %get3A_1125, %and3A_1133 : vector<16xi32>
      %dma_wait3A_1135 = arith.constant 0 : i32
      %dma_wait3A_1136 = arith.constant 0 : i32
      %dma_wait3A_1137 = arith.constant 0 : i32
      %dma_wait3A_1138 = tpu.memref_slice %arg7[%dma_wait3A_1135, %dma_wait3A_1136, %dma_wait3A_1137] : memref<8x32x128xf32, #tpu.memory_space<vmem>> -> memref<1x32x128xf32, #tpu.memory_space<vmem>>
      %dma_wait3A_1139 = tpu.memref_squeeze %dma_wait3A_1138 : memref<1x32x128xf32, #tpu.memory_space<vmem>> -> memref<32x128xf32, #tpu.memory_space<vmem>>
      %dma_wait3A_1140 = arith.constant 0 : i32
      %dma_wait3A_1141 = arith.constant 0 : i32
      %dma_wait3A_1142 = tpu.memref_slice %arg2[%dma_wait3A_1140, %dma_wait3A_1141] : memref<32x1000000xf32, #tpu.memory_space<hbm>> -> memref<32x128xf32, #tpu.memory_space<hbm>>
      %dma_wait3A_1143 = arith.constant 0 : i32
      %dma_wait3A_1144 = arith.constant 0 : i32
      %dma_wait3A_1145 = tpu.memref_slice %arg7[%dma_wait3A_1135, %dma_wait3A_1143, %dma_wait3A_1144] : memref<8x32x128xf32, #tpu.memory_space<vmem>> -> memref<1x32x128xf32, #tpu.memory_space<vmem>>
      %dma_wait3A_1146 = tpu.memref_squeeze %dma_wait3A_1145 : memref<1x32x128xf32, #tpu.memory_space<vmem>> -> memref<32x128xf32, #tpu.memory_space<vmem>>
      %dma_wait3A_1147 = arith.constant 0 : i32
      %dma_wait3A_1148 = arith.constant 0 : i32
      %dma_wait3A_1149 = tpu.memref_slice %arg2[%dma_wait3A_1147, %dma_wait3A_1148] : memref<32x1000000xf32, #tpu.memory_space<hbm>> -> memref<32x128xf32, #tpu.memory_space<hbm>>
      tpu.wait_dma2 semaphore(%arg11 : memref<!tpu.dma_semaphore, #tpu.memory_space<semaphore_mem>>) src(%dma_wait3A_1149 : memref<32x128xf32, #tpu.memory_space<hbm>>) dst(%dma_wait3A_1146 : memref<32x128xf32, #tpu.memory_space<vmem>>)
      %dma_wait3A_1150 = arith.constant 1 : i32
      %dma_wait3A_1151 = arith.constant 0 : i32
      %dma_wait3A_1152 = arith.constant 0 : i32
      %dma_wait3A_1153 = tpu.memref_slice %arg7[%dma_wait3A_1150, %dma_wait3A_1151, %dma_wait3A_1152] : memref<8x32x128xf32, #tpu.memory_space<vmem>> -> memref<1x32x128xf32, #tpu.memory_space<vmem>>
      %dma_wait3A_1154 = tpu.memref_squeeze %dma_wait3A_1153 : memref<1x32x128xf32, #tpu.memory_space<vmem>> -> memref<32x128xf32, #tpu.memory_space<vmem>>
      %dma_wait3A_1155 = arith.constant 0 : i32
      %dma_wait3A_1156 = arith.constant 0 : i32
      %dma_wait3A_1157 = tpu.memref_slice %arg2[%dma_wait3A_1155, %dma_wait3A_1156] : memref<32x1000000xf32, #tpu.memory_space<hbm>> -> memref<32x128xf32, #tpu.memory_space<hbm>>
      %dma_wait3A_1158 = arith.constant 0 : i32
      %dma_wait3A_1159 = arith.constant 0 : i32
      %dma_wait3A_1160 = tpu.memref_slice %arg7[%dma_wait3A_1150, %dma_wait3A_1158, %dma_wait3A_1159] : memref<8x32x128xf32, #tpu.memory_space<vmem>> -> memref<1x32x128xf32, #tpu.memory_space<vmem>>
      %dma_wait3A_1161 = tpu.memref_squeeze %dma_wait3A_1160 : memref<1x32x128xf32, #tpu.memory_space<vmem>> -> memref<32x128xf32, #tpu.memory_space<vmem>>
      %dma_wait3A_1162 = arith.constant 0 : i32
      %dma_wait3A_1163 = arith.constant 0 : i32
      %dma_wait3A_1164 = tpu.memref_slice %arg2[%dma_wait3A_1162, %dma_wait3A_1163] : memref<32x1000000xf32, #tpu.memory_space<hbm>> -> memref<32x128xf32, #tpu.memory_space<hbm>>
      tpu.wait_dma2 semaphore(%arg11 : memref<!tpu.dma_semaphore, #tpu.memory_space<semaphore_mem>>) src(%dma_wait3A_1164 : memref<32x128xf32, #tpu.memory_space<hbm>>) dst(%dma_wait3A_1161 : memref<32x128xf32, #tpu.memory_space<vmem>>)
      %dma_wait3A_1165 = arith.constant 2 : i32
      %dma_wait3A_1166 = arith.constant 0 : i32
      %dma_wait3A_1167 = arith.constant 0 : i32
      %dma_wait3A_1168 = tpu.memref_slice %arg7[%dma_wait3A_1165, %dma_wait3A_1166, %dma_wait3A_1167] : memref<8x32x128xf32, #tpu.memory_space<vmem>> -> memref<1x32x128xf32, #tpu.memory_space<vmem>>
      %dma_wait3A_1169 = tpu.memref_squeeze %dma_wait3A_1168 : memref<1x32x128xf32, #tpu.memory_space<vmem>> -> memref<32x128xf32, #tpu.memory_space<vmem>>
      %dma_wait3A_1170 = arith.constant 0 : i32
      %dma_wait3A_1171 = arith.constant 0 : i32
      %dma_wait3A_1172 = tpu.memref_slice %arg2[%dma_wait3A_1170, %dma_wait3A_1171] : memref<32x1000000xf32, #tpu.memory_space<hbm>> -> memref<32x128xf32, #tpu.memory_space<hbm>>
      %dma_wait3A_1173 = arith.constant 0 : i32
      %dma_wait3A_1174 = arith.constant 0 : i32
      %dma_wait3A_1175 = tpu.memref_slice %arg7[%dma_wait3A_1165, %dma_wait3A_1173, %dma_wait3A_1174] : memref<8x32x128xf32, #tpu.memory_space<vmem>> -> memref<1x32x128xf32, #tpu.memory_space<vmem>>
      %dma_wait3A_1176 = tpu.memref_squeeze %dma_wait3A_1175 : memref<1x32x128xf32, #tpu.memory_space<vmem>> -> memref<32x128xf32, #tpu.memory_space<vmem>>
      %dma_wait3A_1177 = arith.constant 0 : i32
      %dma_wait3A_1178 = arith.constant 0 : i32
      %dma_wait3A_1179 = tpu.memref_slice %arg2[%dma_wait3A_1177, %dma_wait3A_1178] : memref<32x1000000xf32, #tpu.memory_space<hbm>> -> memref<32x128xf32, #tpu.memory_space<hbm>>
      tpu.wait_dma2 semaphore(%arg11 : memref<!tpu.dma_semaphore, #tpu.memory_space<semaphore_mem>>) src(%dma_wait3A_1179 : memref<32x128xf32, #tpu.memory_space<hbm>>) dst(%dma_wait3A_1176 : memref<32x128xf32, #tpu.memory_space<vmem>>)
      %dma_wait3A_1180 = arith.constant 3 : i32
      %dma_wait3A_1181 = arith.constant 0 : i32
      %dma_wait3A_1182 = arith.constant 0 : i32
      %dma_wait3A_1183 = tpu.memref_slice %arg7[%dma_wait3A_1180, %dma_wait3A_1181, %dma_wait3A_1182] : memref<8x32x128xf32, #tpu.memory_space<vmem>> -> memref<1x32x128xf32, #tpu.memory_space<vmem>>
      %dma_wait3A_1184 = tpu.memref_squeeze %dma_wait3A_1183 : memref<1x32x128xf32, #tpu.memory_space<vmem>> -> memref<32x128xf32, #tpu.memory_space<vmem>>
      %dma_wait3A_1185 = arith.constant 0 : i32
      %dma_wait3A_1186 = arith.constant 0 : i32
      %dma_wait3A_1187 = tpu.memref_slice %arg2[%dma_wait3A_1185, %dma_wait3A_1186] : memref<32x1000000xf32, #tpu.memory_space<hbm>> -> memref<32x128xf32, #tpu.memory_space<hbm>>
      %dma_wait3A_1188 = arith.constant 0 : i32
      %dma_wait3A_1189 = arith.constant 0 : i32
      %dma_wait3A_1190 = tpu.memref_slice %arg7[%dma_wait3A_1180, %dma_wait3A_1188, %dma_wait3A_1189] : memref<8x32x128xf32, #tpu.memory_space<vmem>> -> memref<1x32x128xf32, #tpu.memory_space<vmem>>
      %dma_wait3A_1191 = tpu.memref_squeeze %dma_wait3A_1190 : memref<1x32x128xf32, #tpu.memory_space<vmem>> -> memref<32x128xf32, #tpu.memory_space<vmem>>
      %dma_wait3A_1192 = arith.constant 0 : i32
      %dma_wait3A_1193 = arith.constant 0 : i32
      %dma_wait3A_1194 = tpu.memref_slice %arg2[%dma_wait3A_1192, %dma_wait3A_1193] : memref<32x1000000xf32, #tpu.memory_space<hbm>> -> memref<32x128xf32, #tpu.memory_space<hbm>>
      tpu.wait_dma2 semaphore(%arg11 : memref<!tpu.dma_semaphore, #tpu.memory_space<semaphore_mem>>) src(%dma_wait3A_1194 : memref<32x128xf32, #tpu.memory_space<hbm>>) dst(%dma_wait3A_1191 : memref<32x128xf32, #tpu.memory_space<vmem>>)
      %dma_wait3A_1195 = arith.constant 4 : i32
      %dma_wait3A_1196 = arith.constant 0 : i32
      %dma_wait3A_1197 = arith.constant 0 : i32
      %dma_wait3A_1198 = tpu.memref_slice %arg7[%dma_wait3A_1195, %dma_wait3A_1196, %dma_wait3A_1197] : memref<8x32x128xf32, #tpu.memory_space<vmem>> -> memref<1x32x128xf32, #tpu.memory_space<vmem>>
      %dma_wait3A_1199 = tpu.memref_squeeze %dma_wait3A_1198 : memref<1x32x128xf32, #tpu.memory_space<vmem>> -> memref<32x128xf32, #tpu.memory_space<vmem>>
      %dma_wait3A_1200 = arith.constant 0 : i32
      %dma_wait3A_1201 = arith.constant 0 : i32
      %dma_wait3A_1202 = tpu.memref_slice %arg2[%dma_wait3A_1200, %dma_wait3A_1201] : memref<32x1000000xf32, #tpu.memory_space<hbm>> -> memref<32x128xf32, #tpu.memory_space<hbm>>
      %dma_wait3A_1203 = arith.constant 0 : i32
      %dma_wait3A_1204 = arith.constant 0 : i32
      %dma_wait3A_1205 = tpu.memref_slice %arg7[%dma_wait3A_1195, %dma_wait3A_1203, %dma_wait3A_1204] : memref<8x32x128xf32, #tpu.memory_space<vmem>> -> memref<1x32x128xf32, #tpu.memory_space<vmem>>
      %dma_wait3A_1206 = tpu.memref_squeeze %dma_wait3A_1205 : memref<1x32x128xf32, #tpu.memory_space<vmem>> -> memref<32x128xf32, #tpu.memory_space<vmem>>
      %dma_wait3A_1207 = arith.constant 0 : i32
      %dma_wait3A_1208 = arith.constant 0 : i32
      %dma_wait3A_1209 = tpu.memref_slice %arg2[%dma_wait3A_1207, %dma_wait3A_1208] : memref<32x1000000xf32, #tpu.memory_space<hbm>> -> memref<32x128xf32, #tpu.memory_space<hbm>>
      tpu.wait_dma2 semaphore(%arg11 : memref<!tpu.dma_semaphore, #tpu.memory_space<semaphore_mem>>) src(%dma_wait3A_1209 : memref<32x128xf32, #tpu.memory_space<hbm>>) dst(%dma_wait3A_1206 : memref<32x128xf32, #tpu.memory_space<vmem>>)
      %dma_wait3A_1210 = arith.constant 5 : i32
      %dma_wait3A_1211 = arith.constant 0 : i32
      %dma_wait3A_1212 = arith.constant 0 : i32
      %dma_wait3A_1213 = tpu.memref_slice %arg7[%dma_wait3A_1210, %dma_wait3A_1211, %dma_wait3A_1212] : memref<8x32x128xf32, #tpu.memory_space<vmem>> -> memref<1x32x128xf32, #tpu.memory_space<vmem>>
      %dma_wait3A_1214 = tpu.memref_squeeze %dma_wait3A_1213 : memref<1x32x128xf32, #tpu.memory_space<vmem>> -> memref<32x128xf32, #tpu.memory_space<vmem>>
      %dma_wait3A_1215 = arith.constant 0 : i32
      %dma_wait3A_1216 = arith.constant 0 : i32
      %dma_wait3A_1217 = tpu.memref_slice %arg2[%dma_wait3A_1215, %dma_wait3A_1216] : memref<32x1000000xf32, #tpu.memory_space<hbm>> -> memref<32x128xf32, #tpu.memory_space<hbm>>
      %dma_wait3A_1218 = arith.constant 0 : i32
      %dma_wait3A_1219 = arith.constant 0 : i32
      %dma_wait3A_1220 = tpu.memref_slice %arg7[%dma_wait3A_1210, %dma_wait3A_1218, %dma_wait3A_1219] : memref<8x32x128xf32, #tpu.memory_space<vmem>> -> memref<1x32x128xf32, #tpu.memory_space<vmem>>
      %dma_wait3A_1221 = tpu.memref_squeeze %dma_wait3A_1220 : memref<1x32x128xf32, #tpu.memory_space<vmem>> -> memref<32x128xf32, #tpu.memory_space<vmem>>
      %dma_wait3A_1222 = arith.constant 0 : i32
      %dma_wait3A_1223 = arith.constant 0 : i32
      %dma_wait3A_1224 = tpu.memref_slice %arg2[%dma_wait3A_1222, %dma_wait3A_1223] : memref<32x1000000xf32, #tpu.memory_space<hbm>> -> memref<32x128xf32, #tpu.memory_space<hbm>>
      tpu.wait_dma2 semaphore(%arg11 : memref<!tpu.dma_semaphore, #tpu.memory_space<semaphore_mem>>) src(%dma_wait3A_1224 : memref<32x128xf32, #tpu.memory_space<hbm>>) dst(%dma_wait3A_1221 : memref<32x128xf32, #tpu.memory_space<vmem>>)
      %dma_wait3A_1225 = arith.constant 6 : i32
      %dma_wait3A_1226 = arith.constant 0 : i32
      %dma_wait3A_1227 = arith.constant 0 : i32
      %dma_wait3A_1228 = tpu.memref_slice %arg7[%dma_wait3A_1225, %dma_wait3A_1226, %dma_wait3A_1227] : memref<8x32x128xf32, #tpu.memory_space<vmem>> -> memref<1x32x128xf32, #tpu.memory_space<vmem>>
      %dma_wait3A_1229 = tpu.memref_squeeze %dma_wait3A_1228 : memref<1x32x128xf32, #tpu.memory_space<vmem>> -> memref<32x128xf32, #tpu.memory_space<vmem>>
      %dma_wait3A_1230 = arith.constant 0 : i32
      %dma_wait3A_1231 = arith.constant 0 : i32
      %dma_wait3A_1232 = tpu.memref_slice %arg2[%dma_wait3A_1230, %dma_wait3A_1231] : memref<32x1000000xf32, #tpu.memory_space<hbm>> -> memref<32x128xf32, #tpu.memory_space<hbm>>
      %dma_wait3A_1233 = arith.constant 0 : i32
      %dma_wait3A_1234 = arith.constant 0 : i32
      %dma_wait3A_1235 = tpu.memref_slice %arg7[%dma_wait3A_1225, %dma_wait3A_1233, %dma_wait3A_1234] : memref<8x32x128xf32, #tpu.memory_space<vmem>> -> memref<1x32x128xf32, #tpu.memory_space<vmem>>
      %dma_wait3A_1236 = tpu.memref_squeeze %dma_wait3A_1235 : memref<1x32x128xf32, #tpu.memory_space<vmem>> -> memref<32x128xf32, #tpu.memory_space<vmem>>
      %dma_wait3A_1237 = arith.constant 0 : i32
      %dma_wait3A_1238 = arith.constant 0 : i32
      %dma_wait3A_1239 = tpu.memref_slice %arg2[%dma_wait3A_1237, %dma_wait3A_1238] : memref<32x1000000xf32, #tpu.memory_space<hbm>> -> memref<32x128xf32, #tpu.memory_space<hbm>>
      tpu.wait_dma2 semaphore(%arg11 : memref<!tpu.dma_semaphore, #tpu.memory_space<semaphore_mem>>) src(%dma_wait3A_1239 : memref<32x128xf32, #tpu.memory_space<hbm>>) dst(%dma_wait3A_1236 : memref<32x128xf32, #tpu.memory_space<vmem>>)
      %dma_wait3A_1240 = arith.constant 7 : i32
      %dma_wait3A_1241 = arith.constant 0 : i32
      %dma_wait3A_1242 = arith.constant 0 : i32
      %dma_wait3A_1243 = tpu.memref_slice %arg7[%dma_wait3A_1240, %dma_wait3A_1241, %dma_wait3A_1242] : memref<8x32x128xf32, #tpu.memory_space<vmem>> -> memref<1x32x128xf32, #tpu.memory_space<vmem>>
      %dma_wait3A_1244 = tpu.memref_squeeze %dma_wait3A_1243 : memref<1x32x128xf32, #tpu.memory_space<vmem>> -> memref<32x128xf32, #tpu.memory_space<vmem>>
      %dma_wait3A_1245 = arith.constant 0 : i32
      %dma_wait3A_1246 = arith.constant 0 : i32
      %dma_wait3A_1247 = tpu.memref_slice %arg2[%dma_wait3A_1245, %dma_wait3A_1246] : memref<32x1000000xf32, #tpu.memory_space<hbm>> -> memref<32x128xf32, #tpu.memory_space<hbm>>
      %dma_wait3A_1248 = arith.constant 0 : i32
      %dma_wait3A_1249 = arith.constant 0 : i32
      %dma_wait3A_1250 = tpu.memref_slice %arg7[%dma_wait3A_1240, %dma_wait3A_1248, %dma_wait3A_1249] : memref<8x32x128xf32, #tpu.memory_space<vmem>> -> memref<1x32x128xf32, #tpu.memory_space<vmem>>
      %dma_wait3A_1251 = tpu.memref_squeeze %dma_wait3A_1250 : memref<1x32x128xf32, #tpu.memory_space<vmem>> -> memref<32x128xf32, #tpu.memory_space<vmem>>
      %dma_wait3A_1252 = arith.constant 0 : i32
      %dma_wait3A_1253 = arith.constant 0 : i32
      %dma_wait3A_1254 = tpu.memref_slice %arg2[%dma_wait3A_1252, %dma_wait3A_1253] : memref<32x1000000xf32, #tpu.memory_space<hbm>> -> memref<32x128xf32, #tpu.memory_space<hbm>>
      tpu.wait_dma2 semaphore(%arg11 : memref<!tpu.dma_semaphore, #tpu.memory_space<semaphore_mem>>) src(%dma_wait3A_1254 : memref<32x128xf32, #tpu.memory_space<hbm>>) dst(%dma_wait3A_1251 : memref<32x128xf32, #tpu.memory_space<vmem>>)
      %slice3A_1255 = vector.extract_strided_slice %and3A_1134 {offsets = [0], sizes = [1], strides = [1]} : vector<16xi32> to vector<1xi32>
      %squeeze3A_1256 = vector.extract %slice3A_1255[0] : i32 from vector<1xi32>
      %iota3A_1257 = tpu.iota {dimensions = array<i32: 0>} : vector<16xi32>
      %add3A_1258 = arith.constant 0 : i32
      %add3A_1259 = vector.broadcast %add3A_1258 : i32 to vector<16xi32>
      %add3A_1260 = arith.addi %iota3A_1257, %add3A_1259 : vector<16xi32>
      %broadcast_in_dim3A_1261 = arith.constant 0 : i32
      %broadcast_in_dim3A_1262 = vector.broadcast %broadcast_in_dim3A_1261 : i32 to vector<16xi32>
      %broadcast_in_dim3A_1263 = vector.broadcast %squeeze3A_1256 : i32 to vector<16xi32>
      %gather3A_1264 = tpu.vector_load_idx %arg7[%broadcast_in_dim3A_1262, %add3A_1260, %broadcast_in_dim3A_1263] : memref<8x32x128xf32, #tpu.memory_space<vmem>>[vector<16xi32>, vector<16xi32>, vector<16xi32>], vector<16xf32>,
      %swap3A_1265 = arith.constant 0 : i32
      %swap3A_1266 = arith.index_cast %swap3A_1265 : i32 to index
      %swap3A_1267 = arith.constant 0 : index
      %swap3A_1268 = tpu.vector_load %arg9[%swap3A_1266, %swap3A_1267] {strides = array<i32>} : memref<8x32xf32, #tpu.memory_space<vmem>>, vector<16xf32>,
      tpu.vector_store %arg9[%swap3A_1266, %swap3A_1267], %gather3A_1264 {strides = array<i32>} : memref<8x32xf32, #tpu.memory_space<vmem>>, vector<16xf32>,
      %iota3A_1269 = tpu.iota {dimensions = array<i32: 0>} : vector<16xi32>
      %add3A_1270 = arith.constant 16 : i32
      %add3A_1271 = vector.broadcast %add3A_1270 : i32 to vector<16xi32>
      %add3A_1272 = arith.addi %iota3A_1269, %add3A_1271 : vector<16xi32>
      %broadcast_in_dim3A_1273 = arith.constant 0 : i32
      %broadcast_in_dim3A_1274 = vector.broadcast %broadcast_in_dim3A_1273 : i32 to vector<16xi32>
      %broadcast_in_dim3A_1275 = vector.broadcast %squeeze3A_1256 : i32 to vector<16xi32>
      %gather3A_1276 = tpu.vector_load_idx %arg7[%broadcast_in_dim3A_1274, %add3A_1272, %broadcast_in_dim3A_1275] : memref<8x32x128xf32, #tpu.memory_space<vmem>>[vector<16xi32>, vector<16xi32>, vector<16xi32>], vector<16xf32>,
      %swap3A_1277 = arith.constant 0 : i32
      %swap3A_1278 = arith.index_cast %swap3A_1277 : i32 to index
      %swap3A_1279 = arith.constant 16 : index
      %swap3A_1280 = tpu.vector_load %arg9[%swap3A_1278, %swap3A_1279] {strides = array<i32>} : memref<8x32xf32, #tpu.memory_space<vmem>>, vector<16xf32>,
      tpu.vector_store %arg9[%swap3A_1278, %swap3A_1279], %gather3A_1276 {strides = array<i32>} : memref<8x32xf32, #tpu.memory_space<vmem>>, vector<16xf32>,
      %slice3A_1281 = vector.extract_strided_slice %and3A_1134 {offsets = [1], sizes = [1], strides = [1]} : vector<16xi32> to vector<1xi32>
      %squeeze3A_1282 = vector.extract %slice3A_1281[0] : i32 from vector<1xi32>
      %iota3A_1283 = tpu.iota {dimensions = array<i32: 0>} : vector<16xi32>
      %add3A_1284 = arith.constant 0 : i32
      %add3A_1285 = vector.broadcast %add3A_1284 : i32 to vector<16xi32>
      %add3A_1286 = arith.addi %iota3A_1283, %add3A_1285 : vector<16xi32>
      %broadcast_in_dim3A_1287 = arith.constant 1 : i32
      %broadcast_in_dim3A_1288 = vector.broadcast %broadcast_in_dim3A_1287 : i32 to vector<16xi32>
      %broadcast_in_dim3A_1289 = vector.broadcast %squeeze3A_1282 : i32 to vector<16xi32>
      %gather3A_1290 = tpu.vector_load_idx %arg7[%broadcast_in_dim3A_1288, %add3A_1286, %broadcast_in_dim3A_1289] : memref<8x32x128xf32, #tpu.memory_space<vmem>>[vector<16xi32>, vector<16xi32>, vector<16xi32>], vector<16xf32>,
      %swap3A_1291 = arith.constant 1 : i32
      %swap3A_1292 = arith.index_cast %swap3A_1291 : i32 to index
      %swap3A_1293 = arith.constant 0 : index
      %swap3A_1294 = tpu.vector_load %arg9[%swap3A_1292, %swap3A_1293] {strides = array<i32>} : memref<8x32xf32, #tpu.memory_space<vmem>>, vector<16xf32>,
      tpu.vector_store %arg9[%swap3A_1292, %swap3A_1293], %gather3A_1290 {strides = array<i32>} : memref<8x32xf32, #tpu.memory_space<vmem>>, vector<16xf32>,
      %iota3A_1295 = tpu.iota {dimensions = array<i32: 0>} : vector<16xi32>
      %add3A_1296 = arith.constant 16 : i32
      %add3A_1297 = vector.broadcast %add3A_1296 : i32 to vector<16xi32>
      %add3A_1298 = arith.addi %iota3A_1295, %add3A_1297 : vector<16xi32>
      %broadcast_in_dim3A_1299 = arith.constant 1 : i32
      %broadcast_in_dim3A_1300 = vector.broadcast %broadcast_in_dim3A_1299 : i32 to vector<16xi32>
      %broadcast_in_dim3A_1301 = vector.broadcast %squeeze3A_1282 : i32 to vector<16xi32>
      %gather3A_1302 = tpu.vector_load_idx %arg7[%broadcast_in_dim3A_1300, %add3A_1298, %broadcast_in_dim3A_1301] : memref<8x32x128xf32, #tpu.memory_space<vmem>>[vector<16xi32>, vector<16xi32>, vector<16xi32>], vector<16xf32>,
      %swap3A_1303 = arith.constant 1 : i32
      %swap3A_1304 = arith.index_cast %swap3A_1303 : i32 to index
      %swap3A_1305 = arith.constant 16 : index
      %swap3A_1306 = tpu.vector_load %arg9[%swap3A_1304, %swap3A_1305] {strides = array<i32>} : memref<8x32xf32, #tpu.memory_space<vmem>>, vector<16xf32>,
      tpu.vector_store %arg9[%swap3A_1304, %swap3A_1305], %gather3A_1302 {strides = array<i32>} : memref<8x32xf32, #tpu.memory_space<vmem>>, vector<16xf32>,
      %slice3A_1307 = vector.extract_strided_slice %and3A_1134 {offsets = [2], sizes = [1], strides = [1]} : vector<16xi32> to vector<1xi32>
      %squeeze3A_1308 = vector.extract %slice3A_1307[0] : i32 from vector<1xi32>
      %iota3A_1309 = tpu.iota {dimensions = array<i32: 0>} : vector<16xi32>
      %add3A_1310 = arith.constant 0 : i32
      %add3A_1311 = vector.broadcast %add3A_1310 : i32 to vector<16xi32>
      %add3A_1312 = arith.addi %iota3A_1309, %add3A_1311 : vector<16xi32>
      %broadcast_in_dim3A_1313 = arith.constant 2 : i32
      %broadcast_in_dim3A_1314 = vector.broadcast %broadcast_in_dim3A_1313 : i32 to vector<16xi32>
      %broadcast_in_dim3A_1315 = vector.broadcast %squeeze3A_1308 : i32 to vector<16xi32>
      %gather3A_1316 = tpu.vector_load_idx %arg7[%broadcast_in_dim3A_1314, %add3A_1312, %broadcast_in_dim3A_1315] : memref<8x32x128xf32, #tpu.memory_space<vmem>>[vector<16xi32>, vector<16xi32>, vector<16xi32>], vector<16xf32>,
      %swap3A_1317 = arith.constant 2 : i32
      %swap3A_1318 = arith.index_cast %swap3A_1317 : i32 to index
      %swap3A_1319 = arith.constant 0 : index
      %swap3A_1320 = tpu.vector_load %arg9[%swap3A_1318, %swap3A_1319] {strides = array<i32>} : memref<8x32xf32, #tpu.memory_space<vmem>>, vector<16xf32>,
      tpu.vector_store %arg9[%swap3A_1318, %swap3A_1319], %gather3A_1316 {strides = array<i32>} : memref<8x32xf32, #tpu.memory_space<vmem>>, vector<16xf32>,
      %iota3A_1321 = tpu.iota {dimensions = array<i32: 0>} : vector<16xi32>
      %add3A_1322 = arith.constant 16 : i32
      %add3A_1323 = vector.broadcast %add3A_1322 : i32 to vector<16xi32>
      %add3A_1324 = arith.addi %iota3A_1321, %add3A_1323 : vector<16xi32>
      %broadcast_in_dim3A_1325 = arith.constant 2 : i32
      %broadcast_in_dim3A_1326 = vector.broadcast %broadcast_in_dim3A_1325 : i32 to vector<16xi32>
      %broadcast_in_dim3A_1327 = vector.broadcast %squeeze3A_1308 : i32 to vector<16xi32>
      %gather3A_1328 = tpu.vector_load_idx %arg7[%broadcast_in_dim3A_1326, %add3A_1324, %broadcast_in_dim3A_1327] : memref<8x32x128xf32, #tpu.memory_space<vmem>>[vector<16xi32>, vector<16xi32>, vector<16xi32>], vector<16xf32>,
      %swap3A_1329 = arith.constant 2 : i32
      %swap3A_1330 = arith.index_cast %swap3A_1329 : i32 to index
      %swap3A_1331 = arith.constant 16 : index
      %swap3A_1332 = tpu.vector_load %arg9[%swap3A_1330, %swap3A_1331] {strides = array<i32>} : memref<8x32xf32, #tpu.memory_space<vmem>>, vector<16xf32>,
      tpu.vector_store %arg9[%swap3A_1330, %swap3A_1331], %gather3A_1328 {strides = array<i32>} : memref<8x32xf32, #tpu.memory_space<vmem>>, vector<16xf32>,
      %slice3A_1333 = vector.extract_strided_slice %and3A_1134 {offsets = [3], sizes = [1], strides = [1]} : vector<16xi32> to vector<1xi32>
      %squeeze3A_1334 = vector.extract %slice3A_1333[0] : i32 from vector<1xi32>
      %iota3A_1335 = tpu.iota {dimensions = array<i32: 0>} : vector<16xi32>
      %add3A_1336 = arith.constant 0 : i32
      %add3A_1337 = vector.broadcast %add3A_1336 : i32 to vector<16xi32>
      %add3A_1338 = arith.addi %iota3A_1335, %add3A_1337 : vector<16xi32>
      %broadcast_in_dim3A_1339 = arith.constant 3 : i32
      %broadcast_in_dim3A_1340 = vector.broadcast %broadcast_in_dim3A_1339 : i32 to vector<16xi32>
      %broadcast_in_dim3A_1341 = vector.broadcast %squeeze3A_1334 : i32 to vector<16xi32>
      %gather3A_1342 = tpu.vector_load_idx %arg7[%broadcast_in_dim3A_1340, %add3A_1338, %broadcast_in_dim3A_1341] : memref<8x32x128xf32, #tpu.memory_space<vmem>>[vector<16xi32>, vector<16xi32>, vector<16xi32>], vector<16xf32>,
      %swap3A_1343 = arith.constant 3 : i32
      %swap3A_1344 = arith.index_cast %swap3A_1343 : i32 to index
      %swap3A_1345 = arith.constant 0 : index
      %swap3A_1346 = tpu.vector_load %arg9[%swap3A_1344, %swap3A_1345] {strides = array<i32>} : memref<8x32xf32, #tpu.memory_space<vmem>>, vector<16xf32>,
      tpu.vector_store %arg9[%swap3A_1344, %swap3A_1345], %gather3A_1342 {strides = array<i32>} : memref<8x32xf32, #tpu.memory_space<vmem>>, vector<16xf32>,
      %iota3A_1347 = tpu.iota {dimensions = array<i32: 0>} : vector<16xi32>
      %add3A_1348 = arith.constant 16 : i32
      %add3A_1349 = vector.broadcast %add3A_1348 : i32 to vector<16xi32>
      %add3A_1350 = arith.addi %iota3A_1347, %add3A_1349 : vector<16xi32>
      %broadcast_in_dim3A_1351 = arith.constant 3 : i32
      %broadcast_in_dim3A_1352 = vector.broadcast %broadcast_in_dim3A_1351 : i32 to vector<16xi32>
      %broadcast_in_dim3A_1353 = vector.broadcast %squeeze3A_1334 : i32 to vector<16xi32>
      %gather3A_1354 = tpu.vector_load_idx %arg7[%broadcast_in_dim3A_1352, %add3A_1350, %broadcast_in_dim3A_1353] : memref<8x32x128xf32, #tpu.memory_space<vmem>>[vector<16xi32>, vector<16xi32>, vector<16xi32>], vector<16xf32>,
      %swap3A_1355 = arith.constant 3 : i32
      %swap3A_1356 = arith.index_cast %swap3A_1355 : i32 to index
      %swap3A_1357 = arith.constant 16 : index
      %swap3A_1358 = tpu.vector_load %arg9[%swap3A_1356, %swap3A_1357] {strides = array<i32>} : memref<8x32xf32, #tpu.memory_space<vmem>>, vector<16xf32>,
      tpu.vector_store %arg9[%swap3A_1356, %swap3A_1357], %gather3A_1354 {strides = array<i32>} : memref<8x32xf32, #tpu.memory_space<vmem>>, vector<16xf32>,
      %slice3A_1359 = vector.extract_strided_slice %and3A_1134 {offsets = [4], sizes = [1], strides = [1]} : vector<16xi32> to vector<1xi32>
      %squeeze3A_1360 = vector.extract %slice3A_1359[0] : i32 from vector<1xi32>
      %iota3A_1361 = tpu.iota {dimensions = array<i32: 0>} : vector<16xi32>
      %add3A_1362 = arith.constant 0 : i32
      %add3A_1363 = vector.broadcast %add3A_1362 : i32 to vector<16xi32>
      %add3A_1364 = arith.addi %iota3A_1361, %add3A_1363 : vector<16xi32>
      %broadcast_in_dim3A_1365 = arith.constant 4 : i32
      %broadcast_in_dim3A_1366 = vector.broadcast %broadcast_in_dim3A_1365 : i32 to vector<16xi32>
      %broadcast_in_dim3A_1367 = vector.broadcast %squeeze3A_1360 : i32 to vector<16xi32>
      %gather3A_1368 = tpu.vector_load_idx %arg7[%broadcast_in_dim3A_1366, %add3A_1364, %broadcast_in_dim3A_1367] : memref<8x32x128xf32, #tpu.memory_space<vmem>>[vector<16xi32>, vector<16xi32>, vector<16xi32>], vector<16xf32>,
      %swap3A_1369 = arith.constant 4 : i32
      %swap3A_1370 = arith.index_cast %swap3A_1369 : i32 to index
      %swap3A_1371 = arith.constant 0 : index
      %swap3A_1372 = tpu.vector_load %arg9[%swap3A_1370, %swap3A_1371] {strides = array<i32>} : memref<8x32xf32, #tpu.memory_space<vmem>>, vector<16xf32>,
      tpu.vector_store %arg9[%swap3A_1370, %swap3A_1371], %gather3A_1368 {strides = array<i32>} : memref<8x32xf32, #tpu.memory_space<vmem>>, vector<16xf32>,
      %iota3A_1373 = tpu.iota {dimensions = array<i32: 0>} : vector<16xi32>
      %add3A_1374 = arith.constant 16 : i32
      %add3A_1375 = vector.broadcast %add3A_1374 : i32 to vector<16xi32>
      %add3A_1376 = arith.addi %iota3A_1373, %add3A_1375 : vector<16xi32>
      %broadcast_in_dim3A_1377 = arith.constant 4 : i32
      %broadcast_in_dim3A_1378 = vector.broadcast %broadcast_in_dim3A_1377 : i32 to vector<16xi32>
      %broadcast_in_dim3A_1379 = vector.broadcast %squeeze3A_1360 : i32 to vector<16xi32>
      %gather3A_1380 = tpu.vector_load_idx %arg7[%broadcast_in_dim3A_1378, %add3A_1376, %broadcast_in_dim3A_1379] : memref<8x32x128xf32, #tpu.memory_space<vmem>>[vector<16xi32>, vector<16xi32>, vector<16xi32>], vector<16xf32>,
      %swap3A_1381 = arith.constant 4 : i32
      %swap3A_1382 = arith.index_cast %swap3A_1381 : i32 to index
      %swap3A_1383 = arith.constant 16 : index
      %swap3A_1384 = tpu.vector_load %arg9[%swap3A_1382, %swap3A_1383] {strides = array<i32>} : memref<8x32xf32, #tpu.memory_space<vmem>>, vector<16xf32>,
      tpu.vector_store %arg9[%swap3A_1382, %swap3A_1383], %gather3A_1380 {strides = array<i32>} : memref<8x32xf32, #tpu.memory_space<vmem>>, vector<16xf32>,
      %slice3A_1385 = vector.extract_strided_slice %and3A_1134 {offsets = [5], sizes = [1], strides = [1]} : vector<16xi32> to vector<1xi32>
      %squeeze3A_1386 = vector.extract %slice3A_1385[0] : i32 from vector<1xi32>
      %iota3A_1387 = tpu.iota {dimensions = array<i32: 0>} : vector<16xi32>
      %add3A_1388 = arith.constant 0 : i32
      %add3A_1389 = vector.broadcast %add3A_1388 : i32 to vector<16xi32>
      %add3A_1390 = arith.addi %iota3A_1387, %add3A_1389 : vector<16xi32>
      %broadcast_in_dim3A_1391 = arith.constant 5 : i32
      %broadcast_in_dim3A_1392 = vector.broadcast %broadcast_in_dim3A_1391 : i32 to vector<16xi32>
      %broadcast_in_dim3A_1393 = vector.broadcast %squeeze3A_1386 : i32 to vector<16xi32>
      %gather3A_1394 = tpu.vector_load_idx %arg7[%broadcast_in_dim3A_1392, %add3A_1390, %broadcast_in_dim3A_1393] : memref<8x32x128xf32, #tpu.memory_space<vmem>>[vector<16xi32>, vector<16xi32>, vector<16xi32>], vector<16xf32>,
      %swap3A_1395 = arith.constant 5 : i32
      %swap3A_1396 = arith.index_cast %swap3A_1395 : i32 to index
      %swap3A_1397 = arith.constant 0 : index
      %swap3A_1398 = tpu.vector_load %arg9[%swap3A_1396, %swap3A_1397] {strides = array<i32>} : memref<8x32xf32, #tpu.memory_space<vmem>>, vector<16xf32>,
      tpu.vector_store %arg9[%swap3A_1396, %swap3A_1397], %gather3A_1394 {strides = array<i32>} : memref<8x32xf32, #tpu.memory_space<vmem>>, vector<16xf32>,
      %iota3A_1399 = tpu.iota {dimensions = array<i32: 0>} : vector<16xi32>
      %add3A_1400 = arith.constant 16 : i32
      %add3A_1401 = vector.broadcast %add3A_1400 : i32 to vector<16xi32>
      %add3A_1402 = arith.addi %iota3A_1399, %add3A_1401 : vector<16xi32>
      %broadcast_in_dim3A_1403 = arith.constant 5 : i32
      %broadcast_in_dim3A_1404 = vector.broadcast %broadcast_in_dim3A_1403 : i32 to vector<16xi32>
      %broadcast_in_dim3A_1405 = vector.broadcast %squeeze3A_1386 : i32 to vector<16xi32>
      %gather3A_1406 = tpu.vector_load_idx %arg7[%broadcast_in_dim3A_1404, %add3A_1402, %broadcast_in_dim3A_1405] : memref<8x32x128xf32, #tpu.memory_space<vmem>>[vector<16xi32>, vector<16xi32>, vector<16xi32>], vector<16xf32>,
      %swap3A_1407 = arith.constant 5 : i32
      %swap3A_1408 = arith.index_cast %swap3A_1407 : i32 to index
      %swap3A_1409 = arith.constant 16 : index
      %swap3A_1410 = tpu.vector_load %arg9[%swap3A_1408, %swap3A_1409] {strides = array<i32>} : memref<8x32xf32, #tpu.memory_space<vmem>>, vector<16xf32>,
      tpu.vector_store %arg9[%swap3A_1408, %swap3A_1409], %gather3A_1406 {strides = array<i32>} : memref<8x32xf32, #tpu.memory_space<vmem>>, vector<16xf32>,
      %slice3A_1411 = vector.extract_strided_slice %and3A_1134 {offsets = [6], sizes = [1], strides = [1]} : vector<16xi32> to vector<1xi32>
      %squeeze3A_1412 = vector.extract %slice3A_1411[0] : i32 from vector<1xi32>
      %iota3A_1413 = tpu.iota {dimensions = array<i32: 0>} : vector<16xi32>
      %add3A_1414 = arith.constant 0 : i32
      %add3A_1415 = vector.broadcast %add3A_1414 : i32 to vector<16xi32>
      %add3A_1416 = arith.addi %iota3A_1413, %add3A_1415 : vector<16xi32>
      %broadcast_in_dim3A_1417 = arith.constant 6 : i32
      %broadcast_in_dim3A_1418 = vector.broadcast %broadcast_in_dim3A_1417 : i32 to vector<16xi32>
      %broadcast_in_dim3A_1419 = vector.broadcast %squeeze3A_1412 : i32 to vector<16xi32>
      %gather3A_1420 = tpu.vector_load_idx %arg7[%broadcast_in_dim3A_1418, %add3A_1416, %broadcast_in_dim3A_1419] : memref<8x32x128xf32, #tpu.memory_space<vmem>>[vector<16xi32>, vector<16xi32>, vector<16xi32>], vector<16xf32>,
      %swap3A_1421 = arith.constant 6 : i32
      %swap3A_1422 = arith.index_cast %swap3A_1421 : i32 to index
      %swap3A_1423 = arith.constant 0 : index
      %swap3A_1424 = tpu.vector_load %arg9[%swap3A_1422, %swap3A_1423] {strides = array<i32>} : memref<8x32xf32, #tpu.memory_space<vmem>>, vector<16xf32>,
      tpu.vector_store %arg9[%swap3A_1422, %swap3A_1423], %gather3A_1420 {strides = array<i32>} : memref<8x32xf32, #tpu.memory_space<vmem>>, vector<16xf32>,
      %iota3A_1425 = tpu.iota {dimensions = array<i32: 0>} : vector<16xi32>
      %add3A_1426 = arith.constant 16 : i32
      %add3A_1427 = vector.broadcast %add3A_1426 : i32 to vector<16xi32>
      %add3A_1428 = arith.addi %iota3A_1425, %add3A_1427 : vector<16xi32>
      %broadcast_in_dim3A_1429 = arith.constant 6 : i32
      %broadcast_in_dim3A_1430 = vector.broadcast %broadcast_in_dim3A_1429 : i32 to vector<16xi32>
      %broadcast_in_dim3A_1431 = vector.broadcast %squeeze3A_1412 : i32 to vector<16xi32>
      %gather3A_1432 = tpu.vector_load_idx %arg7[%broadcast_in_dim3A_1430, %add3A_1428, %broadcast_in_dim3A_1431] : memref<8x32x128xf32, #tpu.memory_space<vmem>>[vector<16xi32>, vector<16xi32>, vector<16xi32>], vector<16xf32>,
      %swap3A_1433 = arith.constant 6 : i32
      %swap3A_1434 = arith.index_cast %swap3A_1433 : i32 to index
      %swap3A_1435 = arith.constant 16 : index
      %swap3A_1436 = tpu.vector_load %arg9[%swap3A_1434, %swap3A_1435] {strides = array<i32>} : memref<8x32xf32, #tpu.memory_space<vmem>>, vector<16xf32>,
      tpu.vector_store %arg9[%swap3A_1434, %swap3A_1435], %gather3A_1432 {strides = array<i32>} : memref<8x32xf32, #tpu.memory_space<vmem>>, vector<16xf32>,
      %slice3A_1437 = vector.extract_strided_slice %and3A_1134 {offsets = [7], sizes = [1], strides = [1]} : vector<16xi32> to vector<1xi32>
      %squeeze3A_1438 = vector.extract %slice3A_1437[0] : i32 from vector<1xi32>
      %iota3A_1439 = tpu.iota {dimensions = array<i32: 0>} : vector<16xi32>
      %add3A_1440 = arith.constant 0 : i32
      %add3A_1441 = vector.broadcast %add3A_1440 : i32 to vector<16xi32>
      %add3A_1442 = arith.addi %iota3A_1439, %add3A_1441 : vector<16xi32>
      %broadcast_in_dim3A_1443 = arith.constant 7 : i32
      %broadcast_in_dim3A_1444 = vector.broadcast %broadcast_in_dim3A_1443 : i32 to vector<16xi32>
      %broadcast_in_dim3A_1445 = vector.broadcast %squeeze3A_1438 : i32 to vector<16xi32>
      %gather3A_1446 = tpu.vector_load_idx %arg7[%broadcast_in_dim3A_1444, %add3A_1442, %broadcast_in_dim3A_1445] : memref<8x32x128xf32, #tpu.memory_space<vmem>>[vector<16xi32>, vector<16xi32>, vector<16xi32>], vector<16xf32>,
      %swap3A_1447 = arith.constant 7 : i32
      %swap3A_1448 = arith.index_cast %swap3A_1447 : i32 to index
      %swap3A_1449 = arith.constant 0 : index
      %swap3A_1450 = tpu.vector_load %arg9[%swap3A_1448, %swap3A_1449] {strides = array<i32>} : memref<8x32xf32, #tpu.memory_space<vmem>>, vector<16xf32>,
      tpu.vector_store %arg9[%swap3A_1448, %swap3A_1449], %gather3A_1446 {strides = array<i32>} : memref<8x32xf32, #tpu.memory_space<vmem>>, vector<16xf32>,
      %iota3A_1451 = tpu.iota {dimensions = array<i32: 0>} : vector<16xi32>
      %add3A_1452 = arith.constant 16 : i32
      %add3A_1453 = vector.broadcast %add3A_1452 : i32 to vector<16xi32>
      %add3A_1454 = arith.addi %iota3A_1451, %add3A_1453 : vector<16xi32>
      %broadcast_in_dim3A_1455 = arith.constant 7 : i32
      %broadcast_in_dim3A_1456 = vector.broadcast %broadcast_in_dim3A_1455 : i32 to vector<16xi32>
      %broadcast_in_dim3A_1457 = vector.broadcast %squeeze3A_1438 : i32 to vector<16xi32>
      %gather3A_1458 = tpu.vector_load_idx %arg7[%broadcast_in_dim3A_1456, %add3A_1454, %broadcast_in_dim3A_1457] : memref<8x32x128xf32, #tpu.memory_space<vmem>>[vector<16xi32>, vector<16xi32>, vector<16xi32>], vector<16xf32>,
      %swap3A_1459 = arith.constant 7 : i32
      %swap3A_1460 = arith.index_cast %swap3A_1459 : i32 to index
      %swap3A_1461 = arith.constant 16 : index
      %swap3A_1462 = tpu.vector_load %arg9[%swap3A_1460, %swap3A_1461] {strides = array<i32>} : memref<8x32xf32, #tpu.memory_space<vmem>>, vector<16xf32>,
      tpu.vector_store %arg9[%swap3A_1460, %swap3A_1461], %gather3A_1458 {strides = array<i32>} : memref<8x32xf32, #tpu.memory_space<vmem>>, vector<16xf32>,
      %mul3A_1463 = arith.constant 8 : i32
      %mul3A_1464 = arith.muli %add3A_1119, %mul3A_1463 : i32
      %add3A_1465 = arith.addi %mul3A_2, %mul3A_1464 : i32
      %multiple_of3A_1466 = tpu.assume_multiple %add3A_1465, 8 : i32
      "tpu.region"() ({
        %run_scoped3A = tpu.sem_alloc : memref<!tpu.dma_semaphore, #tpu.memory_space<semaphore_mem>>
        %dma_start3A_1828 = arith.constant 0 : i32
        %dma_start3A_1829 = tpu.memref_slice %arg4[%multiple_of3A_1466, %dma_start3A_1828] : memref<16384x32xf32, #tpu.memory_space<hbm>> -> memref<8x32xf32, #tpu.memory_space<hbm>>
        %dma_start3A_1830 = arith.constant 0 : i32
        %dma_start3A_1831 = tpu.memref_slice %arg4[%multiple_of3A_1466, %dma_start3A_1830] : memref<16384x32xf32, #tpu.memory_space<hbm>> -> memref<8x32xf32, #tpu.memory_space<hbm>>
        tpu.enqueue_dma source(%arg9 : memref<8x32xf32, #tpu.memory_space<vmem>>) target(%dma_start3A_1831 : memref<8x32xf32, #tpu.memory_space<hbm>>) target_semaphore(%run_scoped3A : memref<!tpu.dma_semaphore, #tpu.memory_space<semaphore_mem>>)
        %dma_wait3A_1832 = arith.constant 0 : i32
        %dma_wait3A_1833 = tpu.memref_slice %arg4[%multiple_of3A_1466, %dma_wait3A_1832] : memref<16384x32xf32, #tpu.memory_space<hbm>> -> memref<8x32xf32, #tpu.memory_space<hbm>>
        %dma_wait3A_1834 = arith.constant 0 : i32
        %dma_wait3A_1835 = tpu.memref_slice %arg4[%multiple_of3A_1466, %dma_wait3A_1834] : memref<16384x32xf32, #tpu.memory_space<hbm>> -> memref<8x32xf32, #tpu.memory_space<hbm>>
        tpu.wait_dma2 semaphore(%run_scoped3A : memref<!tpu.dma_semaphore, #tpu.memory_space<semaphore_mem>>) src(%arg9 : memref<8x32xf32, #tpu.memory_space<vmem>>) dst(%dma_wait3A_1835 : memref<8x32xf32, #tpu.memory_space<hbm>>)
        tpu.yield
      }) : () -> ()
      %lt3A_1467 = arith.constant 64 : i32
      %lt3A_1468 = arith.cmpi slt, %add3A_1121, %lt3A_1467 : i32
      %convert_element_type3A_1469 = arith.extui %lt3A_1468 : i1 to i32
      %cond3A_1470 = arith.constant 0 : i32
      %cond3A_1471 = arith.cmpi ne, %convert_element_type3A_1469, %cond3A_1470 : i32
      scf.if %cond3A_1471 {
        %mul3A_1828 = arith.constant 8 : i32
        %mul3A_1829 = arith.muli %add3A_1121, %mul3A_1828 : i32
        %get3A_1830 = arith.index_cast %mul3A_1829 : i32 to index
        %get3A_1831 = tpu.vector_load %arg5[%get3A_1830] {strides = array<i32>} : memref<528xi32, #tpu.memory_space<vmem>>, vector<16xi32>,
        %shift_right_logical3A_1832 = arith.constant 7 : i32
        %shift_right_logical3A_1833 = vector.broadcast %shift_right_logical3A_1832 : i32 to vector<16xi32>
        %shift_right_logical3A_1834 = arith.shrui %get3A_1831, %shift_right_logical3A_1833 : vector<16xi32>
        %mul3A_1835 = arith.constant 128 : i32
        %mul3A_1836 = vector.broadcast %mul3A_1835 : i32 to vector<16xi32>
        %mul3A_1837 = arith.muli %shift_right_logical3A_1834, %mul3A_1836 : vector<16xi32>
        %and3A_1838 = arith.constant 127 : i32
        %and3A_1839 = vector.broadcast %and3A_1838 : i32 to vector<16xi32>
        %and3A_1840 = arith.andi %get3A_1831, %and3A_1839 : vector<16xi32>
        %slice3A_1841 = vector.extract_strided_slice %mul3A_1837 {offsets = [0], sizes = [1], strides = [1]} : vector<16xi32> to vector<1xi32>
        %squeeze3A_1842 = vector.extract %slice3A_1841[0] : i32 from vector<1xi32>
        %multiple_of3A_1843 = tpu.assume_multiple %squeeze3A_1842, 128 : i32
        %dma_start3A_1844 = arith.constant 0 : i32
        %dma_start3A_1845 = arith.constant 0 : i32
        %dma_start3A_1846 = arith.constant 0 : i32
        %dma_start3A_1847 = tpu.memref_slice %arg7[%dma_start3A_1844, %dma_start3A_1845, %dma_start3A_1846] : memref<8x32x128xf32, #tpu.memory_space<vmem>> -> memref<1x32x128xf32, #tpu.memory_space<vmem>>
        %dma_start3A_1848 = tpu.memref_squeeze %dma_start3A_1847 : memref<1x32x128xf32, #tpu.memory_space<vmem>> -> memref<32x128xf32, #tpu.memory_space<vmem>>
        %dma_start3A_1849 = arith.constant 0 : i32
        %dma_start3A_1850 = tpu.memref_slice %arg2[%dma_start3A_1849, %multiple_of3A_1843] : memref<32x1000000xf32, #tpu.memory_space<hbm>> -> memref<32x128xf32, #tpu.memory_space<hbm>>
        %dma_start3A_1851 = arith.constant 0 : i32
        %dma_start3A_1852 = arith.constant 0 : i32
        %dma_start3A_1853 = tpu.memref_slice %arg7[%dma_start3A_1844, %dma_start3A_1851, %dma_start3A_1852] : memref<8x32x128xf32, #tpu.memory_space<vmem>> -> memref<1x32x128xf32, #tpu.memory_space<vmem>>
        %dma_start3A_1854 = tpu.memref_squeeze %dma_start3A_1853 : memref<1x32x128xf32, #tpu.memory_space<vmem>> -> memref<32x128xf32, #tpu.memory_space<vmem>>
        %dma_start3A_1855 = arith.constant 0 : i32
        %dma_start3A_1856 = tpu.memref_slice %arg2[%dma_start3A_1855, %multiple_of3A_1843] : memref<32x1000000xf32, #tpu.memory_space<hbm>> -> memref<32x128xf32, #tpu.memory_space<hbm>>
        tpu.enqueue_dma source(%dma_start3A_1856 : memref<32x128xf32, #tpu.memory_space<hbm>>) target(%dma_start3A_1854 : memref<32x128xf32, #tpu.memory_space<vmem>>) target_semaphore(%arg11 : memref<!tpu.dma_semaphore, #tpu.memory_space<semaphore_mem>>)
        %slice3A_1857 = vector.extract_strided_slice %mul3A_1837 {offsets = [1], sizes = [1], strides = [1]} : vector<16xi32> to vector<1xi32>
        %squeeze3A_1858 = vector.extract %slice3A_1857[0] : i32 from vector<1xi32>
        %multiple_of3A_1859 = tpu.assume_multiple %squeeze3A_1858, 128 : i32
        %dma_start3A_1860 = arith.constant 1 : i32
        %dma_start3A_1861 = arith.constant 0 : i32
        %dma_start3A_1862 = arith.constant 0 : i32
        %dma_start3A_1863 = tpu.memref_slice %arg7[%dma_start3A_1860, %dma_start3A_1861, %dma_start3A_1862] : memref<8x32x128xf32, #tpu.memory_space<vmem>> -> memref<1x32x128xf32, #tpu.memory_space<vmem>>
        %dma_start3A_1864 = tpu.memref_squeeze %dma_start3A_1863 : memref<1x32x128xf32, #tpu.memory_space<vmem>> -> memref<32x128xf32, #tpu.memory_space<vmem>>
        %dma_start3A_1865 = arith.constant 0 : i32
        %dma_start3A_1866 = tpu.memref_slice %arg2[%dma_start3A_1865, %multiple_of3A_1859] : memref<32x1000000xf32, #tpu.memory_space<hbm>> -> memref<32x128xf32, #tpu.memory_space<hbm>>
        %dma_start3A_1867 = arith.constant 0 : i32
        %dma_start3A_1868 = arith.constant 0 : i32
        %dma_start3A_1869 = tpu.memref_slice %arg7[%dma_start3A_1860, %dma_start3A_1867, %dma_start3A_1868] : memref<8x32x128xf32, #tpu.memory_space<vmem>> -> memref<1x32x128xf32, #tpu.memory_space<vmem>>
        %dma_start3A_1870 = tpu.memref_squeeze %dma_start3A_1869 : memref<1x32x128xf32, #tpu.memory_space<vmem>> -> memref<32x128xf32, #tpu.memory_space<vmem>>
        %dma_start3A_1871 = arith.constant 0 : i32
        %dma_start3A_1872 = tpu.memref_slice %arg2[%dma_start3A_1871, %multiple_of3A_1859] : memref<32x1000000xf32, #tpu.memory_space<hbm>> -> memref<32x128xf32, #tpu.memory_space<hbm>>
        tpu.enqueue_dma source(%dma_start3A_1872 : memref<32x128xf32, #tpu.memory_space<hbm>>) target(%dma_start3A_1870 : memref<32x128xf32, #tpu.memory_space<vmem>>) target_semaphore(%arg11 : memref<!tpu.dma_semaphore, #tpu.memory_space<semaphore_mem>>)
        %slice3A_1873 = vector.extract_strided_slice %mul3A_1837 {offsets = [2], sizes = [1], strides = [1]} : vector<16xi32> to vector<1xi32>
        %squeeze3A_1874 = vector.extract %slice3A_1873[0] : i32 from vector<1xi32>
        %multiple_of3A_1875 = tpu.assume_multiple %squeeze3A_1874, 128 : i32
        %dma_start3A_1876 = arith.constant 2 : i32
        %dma_start3A_1877 = arith.constant 0 : i32
        %dma_start3A_1878 = arith.constant 0 : i32
        %dma_start3A_1879 = tpu.memref_slice %arg7[%dma_start3A_1876, %dma_start3A_1877, %dma_start3A_1878] : memref<8x32x128xf32, #tpu.memory_space<vmem>> -> memref<1x32x128xf32, #tpu.memory_space<vmem>>
        %dma_start3A_1880 = tpu.memref_squeeze %dma_start3A_1879 : memref<1x32x128xf32, #tpu.memory_space<vmem>> -> memref<32x128xf32, #tpu.memory_space<vmem>>
        %dma_start3A_1881 = arith.constant 0 : i32
        %dma_start3A_1882 = tpu.memref_slice %arg2[%dma_start3A_1881, %multiple_of3A_1875] : memref<32x1000000xf32, #tpu.memory_space<hbm>> -> memref<32x128xf32, #tpu.memory_space<hbm>>
        %dma_start3A_1883 = arith.constant 0 : i32
        %dma_start3A_1884 = arith.constant 0 : i32
        %dma_start3A_1885 = tpu.memref_slice %arg7[%dma_start3A_1876, %dma_start3A_1883, %dma_start3A_1884] : memref<8x32x128xf32, #tpu.memory_space<vmem>> -> memref<1x32x128xf32, #tpu.memory_space<vmem>>
        %dma_start3A_1886 = tpu.memref_squeeze %dma_start3A_1885 : memref<1x32x128xf32, #tpu.memory_space<vmem>> -> memref<32x128xf32, #tpu.memory_space<vmem>>
        %dma_start3A_1887 = arith.constant 0 : i32
        %dma_start3A_1888 = tpu.memref_slice %arg2[%dma_start3A_1887, %multiple_of3A_1875] : memref<32x1000000xf32, #tpu.memory_space<hbm>> -> memref<32x128xf32, #tpu.memory_space<hbm>>
        tpu.enqueue_dma source(%dma_start3A_1888 : memref<32x128xf32, #tpu.memory_space<hbm>>) target(%dma_start3A_1886 : memref<32x128xf32, #tpu.memory_space<vmem>>) target_semaphore(%arg11 : memref<!tpu.dma_semaphore, #tpu.memory_space<semaphore_mem>>)
        %slice3A_1889 = vector.extract_strided_slice %mul3A_1837 {offsets = [3], sizes = [1], strides = [1]} : vector<16xi32> to vector<1xi32>
        %squeeze3A_1890 = vector.extract %slice3A_1889[0] : i32 from vector<1xi32>
        %multiple_of3A_1891 = tpu.assume_multiple %squeeze3A_1890, 128 : i32
        %dma_start3A_1892 = arith.constant 3 : i32
        %dma_start3A_1893 = arith.constant 0 : i32
        %dma_start3A_1894 = arith.constant 0 : i32
        %dma_start3A_1895 = tpu.memref_slice %arg7[%dma_start3A_1892, %dma_start3A_1893, %dma_start3A_1894] : memref<8x32x128xf32, #tpu.memory_space<vmem>> -> memref<1x32x128xf32, #tpu.memory_space<vmem>>
        %dma_start3A_1896 = tpu.memref_squeeze %dma_start3A_1895 : memref<1x32x128xf32, #tpu.memory_space<vmem>> -> memref<32x128xf32, #tpu.memory_space<vmem>>
        %dma_start3A_1897 = arith.constant 0 : i32
        %dma_start3A_1898 = tpu.memref_slice %arg2[%dma_start3A_1897, %multiple_of3A_1891] : memref<32x1000000xf32, #tpu.memory_space<hbm>> -> memref<32x128xf32, #tpu.memory_space<hbm>>
        %dma_start3A_1899 = arith.constant 0 : i32
        %dma_start3A_1900 = arith.constant 0 : i32
        %dma_start3A_1901 = tpu.memref_slice %arg7[%dma_start3A_1892, %dma_start3A_1899, %dma_start3A_1900] : memref<8x32x128xf32, #tpu.memory_space<vmem>> -> memref<1x32x128xf32, #tpu.memory_space<vmem>>
        %dma_start3A_1902 = tpu.memref_squeeze %dma_start3A_1901 : memref<1x32x128xf32, #tpu.memory_space<vmem>> -> memref<32x128xf32, #tpu.memory_space<vmem>>
        %dma_start3A_1903 = arith.constant 0 : i32
        %dma_start3A_1904 = tpu.memref_slice %arg2[%dma_start3A_1903, %multiple_of3A_1891] : memref<32x1000000xf32, #tpu.memory_space<hbm>> -> memref<32x128xf32, #tpu.memory_space<hbm>>
        tpu.enqueue_dma source(%dma_start3A_1904 : memref<32x128xf32, #tpu.memory_space<hbm>>) target(%dma_start3A_1902 : memref<32x128xf32, #tpu.memory_space<vmem>>) target_semaphore(%arg11 : memref<!tpu.dma_semaphore, #tpu.memory_space<semaphore_mem>>)
        %slice3A_1905 = vector.extract_strided_slice %mul3A_1837 {offsets = [4], sizes = [1], strides = [1]} : vector<16xi32> to vector<1xi32>
        %squeeze3A_1906 = vector.extract %slice3A_1905[0] : i32 from vector<1xi32>
        %multiple_of3A_1907 = tpu.assume_multiple %squeeze3A_1906, 128 : i32
        %dma_start3A_1908 = arith.constant 4 : i32
        %dma_start3A_1909 = arith.constant 0 : i32
        %dma_start3A_1910 = arith.constant 0 : i32
        %dma_start3A_1911 = tpu.memref_slice %arg7[%dma_start3A_1908, %dma_start3A_1909, %dma_start3A_1910] : memref<8x32x128xf32, #tpu.memory_space<vmem>> -> memref<1x32x128xf32, #tpu.memory_space<vmem>>
        %dma_start3A_1912 = tpu.memref_squeeze %dma_start3A_1911 : memref<1x32x128xf32, #tpu.memory_space<vmem>> -> memref<32x128xf32, #tpu.memory_space<vmem>>
        %dma_start3A_1913 = arith.constant 0 : i32
        %dma_start3A_1914 = tpu.memref_slice %arg2[%dma_start3A_1913, %multiple_of3A_1907] : memref<32x1000000xf32, #tpu.memory_space<hbm>> -> memref<32x128xf32, #tpu.memory_space<hbm>>
        %dma_start3A_1915 = arith.constant 0 : i32
        %dma_start3A_1916 = arith.constant 0 : i32
        %dma_start3A_1917 = tpu.memref_slice %arg7[%dma_start3A_1908, %dma_start3A_1915, %dma_start3A_1916] : memref<8x32x128xf32, #tpu.memory_space<vmem>> -> memref<1x32x128xf32, #tpu.memory_space<vmem>>
        %dma_start3A_1918 = tpu.memref_squeeze %dma_start3A_1917 : memref<1x32x128xf32, #tpu.memory_space<vmem>> -> memref<32x128xf32, #tpu.memory_space<vmem>>
        %dma_start3A_1919 = arith.constant 0 : i32
        %dma_start3A_1920 = tpu.memref_slice %arg2[%dma_start3A_1919, %multiple_of3A_1907] : memref<32x1000000xf32, #tpu.memory_space<hbm>> -> memref<32x128xf32, #tpu.memory_space<hbm>>
        tpu.enqueue_dma source(%dma_start3A_1920 : memref<32x128xf32, #tpu.memory_space<hbm>>) target(%dma_start3A_1918 : memref<32x128xf32, #tpu.memory_space<vmem>>) target_semaphore(%arg11 : memref<!tpu.dma_semaphore, #tpu.memory_space<semaphore_mem>>)
        %slice3A_1921 = vector.extract_strided_slice %mul3A_1837 {offsets = [5], sizes = [1], strides = [1]} : vector<16xi32> to vector<1xi32>
        %squeeze3A_1922 = vector.extract %slice3A_1921[0] : i32 from vector<1xi32>
        %multiple_of3A_1923 = tpu.assume_multiple %squeeze3A_1922, 128 : i32
        %dma_start3A_1924 = arith.constant 5 : i32
        %dma_start3A_1925 = arith.constant 0 : i32
        %dma_start3A_1926 = arith.constant 0 : i32
        %dma_start3A_1927 = tpu.memref_slice %arg7[%dma_start3A_1924, %dma_start3A_1925, %dma_start3A_1926] : memref<8x32x128xf32, #tpu.memory_space<vmem>> -> memref<1x32x128xf32, #tpu.memory_space<vmem>>
        %dma_start3A_1928 = tpu.memref_squeeze %dma_start3A_1927 : memref<1x32x128xf32, #tpu.memory_space<vmem>> -> memref<32x128xf32, #tpu.memory_space<vmem>>
        %dma_start3A_1929 = arith.constant 0 : i32
        %dma_start3A_1930 = tpu.memref_slice %arg2[%dma_start3A_1929, %multiple_of3A_1923] : memref<32x1000000xf32, #tpu.memory_space<hbm>> -> memref<32x128xf32, #tpu.memory_space<hbm>>
        %dma_start3A_1931 = arith.constant 0 : i32
        %dma_start3A_1932 = arith.constant 0 : i32
        %dma_start3A_1933 = tpu.memref_slice %arg7[%dma_start3A_1924, %dma_start3A_1931, %dma_start3A_1932] : memref<8x32x128xf32, #tpu.memory_space<vmem>> -> memref<1x32x128xf32, #tpu.memory_space<vmem>>
        %dma_start3A_1934 = tpu.memref_squeeze %dma_start3A_1933 : memref<1x32x128xf32, #tpu.memory_space<vmem>> -> memref<32x128xf32, #tpu.memory_space<vmem>>
        %dma_start3A_1935 = arith.constant 0 : i32
        %dma_start3A_1936 = tpu.memref_slice %arg2[%dma_start3A_1935, %multiple_of3A_1923] : memref<32x1000000xf32, #tpu.memory_space<hbm>> -> memref<32x128xf32, #tpu.memory_space<hbm>>
        tpu.enqueue_dma source(%dma_start3A_1936 : memref<32x128xf32, #tpu.memory_space<hbm>>) target(%dma_start3A_1934 : memref<32x128xf32, #tpu.memory_space<vmem>>) target_semaphore(%arg11 : memref<!tpu.dma_semaphore, #tpu.memory_space<semaphore_mem>>)
        %slice3A_1937 = vector.extract_strided_slice %mul3A_1837 {offsets = [6], sizes = [1], strides = [1]} : vector<16xi32> to vector<1xi32>
        %squeeze3A_1938 = vector.extract %slice3A_1937[0] : i32 from vector<1xi32>
        %multiple_of3A_1939 = tpu.assume_multiple %squeeze3A_1938, 128 : i32
        %dma_start3A_1940 = arith.constant 6 : i32
        %dma_start3A_1941 = arith.constant 0 : i32
        %dma_start3A_1942 = arith.constant 0 : i32
        %dma_start3A_1943 = tpu.memref_slice %arg7[%dma_start3A_1940, %dma_start3A_1941, %dma_start3A_1942] : memref<8x32x128xf32, #tpu.memory_space<vmem>> -> memref<1x32x128xf32, #tpu.memory_space<vmem>>
        %dma_start3A_1944 = tpu.memref_squeeze %dma_start3A_1943 : memref<1x32x128xf32, #tpu.memory_space<vmem>> -> memref<32x128xf32, #tpu.memory_space<vmem>>
        %dma_start3A_1945 = arith.constant 0 : i32
        %dma_start3A_1946 = tpu.memref_slice %arg2[%dma_start3A_1945, %multiple_of3A_1939] : memref<32x1000000xf32, #tpu.memory_space<hbm>> -> memref<32x128xf32, #tpu.memory_space<hbm>>
        %dma_start3A_1947 = arith.constant 0 : i32
        %dma_start3A_1948 = arith.constant 0 : i32
        %dma_start3A_1949 = tpu.memref_slice %arg7[%dma_start3A_1940, %dma_start3A_1947, %dma_start3A_1948] : memref<8x32x128xf32, #tpu.memory_space<vmem>> -> memref<1x32x128xf32, #tpu.memory_space<vmem>>
        %dma_start3A_1950 = tpu.memref_squeeze %dma_start3A_1949 : memref<1x32x128xf32, #tpu.memory_space<vmem>> -> memref<32x128xf32, #tpu.memory_space<vmem>>
        %dma_start3A_1951 = arith.constant 0 : i32
        %dma_start3A_1952 = tpu.memref_slice %arg2[%dma_start3A_1951, %multiple_of3A_1939] : memref<32x1000000xf32, #tpu.memory_space<hbm>> -> memref<32x128xf32, #tpu.memory_space<hbm>>
        tpu.enqueue_dma source(%dma_start3A_1952 : memref<32x128xf32, #tpu.memory_space<hbm>>) target(%dma_start3A_1950 : memref<32x128xf32, #tpu.memory_space<vmem>>) target_semaphore(%arg11 : memref<!tpu.dma_semaphore, #tpu.memory_space<semaphore_mem>>)
        %slice3A_1953 = vector.extract_strided_slice %mul3A_1837 {offsets = [7], sizes = [1], strides = [1]} : vector<16xi32> to vector<1xi32>
        %squeeze3A_1954 = vector.extract %slice3A_1953[0] : i32 from vector<1xi32>
        %multiple_of3A_1955 = tpu.assume_multiple %squeeze3A_1954, 128 : i32
        %dma_start3A_1956 = arith.constant 7 : i32
        %dma_start3A_1957 = arith.constant 0 : i32
        %dma_start3A_1958 = arith.constant 0 : i32
        %dma_start3A_1959 = tpu.memref_slice %arg7[%dma_start3A_1956, %dma_start3A_1957, %dma_start3A_1958] : memref<8x32x128xf32, #tpu.memory_space<vmem>> -> memref<1x32x128xf32, #tpu.memory_space<vmem>>
        %dma_start3A_1960 = tpu.memref_squeeze %dma_start3A_1959 : memref<1x32x128xf32, #tpu.memory_space<vmem>> -> memref<32x128xf32, #tpu.memory_space<vmem>>
        %dma_start3A_1961 = arith.constant 0 : i32
        %dma_start3A_1962 = tpu.memref_slice %arg2[%dma_start3A_1961, %multiple_of3A_1955] : memref<32x1000000xf32, #tpu.memory_space<hbm>> -> memref<32x128xf32, #tpu.memory_space<hbm>>
        %dma_start3A_1963 = arith.constant 0 : i32
        %dma_start3A_1964 = arith.constant 0 : i32
        %dma_start3A_1965 = tpu.memref_slice %arg7[%dma_start3A_1956, %dma_start3A_1963, %dma_start3A_1964] : memref<8x32x128xf32, #tpu.memory_space<vmem>> -> memref<1x32x128xf32, #tpu.memory_space<vmem>>
        %dma_start3A_1966 = tpu.memref_squeeze %dma_start3A_1965 : memref<1x32x128xf32, #tpu.memory_space<vmem>> -> memref<32x128xf32, #tpu.memory_space<vmem>>
        %dma_start3A_1967 = arith.constant 0 : i32
        %dma_start3A_1968 = tpu.memref_slice %arg2[%dma_start3A_1967, %multiple_of3A_1955] : memref<32x1000000xf32, #tpu.memory_space<hbm>> -> memref<32x128xf32, #tpu.memory_space<hbm>>
        tpu.enqueue_dma source(%dma_start3A_1968 : memref<32x128xf32, #tpu.memory_space<hbm>>) target(%dma_start3A_1966 : memref<32x128xf32, #tpu.memory_space<vmem>>) target_semaphore(%arg11 : memref<!tpu.dma_semaphore, #tpu.memory_space<semaphore_mem>>)
      } else {
      }
      %mul3A_1472 = arith.constant 3 : i32
      %mul3A_1473 = arith.muli %scan3A_759, %mul3A_1472 : i32
      %add3A_1474 = arith.constant 2 : i32
      %add3A_1475 = arith.addi %mul3A_1473, %add3A_1474 : i32
      %add3A_1476 = arith.constant 3 : i32
      %add3A_1477 = arith.addi %add3A_1475, %add3A_1476 : i32
      %mul3A_1478 = arith.constant 8 : i32
      %mul3A_1479 = arith.muli %add3A_1475, %mul3A_1478 : i32
      %get3A_1480 = arith.index_cast %mul3A_1479 : i32 to index
      %get3A_1481 = tpu.vector_load %arg5[%get3A_1480] {strides = array<i32>} : memref<528xi32, #tpu.memory_space<vmem>>, vector<16xi32>,
      %shift_right_logical3A_1482 = arith.constant 7 : i32
      %shift_right_logical3A_1483 = vector.broadcast %shift_right_logical3A_1482 : i32 to vector<16xi32>
      %shift_right_logical3A_1484 = arith.shrui %get3A_1481, %shift_right_logical3A_1483 : vector<16xi32>
      %mul3A_1485 = arith.constant 128 : i32
      %mul3A_1486 = vector.broadcast %mul3A_1485 : i32 to vector<16xi32>
      %mul3A_1487 = arith.muli %shift_right_logical3A_1484, %mul3A_1486 : vector<16xi32>
      %and3A_1488 = arith.constant 127 : i32
      %and3A_1489 = vector.broadcast %and3A_1488 : i32 to vector<16xi32>
      %and3A_1490 = arith.andi %get3A_1481, %and3A_1489 : vector<16xi32>
      %dma_wait3A_1491 = arith.constant 0 : i32
      %dma_wait3A_1492 = arith.constant 0 : i32
      %dma_wait3A_1493 = arith.constant 0 : i32
      %dma_wait3A_1494 = tpu.memref_slice %arg8[%dma_wait3A_1491, %dma_wait3A_1492, %dma_wait3A_1493] : memref<8x32x128xf32, #tpu.memory_space<vmem>> -> memref<1x32x128xf32, #tpu.memory_space<vmem>>
      %dma_wait3A_1495 = tpu.memref_squeeze %dma_wait3A_1494 : memref<1x32x128xf32, #tpu.memory_space<vmem>> -> memref<32x128xf32, #tpu.memory_space<vmem>>
      %dma_wait3A_1496 = arith.constant 0 : i32
      %dma_wait3A_1497 = arith.constant 0 : i32
      %dma_wait3A_1498 = tpu.memref_slice %arg2[%dma_wait3A_1496, %dma_wait3A_1497] : memref<32x1000000xf32, #tpu.memory_space<hbm>> -> memref<32x128xf32, #tpu.memory_space<hbm>>
      %dma_wait3A_1499 = arith.constant 0 : i32
      %dma_wait3A_1500 = arith.constant 0 : i32
      %dma_wait3A_1501 = tpu.memref_slice %arg8[%dma_wait3A_1491, %dma_wait3A_1499, %dma_wait3A_1500] : memref<8x32x128xf32, #tpu.memory_space<vmem>> -> memref<1x32x128xf32, #tpu.memory_space<vmem>>
      %dma_wait3A_1502 = tpu.memref_squeeze %dma_wait3A_1501 : memref<1x32x128xf32, #tpu.memory_space<vmem>> -> memref<32x128xf32, #tpu.memory_space<vmem>>
      %dma_wait3A_1503 = arith.constant 0 : i32
      %dma_wait3A_1504 = arith.constant 0 : i32
      %dma_wait3A_1505 = tpu.memref_slice %arg2[%dma_wait3A_1503, %dma_wait3A_1504] : memref<32x1000000xf32, #tpu.memory_space<hbm>> -> memref<32x128xf32, #tpu.memory_space<hbm>>
      tpu.wait_dma2 semaphore(%arg12 : memref<!tpu.dma_semaphore, #tpu.memory_space<semaphore_mem>>) src(%dma_wait3A_1505 : memref<32x128xf32, #tpu.memory_space<hbm>>) dst(%dma_wait3A_1502 : memref<32x128xf32, #tpu.memory_space<vmem>>)
      %dma_wait3A_1506 = arith.constant 1 : i32
      %dma_wait3A_1507 = arith.constant 0 : i32
      %dma_wait3A_1508 = arith.constant 0 : i32
      %dma_wait3A_1509 = tpu.memref_slice %arg8[%dma_wait3A_1506, %dma_wait3A_1507, %dma_wait3A_1508] : memref<8x32x128xf32, #tpu.memory_space<vmem>> -> memref<1x32x128xf32, #tpu.memory_space<vmem>>
      %dma_wait3A_1510 = tpu.memref_squeeze %dma_wait3A_1509 : memref<1x32x128xf32, #tpu.memory_space<vmem>> -> memref<32x128xf32, #tpu.memory_space<vmem>>
      %dma_wait3A_1511 = arith.constant 0 : i32
      %dma_wait3A_1512 = arith.constant 0 : i32
      %dma_wait3A_1513 = tpu.memref_slice %arg2[%dma_wait3A_1511, %dma_wait3A_1512] : memref<32x1000000xf32, #tpu.memory_space<hbm>> -> memref<32x128xf32, #tpu.memory_space<hbm>>
      %dma_wait3A_1514 = arith.constant 0 : i32
      %dma_wait3A_1515 = arith.constant 0 : i32
      %dma_wait3A_1516 = tpu.memref_slice %arg8[%dma_wait3A_1506, %dma_wait3A_1514, %dma_wait3A_1515] : memref<8x32x128xf32, #tpu.memory_space<vmem>> -> memref<1x32x128xf32, #tpu.memory_space<vmem>>
      %dma_wait3A_1517 = tpu.memref_squeeze %dma_wait3A_1516 : memref<1x32x128xf32, #tpu.memory_space<vmem>> -> memref<32x128xf32, #tpu.memory_space<vmem>>
      %dma_wait3A_1518 = arith.constant 0 : i32
      %dma_wait3A_1519 = arith.constant 0 : i32
      %dma_wait3A_1520 = tpu.memref_slice %arg2[%dma_wait3A_1518, %dma_wait3A_1519] : memref<32x1000000xf32, #tpu.memory_space<hbm>> -> memref<32x128xf32, #tpu.memory_space<hbm>>
      tpu.wait_dma2 semaphore(%arg12 : memref<!tpu.dma_semaphore, #tpu.memory_space<semaphore_mem>>) src(%dma_wait3A_1520 : memref<32x128xf32, #tpu.memory_space<hbm>>) dst(%dma_wait3A_1517 : memref<32x128xf32, #tpu.memory_space<vmem>>)
      %dma_wait3A_1521 = arith.constant 2 : i32
      %dma_wait3A_1522 = arith.constant 0 : i32
      %dma_wait3A_1523 = arith.constant 0 : i32
      %dma_wait3A_1524 = tpu.memref_slice %arg8[%dma_wait3A_1521, %dma_wait3A_1522, %dma_wait3A_1523] : memref<8x32x128xf32, #tpu.memory_space<vmem>> -> memref<1x32x128xf32, #tpu.memory_space<vmem>>
      %dma_wait3A_1525 = tpu.memref_squeeze %dma_wait3A_1524 : memref<1x32x128xf32, #tpu.memory_space<vmem>> -> memref<32x128xf32, #tpu.memory_space<vmem>>
      %dma_wait3A_1526 = arith.constant 0 : i32
      %dma_wait3A_1527 = arith.constant 0 : i32
      %dma_wait3A_1528 = tpu.memref_slice %arg2[%dma_wait3A_1526, %dma_wait3A_1527] : memref<32x1000000xf32, #tpu.memory_space<hbm>> -> memref<32x128xf32, #tpu.memory_space<hbm>>
      %dma_wait3A_1529 = arith.constant 0 : i32
      %dma_wait3A_1530 = arith.constant 0 : i32
      %dma_wait3A_1531 = tpu.memref_slice %arg8[%dma_wait3A_1521, %dma_wait3A_1529, %dma_wait3A_1530] : memref<8x32x128xf32, #tpu.memory_space<vmem>> -> memref<1x32x128xf32, #tpu.memory_space<vmem>>
      %dma_wait3A_1532 = tpu.memref_squeeze %dma_wait3A_1531 : memref<1x32x128xf32, #tpu.memory_space<vmem>> -> memref<32x128xf32, #tpu.memory_space<vmem>>
      %dma_wait3A_1533 = arith.constant 0 : i32
      %dma_wait3A_1534 = arith.constant 0 : i32
      %dma_wait3A_1535 = tpu.memref_slice %arg2[%dma_wait3A_1533, %dma_wait3A_1534] : memref<32x1000000xf32, #tpu.memory_space<hbm>> -> memref<32x128xf32, #tpu.memory_space<hbm>>
      tpu.wait_dma2 semaphore(%arg12 : memref<!tpu.dma_semaphore, #tpu.memory_space<semaphore_mem>>) src(%dma_wait3A_1535 : memref<32x128xf32, #tpu.memory_space<hbm>>) dst(%dma_wait3A_1532 : memref<32x128xf32, #tpu.memory_space<vmem>>)
      %dma_wait3A_1536 = arith.constant 3 : i32
      %dma_wait3A_1537 = arith.constant 0 : i32
      %dma_wait3A_1538 = arith.constant 0 : i32
      %dma_wait3A_1539 = tpu.memref_slice %arg8[%dma_wait3A_1536, %dma_wait3A_1537, %dma_wait3A_1538] : memref<8x32x128xf32, #tpu.memory_space<vmem>> -> memref<1x32x128xf32, #tpu.memory_space<vmem>>
      %dma_wait3A_1540 = tpu.memref_squeeze %dma_wait3A_1539 : memref<1x32x128xf32, #tpu.memory_space<vmem>> -> memref<32x128xf32, #tpu.memory_space<vmem>>
      %dma_wait3A_1541 = arith.constant 0 : i32
      %dma_wait3A_1542 = arith.constant 0 : i32
      %dma_wait3A_1543 = tpu.memref_slice %arg2[%dma_wait3A_1541, %dma_wait3A_1542] : memref<32x1000000xf32, #tpu.memory_space<hbm>> -> memref<32x128xf32, #tpu.memory_space<hbm>>
      %dma_wait3A_1544 = arith.constant 0 : i32
      %dma_wait3A_1545 = arith.constant 0 : i32
      %dma_wait3A_1546 = tpu.memref_slice %arg8[%dma_wait3A_1536, %dma_wait3A_1544, %dma_wait3A_1545] : memref<8x32x128xf32, #tpu.memory_space<vmem>> -> memref<1x32x128xf32, #tpu.memory_space<vmem>>
      %dma_wait3A_1547 = tpu.memref_squeeze %dma_wait3A_1546 : memref<1x32x128xf32, #tpu.memory_space<vmem>> -> memref<32x128xf32, #tpu.memory_space<vmem>>
      %dma_wait3A_1548 = arith.constant 0 : i32
      %dma_wait3A_1549 = arith.constant 0 : i32
      %dma_wait3A_1550 = tpu.memref_slice %arg2[%dma_wait3A_1548, %dma_wait3A_1549] : memref<32x1000000xf32, #tpu.memory_space<hbm>> -> memref<32x128xf32, #tpu.memory_space<hbm>>
      tpu.wait_dma2 semaphore(%arg12 : memref<!tpu.dma_semaphore, #tpu.memory_space<semaphore_mem>>) src(%dma_wait3A_1550 : memref<32x128xf32, #tpu.memory_space<hbm>>) dst(%dma_wait3A_1547 : memref<32x128xf32, #tpu.memory_space<vmem>>)
      %dma_wait3A_1551 = arith.constant 4 : i32
      %dma_wait3A_1552 = arith.constant 0 : i32
      %dma_wait3A_1553 = arith.constant 0 : i32
      %dma_wait3A_1554 = tpu.memref_slice %arg8[%dma_wait3A_1551, %dma_wait3A_1552, %dma_wait3A_1553] : memref<8x32x128xf32, #tpu.memory_space<vmem>> -> memref<1x32x128xf32, #tpu.memory_space<vmem>>
      %dma_wait3A_1555 = tpu.memref_squeeze %dma_wait3A_1554 : memref<1x32x128xf32, #tpu.memory_space<vmem>> -> memref<32x128xf32, #tpu.memory_space<vmem>>
      %dma_wait3A_1556 = arith.constant 0 : i32
      %dma_wait3A_1557 = arith.constant 0 : i32
      %dma_wait3A_1558 = tpu.memref_slice %arg2[%dma_wait3A_1556, %dma_wait3A_1557] : memref<32x1000000xf32, #tpu.memory_space<hbm>> -> memref<32x128xf32, #tpu.memory_space<hbm>>
      %dma_wait3A_1559 = arith.constant 0 : i32
      %dma_wait3A_1560 = arith.constant 0 : i32
      %dma_wait3A_1561 = tpu.memref_slice %arg8[%dma_wait3A_1551, %dma_wait3A_1559, %dma_wait3A_1560] : memref<8x32x128xf32, #tpu.memory_space<vmem>> -> memref<1x32x128xf32, #tpu.memory_space<vmem>>
      %dma_wait3A_1562 = tpu.memref_squeeze %dma_wait3A_1561 : memref<1x32x128xf32, #tpu.memory_space<vmem>> -> memref<32x128xf32, #tpu.memory_space<vmem>>
      %dma_wait3A_1563 = arith.constant 0 : i32
      %dma_wait3A_1564 = arith.constant 0 : i32
      %dma_wait3A_1565 = tpu.memref_slice %arg2[%dma_wait3A_1563, %dma_wait3A_1564] : memref<32x1000000xf32, #tpu.memory_space<hbm>> -> memref<32x128xf32, #tpu.memory_space<hbm>>
      tpu.wait_dma2 semaphore(%arg12 : memref<!tpu.dma_semaphore, #tpu.memory_space<semaphore_mem>>) src(%dma_wait3A_1565 : memref<32x128xf32, #tpu.memory_space<hbm>>) dst(%dma_wait3A_1562 : memref<32x128xf32, #tpu.memory_space<vmem>>)
      %dma_wait3A_1566 = arith.constant 5 : i32
      %dma_wait3A_1567 = arith.constant 0 : i32
      %dma_wait3A_1568 = arith.constant 0 : i32
      %dma_wait3A_1569 = tpu.memref_slice %arg8[%dma_wait3A_1566, %dma_wait3A_1567, %dma_wait3A_1568] : memref<8x32x128xf32, #tpu.memory_space<vmem>> -> memref<1x32x128xf32, #tpu.memory_space<vmem>>
      %dma_wait3A_1570 = tpu.memref_squeeze %dma_wait3A_1569 : memref<1x32x128xf32, #tpu.memory_space<vmem>> -> memref<32x128xf32, #tpu.memory_space<vmem>>
      %dma_wait3A_1571 = arith.constant 0 : i32
      %dma_wait3A_1572 = arith.constant 0 : i32
      %dma_wait3A_1573 = tpu.memref_slice %arg2[%dma_wait3A_1571, %dma_wait3A_1572] : memref<32x1000000xf32, #tpu.memory_space<hbm>> -> memref<32x128xf32, #tpu.memory_space<hbm>>
      %dma_wait3A_1574 = arith.constant 0 : i32
      %dma_wait3A_1575 = arith.constant 0 : i32
      %dma_wait3A_1576 = tpu.memref_slice %arg8[%dma_wait3A_1566, %dma_wait3A_1574, %dma_wait3A_1575] : memref<8x32x128xf32, #tpu.memory_space<vmem>> -> memref<1x32x128xf32, #tpu.memory_space<vmem>>
      %dma_wait3A_1577 = tpu.memref_squeeze %dma_wait3A_1576 : memref<1x32x128xf32, #tpu.memory_space<vmem>> -> memref<32x128xf32, #tpu.memory_space<vmem>>
      %dma_wait3A_1578 = arith.constant 0 : i32
      %dma_wait3A_1579 = arith.constant 0 : i32
      %dma_wait3A_1580 = tpu.memref_slice %arg2[%dma_wait3A_1578, %dma_wait3A_1579] : memref<32x1000000xf32, #tpu.memory_space<hbm>> -> memref<32x128xf32, #tpu.memory_space<hbm>>
      tpu.wait_dma2 semaphore(%arg12 : memref<!tpu.dma_semaphore, #tpu.memory_space<semaphore_mem>>) src(%dma_wait3A_1580 : memref<32x128xf32, #tpu.memory_space<hbm>>) dst(%dma_wait3A_1577 : memref<32x128xf32, #tpu.memory_space<vmem>>)
      %dma_wait3A_1581 = arith.constant 6 : i32
      %dma_wait3A_1582 = arith.constant 0 : i32
      %dma_wait3A_1583 = arith.constant 0 : i32
      %dma_wait3A_1584 = tpu.memref_slice %arg8[%dma_wait3A_1581, %dma_wait3A_1582, %dma_wait3A_1583] : memref<8x32x128xf32, #tpu.memory_space<vmem>> -> memref<1x32x128xf32, #tpu.memory_space<vmem>>
      %dma_wait3A_1585 = tpu.memref_squeeze %dma_wait3A_1584 : memref<1x32x128xf32, #tpu.memory_space<vmem>> -> memref<32x128xf32, #tpu.memory_space<vmem>>
      %dma_wait3A_1586 = arith.constant 0 : i32
      %dma_wait3A_1587 = arith.constant 0 : i32
      %dma_wait3A_1588 = tpu.memref_slice %arg2[%dma_wait3A_1586, %dma_wait3A_1587] : memref<32x1000000xf32, #tpu.memory_space<hbm>> -> memref<32x128xf32, #tpu.memory_space<hbm>>
      %dma_wait3A_1589 = arith.constant 0 : i32
      %dma_wait3A_1590 = arith.constant 0 : i32
      %dma_wait3A_1591 = tpu.memref_slice %arg8[%dma_wait3A_1581, %dma_wait3A_1589, %dma_wait3A_1590] : memref<8x32x128xf32, #tpu.memory_space<vmem>> -> memref<1x32x128xf32, #tpu.memory_space<vmem>>
      %dma_wait3A_1592 = tpu.memref_squeeze %dma_wait3A_1591 : memref<1x32x128xf32, #tpu.memory_space<vmem>> -> memref<32x128xf32, #tpu.memory_space<vmem>>
      %dma_wait3A_1593 = arith.constant 0 : i32
      %dma_wait3A_1594 = arith.constant 0 : i32
      %dma_wait3A_1595 = tpu.memref_slice %arg2[%dma_wait3A_1593, %dma_wait3A_1594] : memref<32x1000000xf32, #tpu.memory_space<hbm>> -> memref<32x128xf32, #tpu.memory_space<hbm>>
      tpu.wait_dma2 semaphore(%arg12 : memref<!tpu.dma_semaphore, #tpu.memory_space<semaphore_mem>>) src(%dma_wait3A_1595 : memref<32x128xf32, #tpu.memory_space<hbm>>) dst(%dma_wait3A_1592 : memref<32x128xf32, #tpu.memory_space<vmem>>)
      %dma_wait3A_1596 = arith.constant 7 : i32
      %dma_wait3A_1597 = arith.constant 0 : i32
      %dma_wait3A_1598 = arith.constant 0 : i32
      %dma_wait3A_1599 = tpu.memref_slice %arg8[%dma_wait3A_1596, %dma_wait3A_1597, %dma_wait3A_1598] : memref<8x32x128xf32, #tpu.memory_space<vmem>> -> memref<1x32x128xf32, #tpu.memory_space<vmem>>
      %dma_wait3A_1600 = tpu.memref_squeeze %dma_wait3A_1599 : memref<1x32x128xf32, #tpu.memory_space<vmem>> -> memref<32x128xf32, #tpu.memory_space<vmem>>
      %dma_wait3A_1601 = arith.constant 0 : i32
      %dma_wait3A_1602 = arith.constant 0 : i32
      %dma_wait3A_1603 = tpu.memref_slice %arg2[%dma_wait3A_1601, %dma_wait3A_1602] : memref<32x1000000xf32, #tpu.memory_space<hbm>> -> memref<32x128xf32, #tpu.memory_space<hbm>>
      %dma_wait3A_1604 = arith.constant 0 : i32
      %dma_wait3A_1605 = arith.constant 0 : i32
      %dma_wait3A_1606 = tpu.memref_slice %arg8[%dma_wait3A_1596, %dma_wait3A_1604, %dma_wait3A_1605] : memref<8x32x128xf32, #tpu.memory_space<vmem>> -> memref<1x32x128xf32, #tpu.memory_space<vmem>>
      %dma_wait3A_1607 = tpu.memref_squeeze %dma_wait3A_1606 : memref<1x32x128xf32, #tpu.memory_space<vmem>> -> memref<32x128xf32, #tpu.memory_space<vmem>>
      %dma_wait3A_1608 = arith.constant 0 : i32
      %dma_wait3A_1609 = arith.constant 0 : i32
      %dma_wait3A_1610 = tpu.memref_slice %arg2[%dma_wait3A_1608, %dma_wait3A_1609] : memref<32x1000000xf32, #tpu.memory_space<hbm>> -> memref<32x128xf32, #tpu.memory_space<hbm>>
      tpu.wait_dma2 semaphore(%arg12 : memref<!tpu.dma_semaphore, #tpu.memory_space<semaphore_mem>>) src(%dma_wait3A_1610 : memref<32x128xf32, #tpu.memory_space<hbm>>) dst(%dma_wait3A_1607 : memref<32x128xf32, #tpu.memory_space<vmem>>)
      %slice3A_1611 = vector.extract_strided_slice %and3A_1490 {offsets = [0], sizes = [1], strides = [1]} : vector<16xi32> to vector<1xi32>
      %squeeze3A_1612 = vector.extract %slice3A_1611[0] : i32 from vector<1xi32>
      %iota3A_1613 = tpu.iota {dimensions = array<i32: 0>} : vector<16xi32>
      %add3A_1614 = arith.constant 0 : i32
      %add3A_1615 = vector.broadcast %add3A_1614 : i32 to vector<16xi32>
      %add3A_1616 = arith.addi %iota3A_1613, %add3A_1615 : vector<16xi32>
      %broadcast_in_dim3A_1617 = arith.constant 0 : i32
      %broadcast_in_dim3A_1618 = vector.broadcast %broadcast_in_dim3A_1617 : i32 to vector<16xi32>
      %broadcast_in_dim3A_1619 = vector.broadcast %squeeze3A_1612 : i32 to vector<16xi32>
      %gather3A_1620 = tpu.vector_load_idx %arg8[%broadcast_in_dim3A_1618, %add3A_1616, %broadcast_in_dim3A_1619] : memref<8x32x128xf32, #tpu.memory_space<vmem>>[vector<16xi32>, vector<16xi32>, vector<16xi32>], vector<16xf32>,
      %swap3A_1621 = arith.constant 0 : i32
      %swap3A_1622 = arith.index_cast %swap3A_1621 : i32 to index
      %swap3A_1623 = arith.constant 0 : index
      %swap3A_1624 = tpu.vector_load %arg9[%swap3A_1622, %swap3A_1623] {strides = array<i32>} : memref<8x32xf32, #tpu.memory_space<vmem>>, vector<16xf32>,
      tpu.vector_store %arg9[%swap3A_1622, %swap3A_1623], %gather3A_1620 {strides = array<i32>} : memref<8x32xf32, #tpu.memory_space<vmem>>, vector<16xf32>,
      %iota3A_1625 = tpu.iota {dimensions = array<i32: 0>} : vector<16xi32>
      %add3A_1626 = arith.constant 16 : i32
      %add3A_1627 = vector.broadcast %add3A_1626 : i32 to vector<16xi32>
      %add3A_1628 = arith.addi %iota3A_1625, %add3A_1627 : vector<16xi32>
      %broadcast_in_dim3A_1629 = arith.constant 0 : i32
      %broadcast_in_dim3A_1630 = vector.broadcast %broadcast_in_dim3A_1629 : i32 to vector<16xi32>
      %broadcast_in_dim3A_1631 = vector.broadcast %squeeze3A_1612 : i32 to vector<16xi32>
      %gather3A_1632 = tpu.vector_load_idx %arg8[%broadcast_in_dim3A_1630, %add3A_1628, %broadcast_in_dim3A_1631] : memref<8x32x128xf32, #tpu.memory_space<vmem>>[vector<16xi32>, vector<16xi32>, vector<16xi32>], vector<16xf32>,
      %swap3A_1633 = arith.constant 0 : i32
      %swap3A_1634 = arith.index_cast %swap3A_1633 : i32 to index
      %swap3A_1635 = arith.constant 16 : index
      %swap3A_1636 = tpu.vector_load %arg9[%swap3A_1634, %swap3A_1635] {strides = array<i32>} : memref<8x32xf32, #tpu.memory_space<vmem>>, vector<16xf32>,
      tpu.vector_store %arg9[%swap3A_1634, %swap3A_1635], %gather3A_1632 {strides = array<i32>} : memref<8x32xf32, #tpu.memory_space<vmem>>, vector<16xf32>,
      %slice3A_1637 = vector.extract_strided_slice %and3A_1490 {offsets = [1], sizes = [1], strides = [1]} : vector<16xi32> to vector<1xi32>
      %squeeze3A_1638 = vector.extract %slice3A_1637[0] : i32 from vector<1xi32>
      %iota3A_1639 = tpu.iota {dimensions = array<i32: 0>} : vector<16xi32>
      %add3A_1640 = arith.constant 0 : i32
      %add3A_1641 = vector.broadcast %add3A_1640 : i32 to vector<16xi32>
      %add3A_1642 = arith.addi %iota3A_1639, %add3A_1641 : vector<16xi32>
      %broadcast_in_dim3A_1643 = arith.constant 1 : i32
      %broadcast_in_dim3A_1644 = vector.broadcast %broadcast_in_dim3A_1643 : i32 to vector<16xi32>
      %broadcast_in_dim3A_1645 = vector.broadcast %squeeze3A_1638 : i32 to vector<16xi32>
      %gather3A_1646 = tpu.vector_load_idx %arg8[%broadcast_in_dim3A_1644, %add3A_1642, %broadcast_in_dim3A_1645] : memref<8x32x128xf32, #tpu.memory_space<vmem>>[vector<16xi32>, vector<16xi32>, vector<16xi32>], vector<16xf32>,
      %swap3A_1647 = arith.constant 1 : i32
      %swap3A_1648 = arith.index_cast %swap3A_1647 : i32 to index
      %swap3A_1649 = arith.constant 0 : index
      %swap3A_1650 = tpu.vector_load %arg9[%swap3A_1648, %swap3A_1649] {strides = array<i32>} : memref<8x32xf32, #tpu.memory_space<vmem>>, vector<16xf32>,
      tpu.vector_store %arg9[%swap3A_1648, %swap3A_1649], %gather3A_1646 {strides = array<i32>} : memref<8x32xf32, #tpu.memory_space<vmem>>, vector<16xf32>,
      %iota3A_1651 = tpu.iota {dimensions = array<i32: 0>} : vector<16xi32>
      %add3A_1652 = arith.constant 16 : i32
      %add3A_1653 = vector.broadcast %add3A_1652 : i32 to vector<16xi32>
      %add3A_1654 = arith.addi %iota3A_1651, %add3A_1653 : vector<16xi32>
      %broadcast_in_dim3A_1655 = arith.constant 1 : i32
      %broadcast_in_dim3A_1656 = vector.broadcast %broadcast_in_dim3A_1655 : i32 to vector<16xi32>
      %broadcast_in_dim3A_1657 = vector.broadcast %squeeze3A_1638 : i32 to vector<16xi32>
      %gather3A_1658 = tpu.vector_load_idx %arg8[%broadcast_in_dim3A_1656, %add3A_1654, %broadcast_in_dim3A_1657] : memref<8x32x128xf32, #tpu.memory_space<vmem>>[vector<16xi32>, vector<16xi32>, vector<16xi32>], vector<16xf32>,
      %swap3A_1659 = arith.constant 1 : i32
      %swap3A_1660 = arith.index_cast %swap3A_1659 : i32 to index
      %swap3A_1661 = arith.constant 16 : index
      %swap3A_1662 = tpu.vector_load %arg9[%swap3A_1660, %swap3A_1661] {strides = array<i32>} : memref<8x32xf32, #tpu.memory_space<vmem>>, vector<16xf32>,
      tpu.vector_store %arg9[%swap3A_1660, %swap3A_1661], %gather3A_1658 {strides = array<i32>} : memref<8x32xf32, #tpu.memory_space<vmem>>, vector<16xf32>,
      %slice3A_1663 = vector.extract_strided_slice %and3A_1490 {offsets = [2], sizes = [1], strides = [1]} : vector<16xi32> to vector<1xi32>
      %squeeze3A_1664 = vector.extract %slice3A_1663[0] : i32 from vector<1xi32>
      %iota3A_1665 = tpu.iota {dimensions = array<i32: 0>} : vector<16xi32>
      %add3A_1666 = arith.constant 0 : i32
      %add3A_1667 = vector.broadcast %add3A_1666 : i32 to vector<16xi32>
      %add3A_1668 = arith.addi %iota3A_1665, %add3A_1667 : vector<16xi32>
      %broadcast_in_dim3A_1669 = arith.constant 2 : i32
      %broadcast_in_dim3A_1670 = vector.broadcast %broadcast_in_dim3A_1669 : i32 to vector<16xi32>
      %broadcast_in_dim3A_1671 = vector.broadcast %squeeze3A_1664 : i32 to vector<16xi32>
      %gather3A_1672 = tpu.vector_load_idx %arg8[%broadcast_in_dim3A_1670, %add3A_1668, %broadcast_in_dim3A_1671] : memref<8x32x128xf32, #tpu.memory_space<vmem>>[vector<16xi32>, vector<16xi32>, vector<16xi32>], vector<16xf32>,
      %swap3A_1673 = arith.constant 2 : i32
      %swap3A_1674 = arith.index_cast %swap3A_1673 : i32 to index
      %swap3A_1675 = arith.constant 0 : index
      %swap3A_1676 = tpu.vector_load %arg9[%swap3A_1674, %swap3A_1675] {strides = array<i32>} : memref<8x32xf32, #tpu.memory_space<vmem>>, vector<16xf32>,
      tpu.vector_store %arg9[%swap3A_1674, %swap3A_1675], %gather3A_1672 {strides = array<i32>} : memref<8x32xf32, #tpu.memory_space<vmem>>, vector<16xf32>,
      %iota3A_1677 = tpu.iota {dimensions = array<i32: 0>} : vector<16xi32>
      %add3A_1678 = arith.constant 16 : i32
      %add3A_1679 = vector.broadcast %add3A_1678 : i32 to vector<16xi32>
      %add3A_1680 = arith.addi %iota3A_1677, %add3A_1679 : vector<16xi32>
      %broadcast_in_dim3A_1681 = arith.constant 2 : i32
      %broadcast_in_dim3A_1682 = vector.broadcast %broadcast_in_dim3A_1681 : i32 to vector<16xi32>
      %broadcast_in_dim3A_1683 = vector.broadcast %squeeze3A_1664 : i32 to vector<16xi32>
      %gather3A_1684 = tpu.vector_load_idx %arg8[%broadcast_in_dim3A_1682, %add3A_1680, %broadcast_in_dim3A_1683] : memref<8x32x128xf32, #tpu.memory_space<vmem>>[vector<16xi32>, vector<16xi32>, vector<16xi32>], vector<16xf32>,
      %swap3A_1685 = arith.constant 2 : i32
      %swap3A_1686 = arith.index_cast %swap3A_1685 : i32 to index
      %swap3A_1687 = arith.constant 16 : index
      %swap3A_1688 = tpu.vector_load %arg9[%swap3A_1686, %swap3A_1687] {strides = array<i32>} : memref<8x32xf32, #tpu.memory_space<vmem>>, vector<16xf32>,
      tpu.vector_store %arg9[%swap3A_1686, %swap3A_1687], %gather3A_1684 {strides = array<i32>} : memref<8x32xf32, #tpu.memory_space<vmem>>, vector<16xf32>,
      %slice3A_1689 = vector.extract_strided_slice %and3A_1490 {offsets = [3], sizes = [1], strides = [1]} : vector<16xi32> to vector<1xi32>
      %squeeze3A_1690 = vector.extract %slice3A_1689[0] : i32 from vector<1xi32>
      %iota3A_1691 = tpu.iota {dimensions = array<i32: 0>} : vector<16xi32>
      %add3A_1692 = arith.constant 0 : i32
      %add3A_1693 = vector.broadcast %add3A_1692 : i32 to vector<16xi32>
      %add3A_1694 = arith.addi %iota3A_1691, %add3A_1693 : vector<16xi32>
      %broadcast_in_dim3A_1695 = arith.constant 3 : i32
      %broadcast_in_dim3A_1696 = vector.broadcast %broadcast_in_dim3A_1695 : i32 to vector<16xi32>
      %broadcast_in_dim3A_1697 = vector.broadcast %squeeze3A_1690 : i32 to vector<16xi32>
      %gather3A_1698 = tpu.vector_load_idx %arg8[%broadcast_in_dim3A_1696, %add3A_1694, %broadcast_in_dim3A_1697] : memref<8x32x128xf32, #tpu.memory_space<vmem>>[vector<16xi32>, vector<16xi32>, vector<16xi32>], vector<16xf32>,
      %swap3A_1699 = arith.constant 3 : i32
      %swap3A_1700 = arith.index_cast %swap3A_1699 : i32 to index
      %swap3A_1701 = arith.constant 0 : index
      %swap3A_1702 = tpu.vector_load %arg9[%swap3A_1700, %swap3A_1701] {strides = array<i32>} : memref<8x32xf32, #tpu.memory_space<vmem>>, vector<16xf32>,
      tpu.vector_store %arg9[%swap3A_1700, %swap3A_1701], %gather3A_1698 {strides = array<i32>} : memref<8x32xf32, #tpu.memory_space<vmem>>, vector<16xf32>,
      %iota3A_1703 = tpu.iota {dimensions = array<i32: 0>} : vector<16xi32>
      %add3A_1704 = arith.constant 16 : i32
      %add3A_1705 = vector.broadcast %add3A_1704 : i32 to vector<16xi32>
      %add3A_1706 = arith.addi %iota3A_1703, %add3A_1705 : vector<16xi32>
      %broadcast_in_dim3A_1707 = arith.constant 3 : i32
      %broadcast_in_dim3A_1708 = vector.broadcast %broadcast_in_dim3A_1707 : i32 to vector<16xi32>
      %broadcast_in_dim3A_1709 = vector.broadcast %squeeze3A_1690 : i32 to vector<16xi32>
      %gather3A_1710 = tpu.vector_load_idx %arg8[%broadcast_in_dim3A_1708, %add3A_1706, %broadcast_in_dim3A_1709] : memref<8x32x128xf32, #tpu.memory_space<vmem>>[vector<16xi32>, vector<16xi32>, vector<16xi32>], vector<16xf32>,
      %swap3A_1711 = arith.constant 3 : i32
      %swap3A_1712 = arith.index_cast %swap3A_1711 : i32 to index
      %swap3A_1713 = arith.constant 16 : index
      %swap3A_1714 = tpu.vector_load %arg9[%swap3A_1712, %swap3A_1713] {strides = array<i32>} : memref<8x32xf32, #tpu.memory_space<vmem>>, vector<16xf32>,
      tpu.vector_store %arg9[%swap3A_1712, %swap3A_1713], %gather3A_1710 {strides = array<i32>} : memref<8x32xf32, #tpu.memory_space<vmem>>, vector<16xf32>,
      %slice3A_1715 = vector.extract_strided_slice %and3A_1490 {offsets = [4], sizes = [1], strides = [1]} : vector<16xi32> to vector<1xi32>
      %squeeze3A_1716 = vector.extract %slice3A_1715[0] : i32 from vector<1xi32>
      %iota3A_1717 = tpu.iota {dimensions = array<i32: 0>} : vector<16xi32>
      %add3A_1718 = arith.constant 0 : i32
      %add3A_1719 = vector.broadcast %add3A_1718 : i32 to vector<16xi32>
      %add3A_1720 = arith.addi %iota3A_1717, %add3A_1719 : vector<16xi32>
      %broadcast_in_dim3A_1721 = arith.constant 4 : i32
      %broadcast_in_dim3A_1722 = vector.broadcast %broadcast_in_dim3A_1721 : i32 to vector<16xi32>
      %broadcast_in_dim3A_1723 = vector.broadcast %squeeze3A_1716 : i32 to vector<16xi32>
      %gather3A_1724 = tpu.vector_load_idx %arg8[%broadcast_in_dim3A_1722, %add3A_1720, %broadcast_in_dim3A_1723] : memref<8x32x128xf32, #tpu.memory_space<vmem>>[vector<16xi32>, vector<16xi32>, vector<16xi32>], vector<16xf32>,
      %swap3A_1725 = arith.constant 4 : i32
      %swap3A_1726 = arith.index_cast %swap3A_1725 : i32 to index
      %swap3A_1727 = arith.constant 0 : index
      %swap3A_1728 = tpu.vector_load %arg9[%swap3A_1726, %swap3A_1727] {strides = array<i32>} : memref<8x32xf32, #tpu.memory_space<vmem>>, vector<16xf32>,
      tpu.vector_store %arg9[%swap3A_1726, %swap3A_1727], %gather3A_1724 {strides = array<i32>} : memref<8x32xf32, #tpu.memory_space<vmem>>, vector<16xf32>,
      %iota3A_1729 = tpu.iota {dimensions = array<i32: 0>} : vector<16xi32>
      %add3A_1730 = arith.constant 16 : i32
      %add3A_1731 = vector.broadcast %add3A_1730 : i32 to vector<16xi32>
      %add3A_1732 = arith.addi %iota3A_1729, %add3A_1731 : vector<16xi32>
      %broadcast_in_dim3A_1733 = arith.constant 4 : i32
      %broadcast_in_dim3A_1734 = vector.broadcast %broadcast_in_dim3A_1733 : i32 to vector<16xi32>
      %broadcast_in_dim3A_1735 = vector.broadcast %squeeze3A_1716 : i32 to vector<16xi32>
      %gather3A_1736 = tpu.vector_load_idx %arg8[%broadcast_in_dim3A_1734, %add3A_1732, %broadcast_in_dim3A_1735] : memref<8x32x128xf32, #tpu.memory_space<vmem>>[vector<16xi32>, vector<16xi32>, vector<16xi32>], vector<16xf32>,
      %swap3A_1737 = arith.constant 4 : i32
      %swap3A_1738 = arith.index_cast %swap3A_1737 : i32 to index
      %swap3A_1739 = arith.constant 16 : index
      %swap3A_1740 = tpu.vector_load %arg9[%swap3A_1738, %swap3A_1739] {strides = array<i32>} : memref<8x32xf32, #tpu.memory_space<vmem>>, vector<16xf32>,
      tpu.vector_store %arg9[%swap3A_1738, %swap3A_1739], %gather3A_1736 {strides = array<i32>} : memref<8x32xf32, #tpu.memory_space<vmem>>, vector<16xf32>,
      %slice3A_1741 = vector.extract_strided_slice %and3A_1490 {offsets = [5], sizes = [1], strides = [1]} : vector<16xi32> to vector<1xi32>
      %squeeze3A_1742 = vector.extract %slice3A_1741[0] : i32 from vector<1xi32>
      %iota3A_1743 = tpu.iota {dimensions = array<i32: 0>} : vector<16xi32>
      %add3A_1744 = arith.constant 0 : i32
      %add3A_1745 = vector.broadcast %add3A_1744 : i32 to vector<16xi32>
      %add3A_1746 = arith.addi %iota3A_1743, %add3A_1745 : vector<16xi32>
      %broadcast_in_dim3A_1747 = arith.constant 5 : i32
      %broadcast_in_dim3A_1748 = vector.broadcast %broadcast_in_dim3A_1747 : i32 to vector<16xi32>
      %broadcast_in_dim3A_1749 = vector.broadcast %squeeze3A_1742 : i32 to vector<16xi32>
      %gather3A_1750 = tpu.vector_load_idx %arg8[%broadcast_in_dim3A_1748, %add3A_1746, %broadcast_in_dim3A_1749] : memref<8x32x128xf32, #tpu.memory_space<vmem>>[vector<16xi32>, vector<16xi32>, vector<16xi32>], vector<16xf32>,
      %swap3A_1751 = arith.constant 5 : i32
      %swap3A_1752 = arith.index_cast %swap3A_1751 : i32 to index
      %swap3A_1753 = arith.constant 0 : index
      %swap3A_1754 = tpu.vector_load %arg9[%swap3A_1752, %swap3A_1753] {strides = array<i32>} : memref<8x32xf32, #tpu.memory_space<vmem>>, vector<16xf32>,
      tpu.vector_store %arg9[%swap3A_1752, %swap3A_1753], %gather3A_1750 {strides = array<i32>} : memref<8x32xf32, #tpu.memory_space<vmem>>, vector<16xf32>,
      %iota3A_1755 = tpu.iota {dimensions = array<i32: 0>} : vector<16xi32>
      %add3A_1756 = arith.constant 16 : i32
      %add3A_1757 = vector.broadcast %add3A_1756 : i32 to vector<16xi32>
      %add3A_1758 = arith.addi %iota3A_1755, %add3A_1757 : vector<16xi32>
      %broadcast_in_dim3A_1759 = arith.constant 5 : i32
      %broadcast_in_dim3A_1760 = vector.broadcast %broadcast_in_dim3A_1759 : i32 to vector<16xi32>
      %broadcast_in_dim3A_1761 = vector.broadcast %squeeze3A_1742 : i32 to vector<16xi32>
      %gather3A_1762 = tpu.vector_load_idx %arg8[%broadcast_in_dim3A_1760, %add3A_1758, %broadcast_in_dim3A_1761] : memref<8x32x128xf32, #tpu.memory_space<vmem>>[vector<16xi32>, vector<16xi32>, vector<16xi32>], vector<16xf32>,
      %swap3A_1763 = arith.constant 5 : i32
      %swap3A_1764 = arith.index_cast %swap3A_1763 : i32 to index
      %swap3A_1765 = arith.constant 16 : index
      %swap3A_1766 = tpu.vector_load %arg9[%swap3A_1764, %swap3A_1765] {strides = array<i32>} : memref<8x32xf32, #tpu.memory_space<vmem>>, vector<16xf32>,
      tpu.vector_store %arg9[%swap3A_1764, %swap3A_1765], %gather3A_1762 {strides = array<i32>} : memref<8x32xf32, #tpu.memory_space<vmem>>, vector<16xf32>,
      %slice3A_1767 = vector.extract_strided_slice %and3A_1490 {offsets = [6], sizes = [1], strides = [1]} : vector<16xi32> to vector<1xi32>
      %squeeze3A_1768 = vector.extract %slice3A_1767[0] : i32 from vector<1xi32>
      %iota3A_1769 = tpu.iota {dimensions = array<i32: 0>} : vector<16xi32>
      %add3A_1770 = arith.constant 0 : i32
      %add3A_1771 = vector.broadcast %add3A_1770 : i32 to vector<16xi32>
      %add3A_1772 = arith.addi %iota3A_1769, %add3A_1771 : vector<16xi32>
      %broadcast_in_dim3A_1773 = arith.constant 6 : i32
      %broadcast_in_dim3A_1774 = vector.broadcast %broadcast_in_dim3A_1773 : i32 to vector<16xi32>
      %broadcast_in_dim3A_1775 = vector.broadcast %squeeze3A_1768 : i32 to vector<16xi32>
      %gather3A_1776 = tpu.vector_load_idx %arg8[%broadcast_in_dim3A_1774, %add3A_1772, %broadcast_in_dim3A_1775] : memref<8x32x128xf32, #tpu.memory_space<vmem>>[vector<16xi32>, vector<16xi32>, vector<16xi32>], vector<16xf32>,
      %swap3A_1777 = arith.constant 6 : i32
      %swap3A_1778 = arith.index_cast %swap3A_1777 : i32 to index
      %swap3A_1779 = arith.constant 0 : index
      %swap3A_1780 = tpu.vector_load %arg9[%swap3A_1778, %swap3A_1779] {strides = array<i32>} : memref<8x32xf32, #tpu.memory_space<vmem>>, vector<16xf32>,
      tpu.vector_store %arg9[%swap3A_1778, %swap3A_1779], %gather3A_1776 {strides = array<i32>} : memref<8x32xf32, #tpu.memory_space<vmem>>, vector<16xf32>,
      %iota3A_1781 = tpu.iota {dimensions = array<i32: 0>} : vector<16xi32>
      %add3A_1782 = arith.constant 16 : i32
      %add3A_1783 = vector.broadcast %add3A_1782 : i32 to vector<16xi32>
      %add3A_1784 = arith.addi %iota3A_1781, %add3A_1783 : vector<16xi32>
      %broadcast_in_dim3A_1785 = arith.constant 6 : i32
      %broadcast_in_dim3A_1786 = vector.broadcast %broadcast_in_dim3A_1785 : i32 to vector<16xi32>
      %broadcast_in_dim3A_1787 = vector.broadcast %squeeze3A_1768 : i32 to vector<16xi32>
      %gather3A_1788 = tpu.vector_load_idx %arg8[%broadcast_in_dim3A_1786, %add3A_1784, %broadcast_in_dim3A_1787] : memref<8x32x128xf32, #tpu.memory_space<vmem>>[vector<16xi32>, vector<16xi32>, vector<16xi32>], vector<16xf32>,
      %swap3A_1789 = arith.constant 6 : i32
      %swap3A_1790 = arith.index_cast %swap3A_1789 : i32 to index
      %swap3A_1791 = arith.constant 16 : index
      %swap3A_1792 = tpu.vector_load %arg9[%swap3A_1790, %swap3A_1791] {strides = array<i32>} : memref<8x32xf32, #tpu.memory_space<vmem>>, vector<16xf32>,
      tpu.vector_store %arg9[%swap3A_1790, %swap3A_1791], %gather3A_1788 {strides = array<i32>} : memref<8x32xf32, #tpu.memory_space<vmem>>, vector<16xf32>,
      %slice3A_1793 = vector.extract_strided_slice %and3A_1490 {offsets = [7], sizes = [1], strides = [1]} : vector<16xi32> to vector<1xi32>
      %squeeze3A_1794 = vector.extract %slice3A_1793[0] : i32 from vector<1xi32>
      %iota3A_1795 = tpu.iota {dimensions = array<i32: 0>} : vector<16xi32>
      %add3A_1796 = arith.constant 0 : i32
      %add3A_1797 = vector.broadcast %add3A_1796 : i32 to vector<16xi32>
      %add3A_1798 = arith.addi %iota3A_1795, %add3A_1797 : vector<16xi32>
      %broadcast_in_dim3A_1799 = arith.constant 7 : i32
      %broadcast_in_dim3A_1800 = vector.broadcast %broadcast_in_dim3A_1799 : i32 to vector<16xi32>
      %broadcast_in_dim3A_1801 = vector.broadcast %squeeze3A_1794 : i32 to vector<16xi32>
      %gather3A_1802 = tpu.vector_load_idx %arg8[%broadcast_in_dim3A_1800, %add3A_1798, %broadcast_in_dim3A_1801] : memref<8x32x128xf32, #tpu.memory_space<vmem>>[vector<16xi32>, vector<16xi32>, vector<16xi32>], vector<16xf32>,
      %swap3A_1803 = arith.constant 7 : i32
      %swap3A_1804 = arith.index_cast %swap3A_1803 : i32 to index
      %swap3A_1805 = arith.constant 0 : index
      %swap3A_1806 = tpu.vector_load %arg9[%swap3A_1804, %swap3A_1805] {strides = array<i32>} : memref<8x32xf32, #tpu.memory_space<vmem>>, vector<16xf32>,
      tpu.vector_store %arg9[%swap3A_1804, %swap3A_1805], %gather3A_1802 {strides = array<i32>} : memref<8x32xf32, #tpu.memory_space<vmem>>, vector<16xf32>,
      %iota3A_1807 = tpu.iota {dimensions = array<i32: 0>} : vector<16xi32>
      %add3A_1808 = arith.constant 16 : i32
      %add3A_1809 = vector.broadcast %add3A_1808 : i32 to vector<16xi32>
      %add3A_1810 = arith.addi %iota3A_1807, %add3A_1809 : vector<16xi32>
      %broadcast_in_dim3A_1811 = arith.constant 7 : i32
      %broadcast_in_dim3A_1812 = vector.broadcast %broadcast_in_dim3A_1811 : i32 to vector<16xi32>
      %broadcast_in_dim3A_1813 = vector.broadcast %squeeze3A_1794 : i32 to vector<16xi32>
      %gather3A_1814 = tpu.vector_load_idx %arg8[%broadcast_in_dim3A_1812, %add3A_1810, %broadcast_in_dim3A_1813] : memref<8x32x128xf32, #tpu.memory_space<vmem>>[vector<16xi32>, vector<16xi32>, vector<16xi32>], vector<16xf32>,
      %swap3A_1815 = arith.constant 7 : i32
      %swap3A_1816 = arith.index_cast %swap3A_1815 : i32 to index
      %swap3A_1817 = arith.constant 16 : index
      %swap3A_1818 = tpu.vector_load %arg9[%swap3A_1816, %swap3A_1817] {strides = array<i32>} : memref<8x32xf32, #tpu.memory_space<vmem>>, vector<16xf32>,
      tpu.vector_store %arg9[%swap3A_1816, %swap3A_1817], %gather3A_1814 {strides = array<i32>} : memref<8x32xf32, #tpu.memory_space<vmem>>, vector<16xf32>,
      %mul3A_1819 = arith.constant 8 : i32
      %mul3A_1820 = arith.muli %add3A_1475, %mul3A_1819 : i32
      %add3A_1821 = arith.addi %mul3A_2, %mul3A_1820 : i32
      %multiple_of3A_1822 = tpu.assume_multiple %add3A_1821, 8 : i32
      "tpu.region"() ({
        %run_scoped3A = tpu.sem_alloc : memref<!tpu.dma_semaphore, #tpu.memory_space<semaphore_mem>>
        %dma_start3A_1828 = arith.constant 0 : i32
        %dma_start3A_1829 = tpu.memref_slice %arg4[%multiple_of3A_1822, %dma_start3A_1828] : memref<16384x32xf32, #tpu.memory_space<hbm>> -> memref<8x32xf32, #tpu.memory_space<hbm>>
        %dma_start3A_1830 = arith.constant 0 : i32
        %dma_start3A_1831 = tpu.memref_slice %arg4[%multiple_of3A_1822, %dma_start3A_1830] : memref<16384x32xf32, #tpu.memory_space<hbm>> -> memref<8x32xf32, #tpu.memory_space<hbm>>
        tpu.enqueue_dma source(%arg9 : memref<8x32xf32, #tpu.memory_space<vmem>>) target(%dma_start3A_1831 : memref<8x32xf32, #tpu.memory_space<hbm>>) target_semaphore(%run_scoped3A : memref<!tpu.dma_semaphore, #tpu.memory_space<semaphore_mem>>)
        %dma_wait3A_1832 = arith.constant 0 : i32
        %dma_wait3A_1833 = tpu.memref_slice %arg4[%multiple_of3A_1822, %dma_wait3A_1832] : memref<16384x32xf32, #tpu.memory_space<hbm>> -> memref<8x32xf32, #tpu.memory_space<hbm>>
        %dma_wait3A_1834 = arith.constant 0 : i32
        %dma_wait3A_1835 = tpu.memref_slice %arg4[%multiple_of3A_1822, %dma_wait3A_1834] : memref<16384x32xf32, #tpu.memory_space<hbm>> -> memref<8x32xf32, #tpu.memory_space<hbm>>
        tpu.wait_dma2 semaphore(%run_scoped3A : memref<!tpu.dma_semaphore, #tpu.memory_space<semaphore_mem>>) src(%arg9 : memref<8x32xf32, #tpu.memory_space<vmem>>) dst(%dma_wait3A_1835 : memref<8x32xf32, #tpu.memory_space<hbm>>)
        tpu.yield
      }) : () -> ()
      %lt3A_1823 = arith.constant 64 : i32
      %lt3A_1824 = arith.cmpi slt, %add3A_1477, %lt3A_1823 : i32
      %convert_element_type3A_1825 = arith.extui %lt3A_1824 : i1 to i32
      %cond3A_1826 = arith.constant 0 : i32
      %cond3A_1827 = arith.cmpi ne, %convert_element_type3A_1825, %cond3A_1826 : i32
      scf.if %cond3A_1827 {
        %mul3A_1828 = arith.constant 8 : i32
        %mul3A_1829 = arith.muli %add3A_1477, %mul3A_1828 : i32
        %get3A_1830 = arith.index_cast %mul3A_1829 : i32 to index
        %get3A_1831 = tpu.vector_load %arg5[%get3A_1830] {strides = array<i32>} : memref<528xi32, #tpu.memory_space<vmem>>, vector<16xi32>,
        %shift_right_logical3A_1832 = arith.constant 7 : i32
        %shift_right_logical3A_1833 = vector.broadcast %shift_right_logical3A_1832 : i32 to vector<16xi32>
        %shift_right_logical3A_1834 = arith.shrui %get3A_1831, %shift_right_logical3A_1833 : vector<16xi32>
        %mul3A_1835 = arith.constant 128 : i32
        %mul3A_1836 = vector.broadcast %mul3A_1835 : i32 to vector<16xi32>
        %mul3A_1837 = arith.muli %shift_right_logical3A_1834, %mul3A_1836 : vector<16xi32>
        %and3A_1838 = arith.constant 127 : i32
        %and3A_1839 = vector.broadcast %and3A_1838 : i32 to vector<16xi32>
        %and3A_1840 = arith.andi %get3A_1831, %and3A_1839 : vector<16xi32>
        %slice3A_1841 = vector.extract_strided_slice %mul3A_1837 {offsets = [0], sizes = [1], strides = [1]} : vector<16xi32> to vector<1xi32>
        %squeeze3A_1842 = vector.extract %slice3A_1841[0] : i32 from vector<1xi32>
        %multiple_of3A_1843 = tpu.assume_multiple %squeeze3A_1842, 128 : i32
        %dma_start3A_1844 = arith.constant 0 : i32
        %dma_start3A_1845 = arith.constant 0 : i32
        %dma_start3A_1846 = arith.constant 0 : i32
        %dma_start3A_1847 = tpu.memref_slice %arg8[%dma_start3A_1844, %dma_start3A_1845, %dma_start3A_1846] : memref<8x32x128xf32, #tpu.memory_space<vmem>> -> memref<1x32x128xf32, #tpu.memory_space<vmem>>
        %dma_start3A_1848 = tpu.memref_squeeze %dma_start3A_1847 : memref<1x32x128xf32, #tpu.memory_space<vmem>> -> memref<32x128xf32, #tpu.memory_space<vmem>>
        %dma_start3A_1849 = arith.constant 0 : i32
        %dma_start3A_1850 = tpu.memref_slice %arg2[%dma_start3A_1849, %multiple_of3A_1843] : memref<32x1000000xf32, #tpu.memory_space<hbm>> -> memref<32x128xf32, #tpu.memory_space<hbm>>
        %dma_start3A_1851 = arith.constant 0 : i32
        %dma_start3A_1852 = arith.constant 0 : i32
        %dma_start3A_1853 = tpu.memref_slice %arg8[%dma_start3A_1844, %dma_start3A_1851, %dma_start3A_1852] : memref<8x32x128xf32, #tpu.memory_space<vmem>> -> memref<1x32x128xf32, #tpu.memory_space<vmem>>
        %dma_start3A_1854 = tpu.memref_squeeze %dma_start3A_1853 : memref<1x32x128xf32, #tpu.memory_space<vmem>> -> memref<32x128xf32, #tpu.memory_space<vmem>>
        %dma_start3A_1855 = arith.constant 0 : i32
        %dma_start3A_1856 = tpu.memref_slice %arg2[%dma_start3A_1855, %multiple_of3A_1843] : memref<32x1000000xf32, #tpu.memory_space<hbm>> -> memref<32x128xf32, #tpu.memory_space<hbm>>
        tpu.enqueue_dma source(%dma_start3A_1856 : memref<32x128xf32, #tpu.memory_space<hbm>>) target(%dma_start3A_1854 : memref<32x128xf32, #tpu.memory_space<vmem>>) target_semaphore(%arg12 : memref<!tpu.dma_semaphore, #tpu.memory_space<semaphore_mem>>)
        %slice3A_1857 = vector.extract_strided_slice %mul3A_1837 {offsets = [1], sizes = [1], strides = [1]} : vector<16xi32> to vector<1xi32>
        %squeeze3A_1858 = vector.extract %slice3A_1857[0] : i32 from vector<1xi32>
        %multiple_of3A_1859 = tpu.assume_multiple %squeeze3A_1858, 128 : i32
        %dma_start3A_1860 = arith.constant 1 : i32
        %dma_start3A_1861 = arith.constant 0 : i32
        %dma_start3A_1862 = arith.constant 0 : i32
        %dma_start3A_1863 = tpu.memref_slice %arg8[%dma_start3A_1860, %dma_start3A_1861, %dma_start3A_1862] : memref<8x32x128xf32, #tpu.memory_space<vmem>> -> memref<1x32x128xf32, #tpu.memory_space<vmem>>
        %dma_start3A_1864 = tpu.memref_squeeze %dma_start3A_1863 : memref<1x32x128xf32, #tpu.memory_space<vmem>> -> memref<32x128xf32, #tpu.memory_space<vmem>>
        %dma_start3A_1865 = arith.constant 0 : i32
        %dma_start3A_1866 = tpu.memref_slice %arg2[%dma_start3A_1865, %multiple_of3A_1859] : memref<32x1000000xf32, #tpu.memory_space<hbm>> -> memref<32x128xf32, #tpu.memory_space<hbm>>
        %dma_start3A_1867 = arith.constant 0 : i32
        %dma_start3A_1868 = arith.constant 0 : i32
        %dma_start3A_1869 = tpu.memref_slice %arg8[%dma_start3A_1860, %dma_start3A_1867, %dma_start3A_1868] : memref<8x32x128xf32, #tpu.memory_space<vmem>> -> memref<1x32x128xf32, #tpu.memory_space<vmem>>
        %dma_start3A_1870 = tpu.memref_squeeze %dma_start3A_1869 : memref<1x32x128xf32, #tpu.memory_space<vmem>> -> memref<32x128xf32, #tpu.memory_space<vmem>>
        %dma_start3A_1871 = arith.constant 0 : i32
        %dma_start3A_1872 = tpu.memref_slice %arg2[%dma_start3A_1871, %multiple_of3A_1859] : memref<32x1000000xf32, #tpu.memory_space<hbm>> -> memref<32x128xf32, #tpu.memory_space<hbm>>
        tpu.enqueue_dma source(%dma_start3A_1872 : memref<32x128xf32, #tpu.memory_space<hbm>>) target(%dma_start3A_1870 : memref<32x128xf32, #tpu.memory_space<vmem>>) target_semaphore(%arg12 : memref<!tpu.dma_semaphore, #tpu.memory_space<semaphore_mem>>)
        %slice3A_1873 = vector.extract_strided_slice %mul3A_1837 {offsets = [2], sizes = [1], strides = [1]} : vector<16xi32> to vector<1xi32>
        %squeeze3A_1874 = vector.extract %slice3A_1873[0] : i32 from vector<1xi32>
        %multiple_of3A_1875 = tpu.assume_multiple %squeeze3A_1874, 128 : i32
        %dma_start3A_1876 = arith.constant 2 : i32
        %dma_start3A_1877 = arith.constant 0 : i32
        %dma_start3A_1878 = arith.constant 0 : i32
        %dma_start3A_1879 = tpu.memref_slice %arg8[%dma_start3A_1876, %dma_start3A_1877, %dma_start3A_1878] : memref<8x32x128xf32, #tpu.memory_space<vmem>> -> memref<1x32x128xf32, #tpu.memory_space<vmem>>
        %dma_start3A_1880 = tpu.memref_squeeze %dma_start3A_1879 : memref<1x32x128xf32, #tpu.memory_space<vmem>> -> memref<32x128xf32, #tpu.memory_space<vmem>>
        %dma_start3A_1881 = arith.constant 0 : i32
        %dma_start3A_1882 = tpu.memref_slice %arg2[%dma_start3A_1881, %multiple_of3A_1875] : memref<32x1000000xf32, #tpu.memory_space<hbm>> -> memref<32x128xf32, #tpu.memory_space<hbm>>
        %dma_start3A_1883 = arith.constant 0 : i32
        %dma_start3A_1884 = arith.constant 0 : i32
        %dma_start3A_1885 = tpu.memref_slice %arg8[%dma_start3A_1876, %dma_start3A_1883, %dma_start3A_1884] : memref<8x32x128xf32, #tpu.memory_space<vmem>> -> memref<1x32x128xf32, #tpu.memory_space<vmem>>
        %dma_start3A_1886 = tpu.memref_squeeze %dma_start3A_1885 : memref<1x32x128xf32, #tpu.memory_space<vmem>> -> memref<32x128xf32, #tpu.memory_space<vmem>>
        %dma_start3A_1887 = arith.constant 0 : i32
        %dma_start3A_1888 = tpu.memref_slice %arg2[%dma_start3A_1887, %multiple_of3A_1875] : memref<32x1000000xf32, #tpu.memory_space<hbm>> -> memref<32x128xf32, #tpu.memory_space<hbm>>
        tpu.enqueue_dma source(%dma_start3A_1888 : memref<32x128xf32, #tpu.memory_space<hbm>>) target(%dma_start3A_1886 : memref<32x128xf32, #tpu.memory_space<vmem>>) target_semaphore(%arg12 : memref<!tpu.dma_semaphore, #tpu.memory_space<semaphore_mem>>)
        %slice3A_1889 = vector.extract_strided_slice %mul3A_1837 {offsets = [3], sizes = [1], strides = [1]} : vector<16xi32> to vector<1xi32>
        %squeeze3A_1890 = vector.extract %slice3A_1889[0] : i32 from vector<1xi32>
        %multiple_of3A_1891 = tpu.assume_multiple %squeeze3A_1890, 128 : i32
        %dma_start3A_1892 = arith.constant 3 : i32
        %dma_start3A_1893 = arith.constant 0 : i32
        %dma_start3A_1894 = arith.constant 0 : i32
        %dma_start3A_1895 = tpu.memref_slice %arg8[%dma_start3A_1892, %dma_start3A_1893, %dma_start3A_1894] : memref<8x32x128xf32, #tpu.memory_space<vmem>> -> memref<1x32x128xf32, #tpu.memory_space<vmem>>
        %dma_start3A_1896 = tpu.memref_squeeze %dma_start3A_1895 : memref<1x32x128xf32, #tpu.memory_space<vmem>> -> memref<32x128xf32, #tpu.memory_space<vmem>>
        %dma_start3A_1897 = arith.constant 0 : i32
        %dma_start3A_1898 = tpu.memref_slice %arg2[%dma_start3A_1897, %multiple_of3A_1891] : memref<32x1000000xf32, #tpu.memory_space<hbm>> -> memref<32x128xf32, #tpu.memory_space<hbm>>
        %dma_start3A_1899 = arith.constant 0 : i32
        %dma_start3A_1900 = arith.constant 0 : i32
        %dma_start3A_1901 = tpu.memref_slice %arg8[%dma_start3A_1892, %dma_start3A_1899, %dma_start3A_1900] : memref<8x32x128xf32, #tpu.memory_space<vmem>> -> memref<1x32x128xf32, #tpu.memory_space<vmem>>
        %dma_start3A_1902 = tpu.memref_squeeze %dma_start3A_1901 : memref<1x32x128xf32, #tpu.memory_space<vmem>> -> memref<32x128xf32, #tpu.memory_space<vmem>>
        %dma_start3A_1903 = arith.constant 0 : i32
        %dma_start3A_1904 = tpu.memref_slice %arg2[%dma_start3A_1903, %multiple_of3A_1891] : memref<32x1000000xf32, #tpu.memory_space<hbm>> -> memref<32x128xf32, #tpu.memory_space<hbm>>
        tpu.enqueue_dma source(%dma_start3A_1904 : memref<32x128xf32, #tpu.memory_space<hbm>>) target(%dma_start3A_1902 : memref<32x128xf32, #tpu.memory_space<vmem>>) target_semaphore(%arg12 : memref<!tpu.dma_semaphore, #tpu.memory_space<semaphore_mem>>)
        %slice3A_1905 = vector.extract_strided_slice %mul3A_1837 {offsets = [4], sizes = [1], strides = [1]} : vector<16xi32> to vector<1xi32>
        %squeeze3A_1906 = vector.extract %slice3A_1905[0] : i32 from vector<1xi32>
        %multiple_of3A_1907 = tpu.assume_multiple %squeeze3A_1906, 128 : i32
        %dma_start3A_1908 = arith.constant 4 : i32
        %dma_start3A_1909 = arith.constant 0 : i32
        %dma_start3A_1910 = arith.constant 0 : i32
        %dma_start3A_1911 = tpu.memref_slice %arg8[%dma_start3A_1908, %dma_start3A_1909, %dma_start3A_1910] : memref<8x32x128xf32, #tpu.memory_space<vmem>> -> memref<1x32x128xf32, #tpu.memory_space<vmem>>
        %dma_start3A_1912 = tpu.memref_squeeze %dma_start3A_1911 : memref<1x32x128xf32, #tpu.memory_space<vmem>> -> memref<32x128xf32, #tpu.memory_space<vmem>>
        %dma_start3A_1913 = arith.constant 0 : i32
        %dma_start3A_1914 = tpu.memref_slice %arg2[%dma_start3A_1913, %multiple_of3A_1907] : memref<32x1000000xf32, #tpu.memory_space<hbm>> -> memref<32x128xf32, #tpu.memory_space<hbm>>
        %dma_start3A_1915 = arith.constant 0 : i32
        %dma_start3A_1916 = arith.constant 0 : i32
        %dma_start3A_1917 = tpu.memref_slice %arg8[%dma_start3A_1908, %dma_start3A_1915, %dma_start3A_1916] : memref<8x32x128xf32, #tpu.memory_space<vmem>> -> memref<1x32x128xf32, #tpu.memory_space<vmem>>
        %dma_start3A_1918 = tpu.memref_squeeze %dma_start3A_1917 : memref<1x32x128xf32, #tpu.memory_space<vmem>> -> memref<32x128xf32, #tpu.memory_space<vmem>>
        %dma_start3A_1919 = arith.constant 0 : i32
        %dma_start3A_1920 = tpu.memref_slice %arg2[%dma_start3A_1919, %multiple_of3A_1907] : memref<32x1000000xf32, #tpu.memory_space<hbm>> -> memref<32x128xf32, #tpu.memory_space<hbm>>
        tpu.enqueue_dma source(%dma_start3A_1920 : memref<32x128xf32, #tpu.memory_space<hbm>>) target(%dma_start3A_1918 : memref<32x128xf32, #tpu.memory_space<vmem>>) target_semaphore(%arg12 : memref<!tpu.dma_semaphore, #tpu.memory_space<semaphore_mem>>)
        %slice3A_1921 = vector.extract_strided_slice %mul3A_1837 {offsets = [5], sizes = [1], strides = [1]} : vector<16xi32> to vector<1xi32>
        %squeeze3A_1922 = vector.extract %slice3A_1921[0] : i32 from vector<1xi32>
        %multiple_of3A_1923 = tpu.assume_multiple %squeeze3A_1922, 128 : i32
        %dma_start3A_1924 = arith.constant 5 : i32
        %dma_start3A_1925 = arith.constant 0 : i32
        %dma_start3A_1926 = arith.constant 0 : i32
        %dma_start3A_1927 = tpu.memref_slice %arg8[%dma_start3A_1924, %dma_start3A_1925, %dma_start3A_1926] : memref<8x32x128xf32, #tpu.memory_space<vmem>> -> memref<1x32x128xf32, #tpu.memory_space<vmem>>
        %dma_start3A_1928 = tpu.memref_squeeze %dma_start3A_1927 : memref<1x32x128xf32, #tpu.memory_space<vmem>> -> memref<32x128xf32, #tpu.memory_space<vmem>>
        %dma_start3A_1929 = arith.constant 0 : i32
        %dma_start3A_1930 = tpu.memref_slice %arg2[%dma_start3A_1929, %multiple_of3A_1923] : memref<32x1000000xf32, #tpu.memory_space<hbm>> -> memref<32x128xf32, #tpu.memory_space<hbm>>
        %dma_start3A_1931 = arith.constant 0 : i32
        %dma_start3A_1932 = arith.constant 0 : i32
        %dma_start3A_1933 = tpu.memref_slice %arg8[%dma_start3A_1924, %dma_start3A_1931, %dma_start3A_1932] : memref<8x32x128xf32, #tpu.memory_space<vmem>> -> memref<1x32x128xf32, #tpu.memory_space<vmem>>
        %dma_start3A_1934 = tpu.memref_squeeze %dma_start3A_1933 : memref<1x32x128xf32, #tpu.memory_space<vmem>> -> memref<32x128xf32, #tpu.memory_space<vmem>>
        %dma_start3A_1935 = arith.constant 0 : i32
        %dma_start3A_1936 = tpu.memref_slice %arg2[%dma_start3A_1935, %multiple_of3A_1923] : memref<32x1000000xf32, #tpu.memory_space<hbm>> -> memref<32x128xf32, #tpu.memory_space<hbm>>
        tpu.enqueue_dma source(%dma_start3A_1936 : memref<32x128xf32, #tpu.memory_space<hbm>>) target(%dma_start3A_1934 : memref<32x128xf32, #tpu.memory_space<vmem>>) target_semaphore(%arg12 : memref<!tpu.dma_semaphore, #tpu.memory_space<semaphore_mem>>)
        %slice3A_1937 = vector.extract_strided_slice %mul3A_1837 {offsets = [6], sizes = [1], strides = [1]} : vector<16xi32> to vector<1xi32>
        %squeeze3A_1938 = vector.extract %slice3A_1937[0] : i32 from vector<1xi32>
        %multiple_of3A_1939 = tpu.assume_multiple %squeeze3A_1938, 128 : i32
        %dma_start3A_1940 = arith.constant 6 : i32
        %dma_start3A_1941 = arith.constant 0 : i32
        %dma_start3A_1942 = arith.constant 0 : i32
        %dma_start3A_1943 = tpu.memref_slice %arg8[%dma_start3A_1940, %dma_start3A_1941, %dma_start3A_1942] : memref<8x32x128xf32, #tpu.memory_space<vmem>> -> memref<1x32x128xf32, #tpu.memory_space<vmem>>
        %dma_start3A_1944 = tpu.memref_squeeze %dma_start3A_1943 : memref<1x32x128xf32, #tpu.memory_space<vmem>> -> memref<32x128xf32, #tpu.memory_space<vmem>>
        %dma_start3A_1945 = arith.constant 0 : i32
        %dma_start3A_1946 = tpu.memref_slice %arg2[%dma_start3A_1945, %multiple_of3A_1939] : memref<32x1000000xf32, #tpu.memory_space<hbm>> -> memref<32x128xf32, #tpu.memory_space<hbm>>
        %dma_start3A_1947 = arith.constant 0 : i32
        %dma_start3A_1948 = arith.constant 0 : i32
        %dma_start3A_1949 = tpu.memref_slice %arg8[%dma_start3A_1940, %dma_start3A_1947, %dma_start3A_1948] : memref<8x32x128xf32, #tpu.memory_space<vmem>> -> memref<1x32x128xf32, #tpu.memory_space<vmem>>
        %dma_start3A_1950 = tpu.memref_squeeze %dma_start3A_1949 : memref<1x32x128xf32, #tpu.memory_space<vmem>> -> memref<32x128xf32, #tpu.memory_space<vmem>>
        %dma_start3A_1951 = arith.constant 0 : i32
        %dma_start3A_1952 = tpu.memref_slice %arg2[%dma_start3A_1951, %multiple_of3A_1939] : memref<32x1000000xf32, #tpu.memory_space<hbm>> -> memref<32x128xf32, #tpu.memory_space<hbm>>
        tpu.enqueue_dma source(%dma_start3A_1952 : memref<32x128xf32, #tpu.memory_space<hbm>>) target(%dma_start3A_1950 : memref<32x128xf32, #tpu.memory_space<vmem>>) target_semaphore(%arg12 : memref<!tpu.dma_semaphore, #tpu.memory_space<semaphore_mem>>)
        %slice3A_1953 = vector.extract_strided_slice %mul3A_1837 {offsets = [7], sizes = [1], strides = [1]} : vector<16xi32> to vector<1xi32>
        %squeeze3A_1954 = vector.extract %slice3A_1953[0] : i32 from vector<1xi32>
        %multiple_of3A_1955 = tpu.assume_multiple %squeeze3A_1954, 128 : i32
        %dma_start3A_1956 = arith.constant 7 : i32
        %dma_start3A_1957 = arith.constant 0 : i32
        %dma_start3A_1958 = arith.constant 0 : i32
        %dma_start3A_1959 = tpu.memref_slice %arg8[%dma_start3A_1956, %dma_start3A_1957, %dma_start3A_1958] : memref<8x32x128xf32, #tpu.memory_space<vmem>> -> memref<1x32x128xf32, #tpu.memory_space<vmem>>
        %dma_start3A_1960 = tpu.memref_squeeze %dma_start3A_1959 : memref<1x32x128xf32, #tpu.memory_space<vmem>> -> memref<32x128xf32, #tpu.memory_space<vmem>>
        %dma_start3A_1961 = arith.constant 0 : i32
        %dma_start3A_1962 = tpu.memref_slice %arg2[%dma_start3A_1961, %multiple_of3A_1955] : memref<32x1000000xf32, #tpu.memory_space<hbm>> -> memref<32x128xf32, #tpu.memory_space<hbm>>
        %dma_start3A_1963 = arith.constant 0 : i32
        %dma_start3A_1964 = arith.constant 0 : i32
        %dma_start3A_1965 = tpu.memref_slice %arg8[%dma_start3A_1956, %dma_start3A_1963, %dma_start3A_1964] : memref<8x32x128xf32, #tpu.memory_space<vmem>> -> memref<1x32x128xf32, #tpu.memory_space<vmem>>
        %dma_start3A_1966 = tpu.memref_squeeze %dma_start3A_1965 : memref<1x32x128xf32, #tpu.memory_space<vmem>> -> memref<32x128xf32, #tpu.memory_space<vmem>>
        %dma_start3A_1967 = arith.constant 0 : i32
        %dma_start3A_1968 = tpu.memref_slice %arg2[%dma_start3A_1967, %multiple_of3A_1955] : memref<32x1000000xf32, #tpu.memory_space<hbm>> -> memref<32x128xf32, #tpu.memory_space<hbm>>
        tpu.enqueue_dma source(%dma_start3A_1968 : memref<32x128xf32, #tpu.memory_space<hbm>>) target(%dma_start3A_1966 : memref<32x128xf32, #tpu.memory_space<vmem>>) target_semaphore(%arg12 : memref<!tpu.dma_semaphore, #tpu.memory_space<semaphore_mem>>)
      } else {
      }
    }
    %scan3A_417 = arith.constant 21 : i32
    %get3A_418 = arith.constant 504 : index
    %get3A_419 = tpu.vector_load %arg5[%get3A_418] {strides = array<i32>} : memref<528xi32, #tpu.memory_space<vmem>>, vector<16xi32>,
    %shift_right_logical3A_420 = arith.constant 7 : i32
    %shift_right_logical3A_421 = vector.broadcast %shift_right_logical3A_420 : i32 to vector<16xi32>
    %shift_right_logical3A_422 = arith.shrui %get3A_419, %shift_right_logical3A_421 : vector<16xi32>
    %mul3A_423 = arith.constant 128 : i32
    %mul3A_424 = vector.broadcast %mul3A_423 : i32 to vector<16xi32>
    %mul3A_425 = arith.muli %shift_right_logical3A_422, %mul3A_424 : vector<16xi32>
    %and3A_426 = arith.constant 127 : i32
    %and3A_427 = vector.broadcast %and3A_426 : i32 to vector<16xi32>
    %and3A_428 = arith.andi %get3A_419, %and3A_427 : vector<16xi32>
    %dma_wait3A = arith.constant 0 : i32
    %dma_wait3A_429 = arith.constant 0 : i32
    %dma_wait3A_430 = arith.constant 0 : i32
    %dma_wait3A_431 = tpu.memref_slice %arg6[%dma_wait3A, %dma_wait3A_429, %dma_wait3A_430] : memref<8x32x128xf32, #tpu.memory_space<vmem>> -> memref<1x32x128xf32, #tpu.memory_space<vmem>>
    %dma_wait3A_432 = tpu.memref_squeeze %dma_wait3A_431 : memref<1x32x128xf32, #tpu.memory_space<vmem>> -> memref<32x128xf32, #tpu.memory_space<vmem>>
    %dma_wait3A_433 = arith.constant 0 : i32
    %dma_wait3A_434 = arith.constant 0 : i32
    %dma_wait3A_435 = tpu.memref_slice %arg2[%dma_wait3A_433, %dma_wait3A_434] : memref<32x1000000xf32, #tpu.memory_space<hbm>> -> memref<32x128xf32, #tpu.memory_space<hbm>>
    %dma_wait3A_436 = arith.constant 0 : i32
    %dma_wait3A_437 = arith.constant 0 : i32
    %dma_wait3A_438 = tpu.memref_slice %arg6[%dma_wait3A, %dma_wait3A_436, %dma_wait3A_437] : memref<8x32x128xf32, #tpu.memory_space<vmem>> -> memref<1x32x128xf32, #tpu.memory_space<vmem>>
    %dma_wait3A_439 = tpu.memref_squeeze %dma_wait3A_438 : memref<1x32x128xf32, #tpu.memory_space<vmem>> -> memref<32x128xf32, #tpu.memory_space<vmem>>
    %dma_wait3A_440 = arith.constant 0 : i32
    %dma_wait3A_441 = arith.constant 0 : i32
    %dma_wait3A_442 = tpu.memref_slice %arg2[%dma_wait3A_440, %dma_wait3A_441] : memref<32x1000000xf32, #tpu.memory_space<hbm>> -> memref<32x128xf32, #tpu.memory_space<hbm>>
    tpu.wait_dma2 semaphore(%arg10 : memref<!tpu.dma_semaphore, #tpu.memory_space<semaphore_mem>>) src(%dma_wait3A_442 : memref<32x128xf32, #tpu.memory_space<hbm>>) dst(%dma_wait3A_439 : memref<32x128xf32, #tpu.memory_space<vmem>>)
    %dma_wait3A_443 = arith.constant 1 : i32
    %dma_wait3A_444 = arith.constant 0 : i32
    %dma_wait3A_445 = arith.constant 0 : i32
    %dma_wait3A_446 = tpu.memref_slice %arg6[%dma_wait3A_443, %dma_wait3A_444, %dma_wait3A_445] : memref<8x32x128xf32, #tpu.memory_space<vmem>> -> memref<1x32x128xf32, #tpu.memory_space<vmem>>
    %dma_wait3A_447 = tpu.memref_squeeze %dma_wait3A_446 : memref<1x32x128xf32, #tpu.memory_space<vmem>> -> memref<32x128xf32, #tpu.memory_space<vmem>>
    %dma_wait3A_448 = arith.constant 0 : i32
    %dma_wait3A_449 = arith.constant 0 : i32
    %dma_wait3A_450 = tpu.memref_slice %arg2[%dma_wait3A_448, %dma_wait3A_449] : memref<32x1000000xf32, #tpu.memory_space<hbm>> -> memref<32x128xf32, #tpu.memory_space<hbm>>
    %dma_wait3A_451 = arith.constant 0 : i32
    %dma_wait3A_452 = arith.constant 0 : i32
    %dma_wait3A_453 = tpu.memref_slice %arg6[%dma_wait3A_443, %dma_wait3A_451, %dma_wait3A_452] : memref<8x32x128xf32, #tpu.memory_space<vmem>> -> memref<1x32x128xf32, #tpu.memory_space<vmem>>
    %dma_wait3A_454 = tpu.memref_squeeze %dma_wait3A_453 : memref<1x32x128xf32, #tpu.memory_space<vmem>> -> memref<32x128xf32, #tpu.memory_space<vmem>>
    %dma_wait3A_455 = arith.constant 0 : i32
    %dma_wait3A_456 = arith.constant 0 : i32
    %dma_wait3A_457 = tpu.memref_slice %arg2[%dma_wait3A_455, %dma_wait3A_456] : memref<32x1000000xf32, #tpu.memory_space<hbm>> -> memref<32x128xf32, #tpu.memory_space<hbm>>
    tpu.wait_dma2 semaphore(%arg10 : memref<!tpu.dma_semaphore, #tpu.memory_space<semaphore_mem>>) src(%dma_wait3A_457 : memref<32x128xf32, #tpu.memory_space<hbm>>) dst(%dma_wait3A_454 : memref<32x128xf32, #tpu.memory_space<vmem>>)
    %dma_wait3A_458 = arith.constant 2 : i32
    %dma_wait3A_459 = arith.constant 0 : i32
    %dma_wait3A_460 = arith.constant 0 : i32
    %dma_wait3A_461 = tpu.memref_slice %arg6[%dma_wait3A_458, %dma_wait3A_459, %dma_wait3A_460] : memref<8x32x128xf32, #tpu.memory_space<vmem>> -> memref<1x32x128xf32, #tpu.memory_space<vmem>>
    %dma_wait3A_462 = tpu.memref_squeeze %dma_wait3A_461 : memref<1x32x128xf32, #tpu.memory_space<vmem>> -> memref<32x128xf32, #tpu.memory_space<vmem>>
    %dma_wait3A_463 = arith.constant 0 : i32
    %dma_wait3A_464 = arith.constant 0 : i32
    %dma_wait3A_465 = tpu.memref_slice %arg2[%dma_wait3A_463, %dma_wait3A_464] : memref<32x1000000xf32, #tpu.memory_space<hbm>> -> memref<32x128xf32, #tpu.memory_space<hbm>>
    %dma_wait3A_466 = arith.constant 0 : i32
    %dma_wait3A_467 = arith.constant 0 : i32
    %dma_wait3A_468 = tpu.memref_slice %arg6[%dma_wait3A_458, %dma_wait3A_466, %dma_wait3A_467] : memref<8x32x128xf32, #tpu.memory_space<vmem>> -> memref<1x32x128xf32, #tpu.memory_space<vmem>>
    %dma_wait3A_469 = tpu.memref_squeeze %dma_wait3A_468 : memref<1x32x128xf32, #tpu.memory_space<vmem>> -> memref<32x128xf32, #tpu.memory_space<vmem>>
    %dma_wait3A_470 = arith.constant 0 : i32
    %dma_wait3A_471 = arith.constant 0 : i32
    %dma_wait3A_472 = tpu.memref_slice %arg2[%dma_wait3A_470, %dma_wait3A_471] : memref<32x1000000xf32, #tpu.memory_space<hbm>> -> memref<32x128xf32, #tpu.memory_space<hbm>>
    tpu.wait_dma2 semaphore(%arg10 : memref<!tpu.dma_semaphore, #tpu.memory_space<semaphore_mem>>) src(%dma_wait3A_472 : memref<32x128xf32, #tpu.memory_space<hbm>>) dst(%dma_wait3A_469 : memref<32x128xf32, #tpu.memory_space<vmem>>)
    %dma_wait3A_473 = arith.constant 3 : i32
    %dma_wait3A_474 = arith.constant 0 : i32
    %dma_wait3A_475 = arith.constant 0 : i32
    %dma_wait3A_476 = tpu.memref_slice %arg6[%dma_wait3A_473, %dma_wait3A_474, %dma_wait3A_475] : memref<8x32x128xf32, #tpu.memory_space<vmem>> -> memref<1x32x128xf32, #tpu.memory_space<vmem>>
    %dma_wait3A_477 = tpu.memref_squeeze %dma_wait3A_476 : memref<1x32x128xf32, #tpu.memory_space<vmem>> -> memref<32x128xf32, #tpu.memory_space<vmem>>
    %dma_wait3A_478 = arith.constant 0 : i32
    %dma_wait3A_479 = arith.constant 0 : i32
    %dma_wait3A_480 = tpu.memref_slice %arg2[%dma_wait3A_478, %dma_wait3A_479] : memref<32x1000000xf32, #tpu.memory_space<hbm>> -> memref<32x128xf32, #tpu.memory_space<hbm>>
    %dma_wait3A_481 = arith.constant 0 : i32
    %dma_wait3A_482 = arith.constant 0 : i32
    %dma_wait3A_483 = tpu.memref_slice %arg6[%dma_wait3A_473, %dma_wait3A_481, %dma_wait3A_482] : memref<8x32x128xf32, #tpu.memory_space<vmem>> -> memref<1x32x128xf32, #tpu.memory_space<vmem>>
    %dma_wait3A_484 = tpu.memref_squeeze %dma_wait3A_483 : memref<1x32x128xf32, #tpu.memory_space<vmem>> -> memref<32x128xf32, #tpu.memory_space<vmem>>
    %dma_wait3A_485 = arith.constant 0 : i32
    %dma_wait3A_486 = arith.constant 0 : i32
    %dma_wait3A_487 = tpu.memref_slice %arg2[%dma_wait3A_485, %dma_wait3A_486] : memref<32x1000000xf32, #tpu.memory_space<hbm>> -> memref<32x128xf32, #tpu.memory_space<hbm>>
    tpu.wait_dma2 semaphore(%arg10 : memref<!tpu.dma_semaphore, #tpu.memory_space<semaphore_mem>>) src(%dma_wait3A_487 : memref<32x128xf32, #tpu.memory_space<hbm>>) dst(%dma_wait3A_484 : memref<32x128xf32, #tpu.memory_space<vmem>>)
    %dma_wait3A_488 = arith.constant 4 : i32
    %dma_wait3A_489 = arith.constant 0 : i32
    %dma_wait3A_490 = arith.constant 0 : i32
    %dma_wait3A_491 = tpu.memref_slice %arg6[%dma_wait3A_488, %dma_wait3A_489, %dma_wait3A_490] : memref<8x32x128xf32, #tpu.memory_space<vmem>> -> memref<1x32x128xf32, #tpu.memory_space<vmem>>
    %dma_wait3A_492 = tpu.memref_squeeze %dma_wait3A_491 : memref<1x32x128xf32, #tpu.memory_space<vmem>> -> memref<32x128xf32, #tpu.memory_space<vmem>>
    %dma_wait3A_493 = arith.constant 0 : i32
    %dma_wait3A_494 = arith.constant 0 : i32
    %dma_wait3A_495 = tpu.memref_slice %arg2[%dma_wait3A_493, %dma_wait3A_494] : memref<32x1000000xf32, #tpu.memory_space<hbm>> -> memref<32x128xf32, #tpu.memory_space<hbm>>
    %dma_wait3A_496 = arith.constant 0 : i32
    %dma_wait3A_497 = arith.constant 0 : i32
    %dma_wait3A_498 = tpu.memref_slice %arg6[%dma_wait3A_488, %dma_wait3A_496, %dma_wait3A_497] : memref<8x32x128xf32, #tpu.memory_space<vmem>> -> memref<1x32x128xf32, #tpu.memory_space<vmem>>
    %dma_wait3A_499 = tpu.memref_squeeze %dma_wait3A_498 : memref<1x32x128xf32, #tpu.memory_space<vmem>> -> memref<32x128xf32, #tpu.memory_space<vmem>>
    %dma_wait3A_500 = arith.constant 0 : i32
    %dma_wait3A_501 = arith.constant 0 : i32
    %dma_wait3A_502 = tpu.memref_slice %arg2[%dma_wait3A_500, %dma_wait3A_501] : memref<32x1000000xf32, #tpu.memory_space<hbm>> -> memref<32x128xf32, #tpu.memory_space<hbm>>
    tpu.wait_dma2 semaphore(%arg10 : memref<!tpu.dma_semaphore, #tpu.memory_space<semaphore_mem>>) src(%dma_wait3A_502 : memref<32x128xf32, #tpu.memory_space<hbm>>) dst(%dma_wait3A_499 : memref<32x128xf32, #tpu.memory_space<vmem>>)
    %dma_wait3A_503 = arith.constant 5 : i32
    %dma_wait3A_504 = arith.constant 0 : i32
    %dma_wait3A_505 = arith.constant 0 : i32
    %dma_wait3A_506 = tpu.memref_slice %arg6[%dma_wait3A_503, %dma_wait3A_504, %dma_wait3A_505] : memref<8x32x128xf32, #tpu.memory_space<vmem>> -> memref<1x32x128xf32, #tpu.memory_space<vmem>>
    %dma_wait3A_507 = tpu.memref_squeeze %dma_wait3A_506 : memref<1x32x128xf32, #tpu.memory_space<vmem>> -> memref<32x128xf32, #tpu.memory_space<vmem>>
    %dma_wait3A_508 = arith.constant 0 : i32
    %dma_wait3A_509 = arith.constant 0 : i32
    %dma_wait3A_510 = tpu.memref_slice %arg2[%dma_wait3A_508, %dma_wait3A_509] : memref<32x1000000xf32, #tpu.memory_space<hbm>> -> memref<32x128xf32, #tpu.memory_space<hbm>>
    %dma_wait3A_511 = arith.constant 0 : i32
    %dma_wait3A_512 = arith.constant 0 : i32
    %dma_wait3A_513 = tpu.memref_slice %arg6[%dma_wait3A_503, %dma_wait3A_511, %dma_wait3A_512] : memref<8x32x128xf32, #tpu.memory_space<vmem>> -> memref<1x32x128xf32, #tpu.memory_space<vmem>>
    %dma_wait3A_514 = tpu.memref_squeeze %dma_wait3A_513 : memref<1x32x128xf32, #tpu.memory_space<vmem>> -> memref<32x128xf32, #tpu.memory_space<vmem>>
    %dma_wait3A_515 = arith.constant 0 : i32
    %dma_wait3A_516 = arith.constant 0 : i32
    %dma_wait3A_517 = tpu.memref_slice %arg2[%dma_wait3A_515, %dma_wait3A_516] : memref<32x1000000xf32, #tpu.memory_space<hbm>> -> memref<32x128xf32, #tpu.memory_space<hbm>>
    tpu.wait_dma2 semaphore(%arg10 : memref<!tpu.dma_semaphore, #tpu.memory_space<semaphore_mem>>) src(%dma_wait3A_517 : memref<32x128xf32, #tpu.memory_space<hbm>>) dst(%dma_wait3A_514 : memref<32x128xf32, #tpu.memory_space<vmem>>)
    %dma_wait3A_518 = arith.constant 6 : i32
    %dma_wait3A_519 = arith.constant 0 : i32
    %dma_wait3A_520 = arith.constant 0 : i32
    %dma_wait3A_521 = tpu.memref_slice %arg6[%dma_wait3A_518, %dma_wait3A_519, %dma_wait3A_520] : memref<8x32x128xf32, #tpu.memory_space<vmem>> -> memref<1x32x128xf32, #tpu.memory_space<vmem>>
    %dma_wait3A_522 = tpu.memref_squeeze %dma_wait3A_521 : memref<1x32x128xf32, #tpu.memory_space<vmem>> -> memref<32x128xf32, #tpu.memory_space<vmem>>
    %dma_wait3A_523 = arith.constant 0 : i32
    %dma_wait3A_524 = arith.constant 0 : i32
    %dma_wait3A_525 = tpu.memref_slice %arg2[%dma_wait3A_523, %dma_wait3A_524] : memref<32x1000000xf32, #tpu.memory_space<hbm>> -> memref<32x128xf32, #tpu.memory_space<hbm>>
    %dma_wait3A_526 = arith.constant 0 : i32
    %dma_wait3A_527 = arith.constant 0 : i32
    %dma_wait3A_528 = tpu.memref_slice %arg6[%dma_wait3A_518, %dma_wait3A_526, %dma_wait3A_527] : memref<8x32x128xf32, #tpu.memory_space<vmem>> -> memref<1x32x128xf32, #tpu.memory_space<vmem>>
    %dma_wait3A_529 = tpu.memref_squeeze %dma_wait3A_528 : memref<1x32x128xf32, #tpu.memory_space<vmem>> -> memref<32x128xf32, #tpu.memory_space<vmem>>
    %dma_wait3A_530 = arith.constant 0 : i32
    %dma_wait3A_531 = arith.constant 0 : i32
    %dma_wait3A_532 = tpu.memref_slice %arg2[%dma_wait3A_530, %dma_wait3A_531] : memref<32x1000000xf32, #tpu.memory_space<hbm>> -> memref<32x128xf32, #tpu.memory_space<hbm>>
    tpu.wait_dma2 semaphore(%arg10 : memref<!tpu.dma_semaphore, #tpu.memory_space<semaphore_mem>>) src(%dma_wait3A_532 : memref<32x128xf32, #tpu.memory_space<hbm>>) dst(%dma_wait3A_529 : memref<32x128xf32, #tpu.memory_space<vmem>>)
    %dma_wait3A_533 = arith.constant 7 : i32
    %dma_wait3A_534 = arith.constant 0 : i32
    %dma_wait3A_535 = arith.constant 0 : i32
    %dma_wait3A_536 = tpu.memref_slice %arg6[%dma_wait3A_533, %dma_wait3A_534, %dma_wait3A_535] : memref<8x32x128xf32, #tpu.memory_space<vmem>> -> memref<1x32x128xf32, #tpu.memory_space<vmem>>
    %dma_wait3A_537 = tpu.memref_squeeze %dma_wait3A_536 : memref<1x32x128xf32, #tpu.memory_space<vmem>> -> memref<32x128xf32, #tpu.memory_space<vmem>>
    %dma_wait3A_538 = arith.constant 0 : i32
    %dma_wait3A_539 = arith.constant 0 : i32
    %dma_wait3A_540 = tpu.memref_slice %arg2[%dma_wait3A_538, %dma_wait3A_539] : memref<32x1000000xf32, #tpu.memory_space<hbm>> -> memref<32x128xf32, #tpu.memory_space<hbm>>
    %dma_wait3A_541 = arith.constant 0 : i32
    %dma_wait3A_542 = arith.constant 0 : i32
    %dma_wait3A_543 = tpu.memref_slice %arg6[%dma_wait3A_533, %dma_wait3A_541, %dma_wait3A_542] : memref<8x32x128xf32, #tpu.memory_space<vmem>> -> memref<1x32x128xf32, #tpu.memory_space<vmem>>
    %dma_wait3A_544 = tpu.memref_squeeze %dma_wait3A_543 : memref<1x32x128xf32, #tpu.memory_space<vmem>> -> memref<32x128xf32, #tpu.memory_space<vmem>>
    %dma_wait3A_545 = arith.constant 0 : i32
    %dma_wait3A_546 = arith.constant 0 : i32
    %dma_wait3A_547 = tpu.memref_slice %arg2[%dma_wait3A_545, %dma_wait3A_546] : memref<32x1000000xf32, #tpu.memory_space<hbm>> -> memref<32x128xf32, #tpu.memory_space<hbm>>
    tpu.wait_dma2 semaphore(%arg10 : memref<!tpu.dma_semaphore, #tpu.memory_space<semaphore_mem>>) src(%dma_wait3A_547 : memref<32x128xf32, #tpu.memory_space<hbm>>) dst(%dma_wait3A_544 : memref<32x128xf32, #tpu.memory_space<vmem>>)
    %slice3A_548 = vector.extract_strided_slice %and3A_428 {offsets = [0], sizes = [1], strides = [1]} : vector<16xi32> to vector<1xi32>
    %squeeze3A_549 = vector.extract %slice3A_548[0] : i32 from vector<1xi32>
    %iota3A = tpu.iota {dimensions = array<i32: 0>} : vector<16xi32>
    %add3A_550 = arith.constant 0 : i32
    %add3A_551 = vector.broadcast %add3A_550 : i32 to vector<16xi32>
    %add3A_552 = arith.addi %iota3A, %add3A_551 : vector<16xi32>
    %broadcast_in_dim3A = arith.constant 0 : i32
    %broadcast_in_dim3A_553 = vector.broadcast %broadcast_in_dim3A : i32 to vector<16xi32>
    %broadcast_in_dim3A_554 = vector.broadcast %squeeze3A_549 : i32 to vector<16xi32>
    %gather3A = tpu.vector_load_idx %arg6[%broadcast_in_dim3A_553, %add3A_552, %broadcast_in_dim3A_554] : memref<8x32x128xf32, #tpu.memory_space<vmem>>[vector<16xi32>, vector<16xi32>, vector<16xi32>], vector<16xf32>,
    %swap3A = arith.constant 0 : i32
    %swap3A_555 = arith.index_cast %swap3A : i32 to index
    %swap3A_556 = arith.constant 0 : index
    %swap3A_557 = tpu.vector_load %arg9[%swap3A_555, %swap3A_556] {strides = array<i32>} : memref<8x32xf32, #tpu.memory_space<vmem>>, vector<16xf32>,
    tpu.vector_store %arg9[%swap3A_555, %swap3A_556], %gather3A {strides = array<i32>} : memref<8x32xf32, #tpu.memory_space<vmem>>, vector<16xf32>,
    %iota3A_558 = tpu.iota {dimensions = array<i32: 0>} : vector<16xi32>
    %add3A_559 = arith.constant 16 : i32
    %add3A_560 = vector.broadcast %add3A_559 : i32 to vector<16xi32>
    %add3A_561 = arith.addi %iota3A_558, %add3A_560 : vector<16xi32>
    %broadcast_in_dim3A_562 = arith.constant 0 : i32
    %broadcast_in_dim3A_563 = vector.broadcast %broadcast_in_dim3A_562 : i32 to vector<16xi32>
    %broadcast_in_dim3A_564 = vector.broadcast %squeeze3A_549 : i32 to vector<16xi32>
    %gather3A_565 = tpu.vector_load_idx %arg6[%broadcast_in_dim3A_563, %add3A_561, %broadcast_in_dim3A_564] : memref<8x32x128xf32, #tpu.memory_space<vmem>>[vector<16xi32>, vector<16xi32>, vector<16xi32>], vector<16xf32>,
    %swap3A_566 = arith.constant 0 : i32
    %swap3A_567 = arith.index_cast %swap3A_566 : i32 to index
    %swap3A_568 = arith.constant 16 : index
    %swap3A_569 = tpu.vector_load %arg9[%swap3A_567, %swap3A_568] {strides = array<i32>} : memref<8x32xf32, #tpu.memory_space<vmem>>, vector<16xf32>,
    tpu.vector_store %arg9[%swap3A_567, %swap3A_568], %gather3A_565 {strides = array<i32>} : memref<8x32xf32, #tpu.memory_space<vmem>>, vector<16xf32>,
    %slice3A_570 = vector.extract_strided_slice %and3A_428 {offsets = [1], sizes = [1], strides = [1]} : vector<16xi32> to vector<1xi32>
    %squeeze3A_571 = vector.extract %slice3A_570[0] : i32 from vector<1xi32>
    %iota3A_572 = tpu.iota {dimensions = array<i32: 0>} : vector<16xi32>
    %add3A_573 = arith.constant 0 : i32
    %add3A_574 = vector.broadcast %add3A_573 : i32 to vector<16xi32>
    %add3A_575 = arith.addi %iota3A_572, %add3A_574 : vector<16xi32>
    %broadcast_in_dim3A_576 = arith.constant 1 : i32
    %broadcast_in_dim3A_577 = vector.broadcast %broadcast_in_dim3A_576 : i32 to vector<16xi32>
    %broadcast_in_dim3A_578 = vector.broadcast %squeeze3A_571 : i32 to vector<16xi32>
    %gather3A_579 = tpu.vector_load_idx %arg6[%broadcast_in_dim3A_577, %add3A_575, %broadcast_in_dim3A_578] : memref<8x32x128xf32, #tpu.memory_space<vmem>>[vector<16xi32>, vector<16xi32>, vector<16xi32>], vector<16xf32>,
    %swap3A_580 = arith.constant 1 : i32
    %swap3A_581 = arith.index_cast %swap3A_580 : i32 to index
    %swap3A_582 = arith.constant 0 : index
    %swap3A_583 = tpu.vector_load %arg9[%swap3A_581, %swap3A_582] {strides = array<i32>} : memref<8x32xf32, #tpu.memory_space<vmem>>, vector<16xf32>,
    tpu.vector_store %arg9[%swap3A_581, %swap3A_582], %gather3A_579 {strides = array<i32>} : memref<8x32xf32, #tpu.memory_space<vmem>>, vector<16xf32>,
    %iota3A_584 = tpu.iota {dimensions = array<i32: 0>} : vector<16xi32>
    %add3A_585 = arith.constant 16 : i32
    %add3A_586 = vector.broadcast %add3A_585 : i32 to vector<16xi32>
    %add3A_587 = arith.addi %iota3A_584, %add3A_586 : vector<16xi32>
    %broadcast_in_dim3A_588 = arith.constant 1 : i32
    %broadcast_in_dim3A_589 = vector.broadcast %broadcast_in_dim3A_588 : i32 to vector<16xi32>
    %broadcast_in_dim3A_590 = vector.broadcast %squeeze3A_571 : i32 to vector<16xi32>
    %gather3A_591 = tpu.vector_load_idx %arg6[%broadcast_in_dim3A_589, %add3A_587, %broadcast_in_dim3A_590] : memref<8x32x128xf32, #tpu.memory_space<vmem>>[vector<16xi32>, vector<16xi32>, vector<16xi32>], vector<16xf32>,
    %swap3A_592 = arith.constant 1 : i32
    %swap3A_593 = arith.index_cast %swap3A_592 : i32 to index
    %swap3A_594 = arith.constant 16 : index
    %swap3A_595 = tpu.vector_load %arg9[%swap3A_593, %swap3A_594] {strides = array<i32>} : memref<8x32xf32, #tpu.memory_space<vmem>>, vector<16xf32>,
    tpu.vector_store %arg9[%swap3A_593, %swap3A_594], %gather3A_591 {strides = array<i32>} : memref<8x32xf32, #tpu.memory_space<vmem>>, vector<16xf32>,
    %slice3A_596 = vector.extract_strided_slice %and3A_428 {offsets = [2], sizes = [1], strides = [1]} : vector<16xi32> to vector<1xi32>
    %squeeze3A_597 = vector.extract %slice3A_596[0] : i32 from vector<1xi32>
    %iota3A_598 = tpu.iota {dimensions = array<i32: 0>} : vector<16xi32>
    %add3A_599 = arith.constant 0 : i32
    %add3A_600 = vector.broadcast %add3A_599 : i32 to vector<16xi32>
    %add3A_601 = arith.addi %iota3A_598, %add3A_600 : vector<16xi32>
    %broadcast_in_dim3A_602 = arith.constant 2 : i32
    %broadcast_in_dim3A_603 = vector.broadcast %broadcast_in_dim3A_602 : i32 to vector<16xi32>
    %broadcast_in_dim3A_604 = vector.broadcast %squeeze3A_597 : i32 to vector<16xi32>
    %gather3A_605 = tpu.vector_load_idx %arg6[%broadcast_in_dim3A_603, %add3A_601, %broadcast_in_dim3A_604] : memref<8x32x128xf32, #tpu.memory_space<vmem>>[vector<16xi32>, vector<16xi32>, vector<16xi32>], vector<16xf32>,
    %swap3A_606 = arith.constant 2 : i32
    %swap3A_607 = arith.index_cast %swap3A_606 : i32 to index
    %swap3A_608 = arith.constant 0 : index
    %swap3A_609 = tpu.vector_load %arg9[%swap3A_607, %swap3A_608] {strides = array<i32>} : memref<8x32xf32, #tpu.memory_space<vmem>>, vector<16xf32>,
    tpu.vector_store %arg9[%swap3A_607, %swap3A_608], %gather3A_605 {strides = array<i32>} : memref<8x32xf32, #tpu.memory_space<vmem>>, vector<16xf32>,
    %iota3A_610 = tpu.iota {dimensions = array<i32: 0>} : vector<16xi32>
    %add3A_611 = arith.constant 16 : i32
    %add3A_612 = vector.broadcast %add3A_611 : i32 to vector<16xi32>
    %add3A_613 = arith.addi %iota3A_610, %add3A_612 : vector<16xi32>
    %broadcast_in_dim3A_614 = arith.constant 2 : i32
    %broadcast_in_dim3A_615 = vector.broadcast %broadcast_in_dim3A_614 : i32 to vector<16xi32>
    %broadcast_in_dim3A_616 = vector.broadcast %squeeze3A_597 : i32 to vector<16xi32>
    %gather3A_617 = tpu.vector_load_idx %arg6[%broadcast_in_dim3A_615, %add3A_613, %broadcast_in_dim3A_616] : memref<8x32x128xf32, #tpu.memory_space<vmem>>[vector<16xi32>, vector<16xi32>, vector<16xi32>], vector<16xf32>,
    %swap3A_618 = arith.constant 2 : i32
    %swap3A_619 = arith.index_cast %swap3A_618 : i32 to index
    %swap3A_620 = arith.constant 16 : index
    %swap3A_621 = tpu.vector_load %arg9[%swap3A_619, %swap3A_620] {strides = array<i32>} : memref<8x32xf32, #tpu.memory_space<vmem>>, vector<16xf32>,
    tpu.vector_store %arg9[%swap3A_619, %swap3A_620], %gather3A_617 {strides = array<i32>} : memref<8x32xf32, #tpu.memory_space<vmem>>, vector<16xf32>,
    %slice3A_622 = vector.extract_strided_slice %and3A_428 {offsets = [3], sizes = [1], strides = [1]} : vector<16xi32> to vector<1xi32>
    %squeeze3A_623 = vector.extract %slice3A_622[0] : i32 from vector<1xi32>
    %iota3A_624 = tpu.iota {dimensions = array<i32: 0>} : vector<16xi32>
    %add3A_625 = arith.constant 0 : i32
    %add3A_626 = vector.broadcast %add3A_625 : i32 to vector<16xi32>
    %add3A_627 = arith.addi %iota3A_624, %add3A_626 : vector<16xi32>
    %broadcast_in_dim3A_628 = arith.constant 3 : i32
    %broadcast_in_dim3A_629 = vector.broadcast %broadcast_in_dim3A_628 : i32 to vector<16xi32>
    %broadcast_in_dim3A_630 = vector.broadcast %squeeze3A_623 : i32 to vector<16xi32>
    %gather3A_631 = tpu.vector_load_idx %arg6[%broadcast_in_dim3A_629, %add3A_627, %broadcast_in_dim3A_630] : memref<8x32x128xf32, #tpu.memory_space<vmem>>[vector<16xi32>, vector<16xi32>, vector<16xi32>], vector<16xf32>,
    %swap3A_632 = arith.constant 3 : i32
    %swap3A_633 = arith.index_cast %swap3A_632 : i32 to index
    %swap3A_634 = arith.constant 0 : index
    %swap3A_635 = tpu.vector_load %arg9[%swap3A_633, %swap3A_634] {strides = array<i32>} : memref<8x32xf32, #tpu.memory_space<vmem>>, vector<16xf32>,
    tpu.vector_store %arg9[%swap3A_633, %swap3A_634], %gather3A_631 {strides = array<i32>} : memref<8x32xf32, #tpu.memory_space<vmem>>, vector<16xf32>,
    %iota3A_636 = tpu.iota {dimensions = array<i32: 0>} : vector<16xi32>
    %add3A_637 = arith.constant 16 : i32
    %add3A_638 = vector.broadcast %add3A_637 : i32 to vector<16xi32>
    %add3A_639 = arith.addi %iota3A_636, %add3A_638 : vector<16xi32>
    %broadcast_in_dim3A_640 = arith.constant 3 : i32
    %broadcast_in_dim3A_641 = vector.broadcast %broadcast_in_dim3A_640 : i32 to vector<16xi32>
    %broadcast_in_dim3A_642 = vector.broadcast %squeeze3A_623 : i32 to vector<16xi32>
    %gather3A_643 = tpu.vector_load_idx %arg6[%broadcast_in_dim3A_641, %add3A_639, %broadcast_in_dim3A_642] : memref<8x32x128xf32, #tpu.memory_space<vmem>>[vector<16xi32>, vector<16xi32>, vector<16xi32>], vector<16xf32>,
    %swap3A_644 = arith.constant 3 : i32
    %swap3A_645 = arith.index_cast %swap3A_644 : i32 to index
    %swap3A_646 = arith.constant 16 : index
    %swap3A_647 = tpu.vector_load %arg9[%swap3A_645, %swap3A_646] {strides = array<i32>} : memref<8x32xf32, #tpu.memory_space<vmem>>, vector<16xf32>,
    tpu.vector_store %arg9[%swap3A_645, %swap3A_646], %gather3A_643 {strides = array<i32>} : memref<8x32xf32, #tpu.memory_space<vmem>>, vector<16xf32>,
    %slice3A_648 = vector.extract_strided_slice %and3A_428 {offsets = [4], sizes = [1], strides = [1]} : vector<16xi32> to vector<1xi32>
    %squeeze3A_649 = vector.extract %slice3A_648[0] : i32 from vector<1xi32>
    %iota3A_650 = tpu.iota {dimensions = array<i32: 0>} : vector<16xi32>
    %add3A_651 = arith.constant 0 : i32
    %add3A_652 = vector.broadcast %add3A_651 : i32 to vector<16xi32>
    %add3A_653 = arith.addi %iota3A_650, %add3A_652 : vector<16xi32>
    %broadcast_in_dim3A_654 = arith.constant 4 : i32
    %broadcast_in_dim3A_655 = vector.broadcast %broadcast_in_dim3A_654 : i32 to vector<16xi32>
    %broadcast_in_dim3A_656 = vector.broadcast %squeeze3A_649 : i32 to vector<16xi32>
    %gather3A_657 = tpu.vector_load_idx %arg6[%broadcast_in_dim3A_655, %add3A_653, %broadcast_in_dim3A_656] : memref<8x32x128xf32, #tpu.memory_space<vmem>>[vector<16xi32>, vector<16xi32>, vector<16xi32>], vector<16xf32>,
    %swap3A_658 = arith.constant 4 : i32
    %swap3A_659 = arith.index_cast %swap3A_658 : i32 to index
    %swap3A_660 = arith.constant 0 : index
    %swap3A_661 = tpu.vector_load %arg9[%swap3A_659, %swap3A_660] {strides = array<i32>} : memref<8x32xf32, #tpu.memory_space<vmem>>, vector<16xf32>,
    tpu.vector_store %arg9[%swap3A_659, %swap3A_660], %gather3A_657 {strides = array<i32>} : memref<8x32xf32, #tpu.memory_space<vmem>>, vector<16xf32>,
    %iota3A_662 = tpu.iota {dimensions = array<i32: 0>} : vector<16xi32>
    %add3A_663 = arith.constant 16 : i32
    %add3A_664 = vector.broadcast %add3A_663 : i32 to vector<16xi32>
    %add3A_665 = arith.addi %iota3A_662, %add3A_664 : vector<16xi32>
    %broadcast_in_dim3A_666 = arith.constant 4 : i32
    %broadcast_in_dim3A_667 = vector.broadcast %broadcast_in_dim3A_666 : i32 to vector<16xi32>
    %broadcast_in_dim3A_668 = vector.broadcast %squeeze3A_649 : i32 to vector<16xi32>
    %gather3A_669 = tpu.vector_load_idx %arg6[%broadcast_in_dim3A_667, %add3A_665, %broadcast_in_dim3A_668] : memref<8x32x128xf32, #tpu.memory_space<vmem>>[vector<16xi32>, vector<16xi32>, vector<16xi32>], vector<16xf32>,
    %swap3A_670 = arith.constant 4 : i32
    %swap3A_671 = arith.index_cast %swap3A_670 : i32 to index
    %swap3A_672 = arith.constant 16 : index
    %swap3A_673 = tpu.vector_load %arg9[%swap3A_671, %swap3A_672] {strides = array<i32>} : memref<8x32xf32, #tpu.memory_space<vmem>>, vector<16xf32>,
    tpu.vector_store %arg9[%swap3A_671, %swap3A_672], %gather3A_669 {strides = array<i32>} : memref<8x32xf32, #tpu.memory_space<vmem>>, vector<16xf32>,
    %slice3A_674 = vector.extract_strided_slice %and3A_428 {offsets = [5], sizes = [1], strides = [1]} : vector<16xi32> to vector<1xi32>
    %squeeze3A_675 = vector.extract %slice3A_674[0] : i32 from vector<1xi32>
    %iota3A_676 = tpu.iota {dimensions = array<i32: 0>} : vector<16xi32>
    %add3A_677 = arith.constant 0 : i32
    %add3A_678 = vector.broadcast %add3A_677 : i32 to vector<16xi32>
    %add3A_679 = arith.addi %iota3A_676, %add3A_678 : vector<16xi32>
    %broadcast_in_dim3A_680 = arith.constant 5 : i32
    %broadcast_in_dim3A_681 = vector.broadcast %broadcast_in_dim3A_680 : i32 to vector<16xi32>
    %broadcast_in_dim3A_682 = vector.broadcast %squeeze3A_675 : i32 to vector<16xi32>
    %gather3A_683 = tpu.vector_load_idx %arg6[%broadcast_in_dim3A_681, %add3A_679, %broadcast_in_dim3A_682] : memref<8x32x128xf32, #tpu.memory_space<vmem>>[vector<16xi32>, vector<16xi32>, vector<16xi32>], vector<16xf32>,
    %swap3A_684 = arith.constant 5 : i32
    %swap3A_685 = arith.index_cast %swap3A_684 : i32 to index
    %swap3A_686 = arith.constant 0 : index
    %swap3A_687 = tpu.vector_load %arg9[%swap3A_685, %swap3A_686] {strides = array<i32>} : memref<8x32xf32, #tpu.memory_space<vmem>>, vector<16xf32>,
    tpu.vector_store %arg9[%swap3A_685, %swap3A_686], %gather3A_683 {strides = array<i32>} : memref<8x32xf32, #tpu.memory_space<vmem>>, vector<16xf32>,
    %iota3A_688 = tpu.iota {dimensions = array<i32: 0>} : vector<16xi32>
    %add3A_689 = arith.constant 16 : i32
    %add3A_690 = vector.broadcast %add3A_689 : i32 to vector<16xi32>
    %add3A_691 = arith.addi %iota3A_688, %add3A_690 : vector<16xi32>
    %broadcast_in_dim3A_692 = arith.constant 5 : i32
    %broadcast_in_dim3A_693 = vector.broadcast %broadcast_in_dim3A_692 : i32 to vector<16xi32>
    %broadcast_in_dim3A_694 = vector.broadcast %squeeze3A_675 : i32 to vector<16xi32>
    %gather3A_695 = tpu.vector_load_idx %arg6[%broadcast_in_dim3A_693, %add3A_691, %broadcast_in_dim3A_694] : memref<8x32x128xf32, #tpu.memory_space<vmem>>[vector<16xi32>, vector<16xi32>, vector<16xi32>], vector<16xf32>,
    %swap3A_696 = arith.constant 5 : i32
    %swap3A_697 = arith.index_cast %swap3A_696 : i32 to index
    %swap3A_698 = arith.constant 16 : index
    %swap3A_699 = tpu.vector_load %arg9[%swap3A_697, %swap3A_698] {strides = array<i32>} : memref<8x32xf32, #tpu.memory_space<vmem>>, vector<16xf32>,
    tpu.vector_store %arg9[%swap3A_697, %swap3A_698], %gather3A_695 {strides = array<i32>} : memref<8x32xf32, #tpu.memory_space<vmem>>, vector<16xf32>,
    %slice3A_700 = vector.extract_strided_slice %and3A_428 {offsets = [6], sizes = [1], strides = [1]} : vector<16xi32> to vector<1xi32>
    %squeeze3A_701 = vector.extract %slice3A_700[0] : i32 from vector<1xi32>
    %iota3A_702 = tpu.iota {dimensions = array<i32: 0>} : vector<16xi32>
    %add3A_703 = arith.constant 0 : i32
    %add3A_704 = vector.broadcast %add3A_703 : i32 to vector<16xi32>
    %add3A_705 = arith.addi %iota3A_702, %add3A_704 : vector<16xi32>
    %broadcast_in_dim3A_706 = arith.constant 6 : i32
    %broadcast_in_dim3A_707 = vector.broadcast %broadcast_in_dim3A_706 : i32 to vector<16xi32>
    %broadcast_in_dim3A_708 = vector.broadcast %squeeze3A_701 : i32 to vector<16xi32>
    %gather3A_709 = tpu.vector_load_idx %arg6[%broadcast_in_dim3A_707, %add3A_705, %broadcast_in_dim3A_708] : memref<8x32x128xf32, #tpu.memory_space<vmem>>[vector<16xi32>, vector<16xi32>, vector<16xi32>], vector<16xf32>,
    %swap3A_710 = arith.constant 6 : i32
    %swap3A_711 = arith.index_cast %swap3A_710 : i32 to index
    %swap3A_712 = arith.constant 0 : index
    %swap3A_713 = tpu.vector_load %arg9[%swap3A_711, %swap3A_712] {strides = array<i32>} : memref<8x32xf32, #tpu.memory_space<vmem>>, vector<16xf32>,
    tpu.vector_store %arg9[%swap3A_711, %swap3A_712], %gather3A_709 {strides = array<i32>} : memref<8x32xf32, #tpu.memory_space<vmem>>, vector<16xf32>,
    %iota3A_714 = tpu.iota {dimensions = array<i32: 0>} : vector<16xi32>
    %add3A_715 = arith.constant 16 : i32
    %add3A_716 = vector.broadcast %add3A_715 : i32 to vector<16xi32>
    %add3A_717 = arith.addi %iota3A_714, %add3A_716 : vector<16xi32>
    %broadcast_in_dim3A_718 = arith.constant 6 : i32
    %broadcast_in_dim3A_719 = vector.broadcast %broadcast_in_dim3A_718 : i32 to vector<16xi32>
    %broadcast_in_dim3A_720 = vector.broadcast %squeeze3A_701 : i32 to vector<16xi32>
    %gather3A_721 = tpu.vector_load_idx %arg6[%broadcast_in_dim3A_719, %add3A_717, %broadcast_in_dim3A_720] : memref<8x32x128xf32, #tpu.memory_space<vmem>>[vector<16xi32>, vector<16xi32>, vector<16xi32>], vector<16xf32>,
    %swap3A_722 = arith.constant 6 : i32
    %swap3A_723 = arith.index_cast %swap3A_722 : i32 to index
    %swap3A_724 = arith.constant 16 : index
    %swap3A_725 = tpu.vector_load %arg9[%swap3A_723, %swap3A_724] {strides = array<i32>} : memref<8x32xf32, #tpu.memory_space<vmem>>, vector<16xf32>,
    tpu.vector_store %arg9[%swap3A_723, %swap3A_724], %gather3A_721 {strides = array<i32>} : memref<8x32xf32, #tpu.memory_space<vmem>>, vector<16xf32>,
    %slice3A_726 = vector.extract_strided_slice %and3A_428 {offsets = [7], sizes = [1], strides = [1]} : vector<16xi32> to vector<1xi32>
    %squeeze3A_727 = vector.extract %slice3A_726[0] : i32 from vector<1xi32>
    %iota3A_728 = tpu.iota {dimensions = array<i32: 0>} : vector<16xi32>
    %add3A_729 = arith.constant 0 : i32
    %add3A_730 = vector.broadcast %add3A_729 : i32 to vector<16xi32>
    %add3A_731 = arith.addi %iota3A_728, %add3A_730 : vector<16xi32>
    %broadcast_in_dim3A_732 = arith.constant 7 : i32
    %broadcast_in_dim3A_733 = vector.broadcast %broadcast_in_dim3A_732 : i32 to vector<16xi32>
    %broadcast_in_dim3A_734 = vector.broadcast %squeeze3A_727 : i32 to vector<16xi32>
    %gather3A_735 = tpu.vector_load_idx %arg6[%broadcast_in_dim3A_733, %add3A_731, %broadcast_in_dim3A_734] : memref<8x32x128xf32, #tpu.memory_space<vmem>>[vector<16xi32>, vector<16xi32>, vector<16xi32>], vector<16xf32>,
    %swap3A_736 = arith.constant 7 : i32
    %swap3A_737 = arith.index_cast %swap3A_736 : i32 to index
    %swap3A_738 = arith.constant 0 : index
    %swap3A_739 = tpu.vector_load %arg9[%swap3A_737, %swap3A_738] {strides = array<i32>} : memref<8x32xf32, #tpu.memory_space<vmem>>, vector<16xf32>,
    tpu.vector_store %arg9[%swap3A_737, %swap3A_738], %gather3A_735 {strides = array<i32>} : memref<8x32xf32, #tpu.memory_space<vmem>>, vector<16xf32>,
    %iota3A_740 = tpu.iota {dimensions = array<i32: 0>} : vector<16xi32>
    %add3A_741 = arith.constant 16 : i32
    %add3A_742 = vector.broadcast %add3A_741 : i32 to vector<16xi32>
    %add3A_743 = arith.addi %iota3A_740, %add3A_742 : vector<16xi32>
    %broadcast_in_dim3A_744 = arith.constant 7 : i32
    %broadcast_in_dim3A_745 = vector.broadcast %broadcast_in_dim3A_744 : i32 to vector<16xi32>
    %broadcast_in_dim3A_746 = vector.broadcast %squeeze3A_727 : i32 to vector<16xi32>
    %gather3A_747 = tpu.vector_load_idx %arg6[%broadcast_in_dim3A_745, %add3A_743, %broadcast_in_dim3A_746] : memref<8x32x128xf32, #tpu.memory_space<vmem>>[vector<16xi32>, vector<16xi32>, vector<16xi32>], vector<16xf32>,
    %swap3A_748 = arith.constant 7 : i32
    %swap3A_749 = arith.index_cast %swap3A_748 : i32 to index
    %swap3A_750 = arith.constant 16 : index
    %swap3A_751 = tpu.vector_load %arg9[%swap3A_749, %swap3A_750] {strides = array<i32>} : memref<8x32xf32, #tpu.memory_space<vmem>>, vector<16xf32>,
    tpu.vector_store %arg9[%swap3A_749, %swap3A_750], %gather3A_747 {strides = array<i32>} : memref<8x32xf32, #tpu.memory_space<vmem>>, vector<16xf32>,
    %add3A_752 = arith.constant 504 : i32
    %add3A_753 = arith.addi %mul3A_2, %add3A_752 : i32
    %multiple_of3A_754 = tpu.assume_multiple %add3A_753, 8 : i32
    "tpu.region"() ({
      %run_scoped3A = tpu.sem_alloc : memref<!tpu.dma_semaphore, #tpu.memory_space<semaphore_mem>>
      %dma_start3A_759 = arith.constant 0 : i32
      %dma_start3A_760 = tpu.memref_slice %arg4[%multiple_of3A_754, %dma_start3A_759] : memref<16384x32xf32, #tpu.memory_space<hbm>> -> memref<8x32xf32, #tpu.memory_space<hbm>>
      %dma_start3A_761 = arith.constant 0 : i32
      %dma_start3A_762 = tpu.memref_slice %arg4[%multiple_of3A_754, %dma_start3A_761] : memref<16384x32xf32, #tpu.memory_space<hbm>> -> memref<8x32xf32, #tpu.memory_space<hbm>>
      tpu.enqueue_dma source(%arg9 : memref<8x32xf32, #tpu.memory_space<vmem>>) target(%dma_start3A_762 : memref<8x32xf32, #tpu.memory_space<hbm>>) target_semaphore(%run_scoped3A : memref<!tpu.dma_semaphore, #tpu.memory_space<semaphore_mem>>)
      %dma_wait3A_763 = arith.constant 0 : i32
      %dma_wait3A_764 = tpu.memref_slice %arg4[%multiple_of3A_754, %dma_wait3A_763] : memref<16384x32xf32, #tpu.memory_space<hbm>> -> memref<8x32xf32, #tpu.memory_space<hbm>>
      %dma_wait3A_765 = arith.constant 0 : i32
      %dma_wait3A_766 = tpu.memref_slice %arg4[%multiple_of3A_754, %dma_wait3A_765] : memref<16384x32xf32, #tpu.memory_space<hbm>> -> memref<8x32xf32, #tpu.memory_space<hbm>>
      tpu.wait_dma2 semaphore(%run_scoped3A : memref<!tpu.dma_semaphore, #tpu.memory_space<semaphore_mem>>) src(%arg9 : memref<8x32xf32, #tpu.memory_space<vmem>>) dst(%dma_wait3A_766 : memref<8x32xf32, #tpu.memory_space<hbm>>)
      tpu.yield
    }) : () -> ()
    %lt3A = arith.constant 64 : i32
    %lt3A_755 = arith.constant 64 : i32
    %lt3A_756 = arith.cmpi slt, %lt3A, %lt3A_755 : i32
    %convert_element_type3A = arith.extui %lt3A_756 : i1 to i32
    %cond3A = arith.constant 64 : i32
    %cond3A_757 = arith.constant 0 : i32
    %cond3A_758 = arith.cmpi ne, %convert_element_type3A, %cond3A_757 : i32
    scf.if %cond3A_758 {
      %mul3A_759 = arith.constant 8 : i32
      %mul3A_760 = arith.muli %cond3A, %mul3A_759 : i32
      %get3A_761 = arith.index_cast %mul3A_760 : i32 to index
      %get3A_762 = tpu.vector_load %arg5[%get3A_761] {strides = array<i32>} : memref<528xi32, #tpu.memory_space<vmem>>, vector<16xi32>,
      %shift_right_logical3A_763 = arith.constant 7 : i32
      %shift_right_logical3A_764 = vector.broadcast %shift_right_logical3A_763 : i32 to vector<16xi32>
      %shift_right_logical3A_765 = arith.shrui %get3A_762, %shift_right_logical3A_764 : vector<16xi32>
      %mul3A_766 = arith.constant 128 : i32
      %mul3A_767 = vector.broadcast %mul3A_766 : i32 to vector<16xi32>
      %mul3A_768 = arith.muli %shift_right_logical3A_765, %mul3A_767 : vector<16xi32>
      %and3A_769 = arith.constant 127 : i32
      %and3A_770 = vector.broadcast %and3A_769 : i32 to vector<16xi32>
      %and3A_771 = arith.andi %get3A_762, %and3A_770 : vector<16xi32>
      %slice3A_772 = vector.extract_strided_slice %mul3A_768 {offsets = [0], sizes = [1], strides = [1]} : vector<16xi32> to vector<1xi32>
      %squeeze3A_773 = vector.extract %slice3A_772[0] : i32 from vector<1xi32>
      %multiple_of3A_774 = tpu.assume_multiple %squeeze3A_773, 128 : i32
      %dma_start3A_775 = arith.constant 0 : i32
      %dma_start3A_776 = arith.constant 0 : i32
      %dma_start3A_777 = arith.constant 0 : i32
      %dma_start3A_778 = tpu.memref_slice %arg6[%dma_start3A_775, %dma_start3A_776, %dma_start3A_777] : memref<8x32x128xf32, #tpu.memory_space<vmem>> -> memref<1x32x128xf32, #tpu.memory_space<vmem>>
      %dma_start3A_779 = tpu.memref_squeeze %dma_start3A_778 : memref<1x32x128xf32, #tpu.memory_space<vmem>> -> memref<32x128xf32, #tpu.memory_space<vmem>>
      %dma_start3A_780 = arith.constant 0 : i32
      %dma_start3A_781 = tpu.memref_slice %arg2[%dma_start3A_780, %multiple_of3A_774] : memref<32x1000000xf32, #tpu.memory_space<hbm>> -> memref<32x128xf32, #tpu.memory_space<hbm>>
      %dma_start3A_782 = arith.constant 0 : i32
      %dma_start3A_783 = arith.constant 0 : i32
      %dma_start3A_784 = tpu.memref_slice %arg6[%dma_start3A_775, %dma_start3A_782, %dma_start3A_783] : memref<8x32x128xf32, #tpu.memory_space<vmem>> -> memref<1x32x128xf32, #tpu.memory_space<vmem>>
      %dma_start3A_785 = tpu.memref_squeeze %dma_start3A_784 : memref<1x32x128xf32, #tpu.memory_space<vmem>> -> memref<32x128xf32, #tpu.memory_space<vmem>>
      %dma_start3A_786 = arith.constant 0 : i32
      %dma_start3A_787 = tpu.memref_slice %arg2[%dma_start3A_786, %multiple_of3A_774] : memref<32x1000000xf32, #tpu.memory_space<hbm>> -> memref<32x128xf32, #tpu.memory_space<hbm>>
      tpu.enqueue_dma source(%dma_start3A_787 : memref<32x128xf32, #tpu.memory_space<hbm>>) target(%dma_start3A_785 : memref<32x128xf32, #tpu.memory_space<vmem>>) target_semaphore(%arg10 : memref<!tpu.dma_semaphore, #tpu.memory_space<semaphore_mem>>)
      %slice3A_788 = vector.extract_strided_slice %mul3A_768 {offsets = [1], sizes = [1], strides = [1]} : vector<16xi32> to vector<1xi32>
      %squeeze3A_789 = vector.extract %slice3A_788[0] : i32 from vector<1xi32>
      %multiple_of3A_790 = tpu.assume_multiple %squeeze3A_789, 128 : i32
      %dma_start3A_791 = arith.constant 1 : i32
      %dma_start3A_792 = arith.constant 0 : i32
      %dma_start3A_793 = arith.constant 0 : i32
      %dma_start3A_794 = tpu.memref_slice %arg6[%dma_start3A_791, %dma_start3A_792, %dma_start3A_793] : memref<8x32x128xf32, #tpu.memory_space<vmem>> -> memref<1x32x128xf32, #tpu.memory_space<vmem>>
      %dma_start3A_795 = tpu.memref_squeeze %dma_start3A_794 : memref<1x32x128xf32, #tpu.memory_space<vmem>> -> memref<32x128xf32, #tpu.memory_space<vmem>>
      %dma_start3A_796 = arith.constant 0 : i32
      %dma_start3A_797 = tpu.memref_slice %arg2[%dma_start3A_796, %multiple_of3A_790] : memref<32x1000000xf32, #tpu.memory_space<hbm>> -> memref<32x128xf32, #tpu.memory_space<hbm>>
      %dma_start3A_798 = arith.constant 0 : i32
      %dma_start3A_799 = arith.constant 0 : i32
      %dma_start3A_800 = tpu.memref_slice %arg6[%dma_start3A_791, %dma_start3A_798, %dma_start3A_799] : memref<8x32x128xf32, #tpu.memory_space<vmem>> -> memref<1x32x128xf32, #tpu.memory_space<vmem>>
      %dma_start3A_801 = tpu.memref_squeeze %dma_start3A_800 : memref<1x32x128xf32, #tpu.memory_space<vmem>> -> memref<32x128xf32, #tpu.memory_space<vmem>>
      %dma_start3A_802 = arith.constant 0 : i32
      %dma_start3A_803 = tpu.memref_slice %arg2[%dma_start3A_802, %multiple_of3A_790] : memref<32x1000000xf32, #tpu.memory_space<hbm>> -> memref<32x128xf32, #tpu.memory_space<hbm>>
      tpu.enqueue_dma source(%dma_start3A_803 : memref<32x128xf32, #tpu.memory_space<hbm>>) target(%dma_start3A_801 : memref<32x128xf32, #tpu.memory_space<vmem>>) target_semaphore(%arg10 : memref<!tpu.dma_semaphore, #tpu.memory_space<semaphore_mem>>)
      %slice3A_804 = vector.extract_strided_slice %mul3A_768 {offsets = [2], sizes = [1], strides = [1]} : vector<16xi32> to vector<1xi32>
      %squeeze3A_805 = vector.extract %slice3A_804[0] : i32 from vector<1xi32>
      %multiple_of3A_806 = tpu.assume_multiple %squeeze3A_805, 128 : i32
      %dma_start3A_807 = arith.constant 2 : i32
      %dma_start3A_808 = arith.constant 0 : i32
      %dma_start3A_809 = arith.constant 0 : i32
      %dma_start3A_810 = tpu.memref_slice %arg6[%dma_start3A_807, %dma_start3A_808, %dma_start3A_809] : memref<8x32x128xf32, #tpu.memory_space<vmem>> -> memref<1x32x128xf32, #tpu.memory_space<vmem>>
      %dma_start3A_811 = tpu.memref_squeeze %dma_start3A_810 : memref<1x32x128xf32, #tpu.memory_space<vmem>> -> memref<32x128xf32, #tpu.memory_space<vmem>>
      %dma_start3A_812 = arith.constant 0 : i32
      %dma_start3A_813 = tpu.memref_slice %arg2[%dma_start3A_812, %multiple_of3A_806] : memref<32x1000000xf32, #tpu.memory_space<hbm>> -> memref<32x128xf32, #tpu.memory_space<hbm>>
      %dma_start3A_814 = arith.constant 0 : i32
      %dma_start3A_815 = arith.constant 0 : i32
      %dma_start3A_816 = tpu.memref_slice %arg6[%dma_start3A_807, %dma_start3A_814, %dma_start3A_815] : memref<8x32x128xf32, #tpu.memory_space<vmem>> -> memref<1x32x128xf32, #tpu.memory_space<vmem>>
      %dma_start3A_817 = tpu.memref_squeeze %dma_start3A_816 : memref<1x32x128xf32, #tpu.memory_space<vmem>> -> memref<32x128xf32, #tpu.memory_space<vmem>>
      %dma_start3A_818 = arith.constant 0 : i32
      %dma_start3A_819 = tpu.memref_slice %arg2[%dma_start3A_818, %multiple_of3A_806] : memref<32x1000000xf32, #tpu.memory_space<hbm>> -> memref<32x128xf32, #tpu.memory_space<hbm>>
      tpu.enqueue_dma source(%dma_start3A_819 : memref<32x128xf32, #tpu.memory_space<hbm>>) target(%dma_start3A_817 : memref<32x128xf32, #tpu.memory_space<vmem>>) target_semaphore(%arg10 : memref<!tpu.dma_semaphore, #tpu.memory_space<semaphore_mem>>)
      %slice3A_820 = vector.extract_strided_slice %mul3A_768 {offsets = [3], sizes = [1], strides = [1]} : vector<16xi32> to vector<1xi32>
      %squeeze3A_821 = vector.extract %slice3A_820[0] : i32 from vector<1xi32>
      %multiple_of3A_822 = tpu.assume_multiple %squeeze3A_821, 128 : i32
      %dma_start3A_823 = arith.constant 3 : i32
      %dma_start3A_824 = arith.constant 0 : i32
      %dma_start3A_825 = arith.constant 0 : i32
      %dma_start3A_826 = tpu.memref_slice %arg6[%dma_start3A_823, %dma_start3A_824, %dma_start3A_825] : memref<8x32x128xf32, #tpu.memory_space<vmem>> -> memref<1x32x128xf32, #tpu.memory_space<vmem>>
      %dma_start3A_827 = tpu.memref_squeeze %dma_start3A_826 : memref<1x32x128xf32, #tpu.memory_space<vmem>> -> memref<32x128xf32, #tpu.memory_space<vmem>>
      %dma_start3A_828 = arith.constant 0 : i32
      %dma_start3A_829 = tpu.memref_slice %arg2[%dma_start3A_828, %multiple_of3A_822] : memref<32x1000000xf32, #tpu.memory_space<hbm>> -> memref<32x128xf32, #tpu.memory_space<hbm>>
      %dma_start3A_830 = arith.constant 0 : i32
      %dma_start3A_831 = arith.constant 0 : i32
      %dma_start3A_832 = tpu.memref_slice %arg6[%dma_start3A_823, %dma_start3A_830, %dma_start3A_831] : memref<8x32x128xf32, #tpu.memory_space<vmem>> -> memref<1x32x128xf32, #tpu.memory_space<vmem>>
      %dma_start3A_833 = tpu.memref_squeeze %dma_start3A_832 : memref<1x32x128xf32, #tpu.memory_space<vmem>> -> memref<32x128xf32, #tpu.memory_space<vmem>>
      %dma_start3A_834 = arith.constant 0 : i32
      %dma_start3A_835 = tpu.memref_slice %arg2[%dma_start3A_834, %multiple_of3A_822] : memref<32x1000000xf32, #tpu.memory_space<hbm>> -> memref<32x128xf32, #tpu.memory_space<hbm>>
      tpu.enqueue_dma source(%dma_start3A_835 : memref<32x128xf32, #tpu.memory_space<hbm>>) target(%dma_start3A_833 : memref<32x128xf32, #tpu.memory_space<vmem>>) target_semaphore(%arg10 : memref<!tpu.dma_semaphore, #tpu.memory_space<semaphore_mem>>)
      %slice3A_836 = vector.extract_strided_slice %mul3A_768 {offsets = [4], sizes = [1], strides = [1]} : vector<16xi32> to vector<1xi32>
      %squeeze3A_837 = vector.extract %slice3A_836[0] : i32 from vector<1xi32>
      %multiple_of3A_838 = tpu.assume_multiple %squeeze3A_837, 128 : i32
      %dma_start3A_839 = arith.constant 4 : i32
      %dma_start3A_840 = arith.constant 0 : i32
      %dma_start3A_841 = arith.constant 0 : i32
      %dma_start3A_842 = tpu.memref_slice %arg6[%dma_start3A_839, %dma_start3A_840, %dma_start3A_841] : memref<8x32x128xf32, #tpu.memory_space<vmem>> -> memref<1x32x128xf32, #tpu.memory_space<vmem>>
      %dma_start3A_843 = tpu.memref_squeeze %dma_start3A_842 : memref<1x32x128xf32, #tpu.memory_space<vmem>> -> memref<32x128xf32, #tpu.memory_space<vmem>>
      %dma_start3A_844 = arith.constant 0 : i32
      %dma_start3A_845 = tpu.memref_slice %arg2[%dma_start3A_844, %multiple_of3A_838] : memref<32x1000000xf32, #tpu.memory_space<hbm>> -> memref<32x128xf32, #tpu.memory_space<hbm>>
      %dma_start3A_846 = arith.constant 0 : i32
      %dma_start3A_847 = arith.constant 0 : i32
      %dma_start3A_848 = tpu.memref_slice %arg6[%dma_start3A_839, %dma_start3A_846, %dma_start3A_847] : memref<8x32x128xf32, #tpu.memory_space<vmem>> -> memref<1x32x128xf32, #tpu.memory_space<vmem>>
      %dma_start3A_849 = tpu.memref_squeeze %dma_start3A_848 : memref<1x32x128xf32, #tpu.memory_space<vmem>> -> memref<32x128xf32, #tpu.memory_space<vmem>>
      %dma_start3A_850 = arith.constant 0 : i32
      %dma_start3A_851 = tpu.memref_slice %arg2[%dma_start3A_850, %multiple_of3A_838] : memref<32x1000000xf32, #tpu.memory_space<hbm>> -> memref<32x128xf32, #tpu.memory_space<hbm>>
      tpu.enqueue_dma source(%dma_start3A_851 : memref<32x128xf32, #tpu.memory_space<hbm>>) target(%dma_start3A_849 : memref<32x128xf32, #tpu.memory_space<vmem>>) target_semaphore(%arg10 : memref<!tpu.dma_semaphore, #tpu.memory_space<semaphore_mem>>)
      %slice3A_852 = vector.extract_strided_slice %mul3A_768 {offsets = [5], sizes = [1], strides = [1]} : vector<16xi32> to vector<1xi32>
      %squeeze3A_853 = vector.extract %slice3A_852[0] : i32 from vector<1xi32>
      %multiple_of3A_854 = tpu.assume_multiple %squeeze3A_853, 128 : i32
      %dma_start3A_855 = arith.constant 5 : i32
      %dma_start3A_856 = arith.constant 0 : i32
      %dma_start3A_857 = arith.constant 0 : i32
      %dma_start3A_858 = tpu.memref_slice %arg6[%dma_start3A_855, %dma_start3A_856, %dma_start3A_857] : memref<8x32x128xf32, #tpu.memory_space<vmem>> -> memref<1x32x128xf32, #tpu.memory_space<vmem>>
      %dma_start3A_859 = tpu.memref_squeeze %dma_start3A_858 : memref<1x32x128xf32, #tpu.memory_space<vmem>> -> memref<32x128xf32, #tpu.memory_space<vmem>>
      %dma_start3A_860 = arith.constant 0 : i32
      %dma_start3A_861 = tpu.memref_slice %arg2[%dma_start3A_860, %multiple_of3A_854] : memref<32x1000000xf32, #tpu.memory_space<hbm>> -> memref<32x128xf32, #tpu.memory_space<hbm>>
      %dma_start3A_862 = arith.constant 0 : i32
      %dma_start3A_863 = arith.constant 0 : i32
      %dma_start3A_864 = tpu.memref_slice %arg6[%dma_start3A_855, %dma_start3A_862, %dma_start3A_863] : memref<8x32x128xf32, #tpu.memory_space<vmem>> -> memref<1x32x128xf32, #tpu.memory_space<vmem>>
      %dma_start3A_865 = tpu.memref_squeeze %dma_start3A_864 : memref<1x32x128xf32, #tpu.memory_space<vmem>> -> memref<32x128xf32, #tpu.memory_space<vmem>>
      %dma_start3A_866 = arith.constant 0 : i32
      %dma_start3A_867 = tpu.memref_slice %arg2[%dma_start3A_866, %multiple_of3A_854] : memref<32x1000000xf32, #tpu.memory_space<hbm>> -> memref<32x128xf32, #tpu.memory_space<hbm>>
      tpu.enqueue_dma source(%dma_start3A_867 : memref<32x128xf32, #tpu.memory_space<hbm>>) target(%dma_start3A_865 : memref<32x128xf32, #tpu.memory_space<vmem>>) target_semaphore(%arg10 : memref<!tpu.dma_semaphore, #tpu.memory_space<semaphore_mem>>)
      %slice3A_868 = vector.extract_strided_slice %mul3A_768 {offsets = [6], sizes = [1], strides = [1]} : vector<16xi32> to vector<1xi32>
      %squeeze3A_869 = vector.extract %slice3A_868[0] : i32 from vector<1xi32>
      %multiple_of3A_870 = tpu.assume_multiple %squeeze3A_869, 128 : i32
      %dma_start3A_871 = arith.constant 6 : i32
      %dma_start3A_872 = arith.constant 0 : i32
      %dma_start3A_873 = arith.constant 0 : i32
      %dma_start3A_874 = tpu.memref_slice %arg6[%dma_start3A_871, %dma_start3A_872, %dma_start3A_873] : memref<8x32x128xf32, #tpu.memory_space<vmem>> -> memref<1x32x128xf32, #tpu.memory_space<vmem>>
      %dma_start3A_875 = tpu.memref_squeeze %dma_start3A_874 : memref<1x32x128xf32, #tpu.memory_space<vmem>> -> memref<32x128xf32, #tpu.memory_space<vmem>>
      %dma_start3A_876 = arith.constant 0 : i32
      %dma_start3A_877 = tpu.memref_slice %arg2[%dma_start3A_876, %multiple_of3A_870] : memref<32x1000000xf32, #tpu.memory_space<hbm>> -> memref<32x128xf32, #tpu.memory_space<hbm>>
      %dma_start3A_878 = arith.constant 0 : i32
      %dma_start3A_879 = arith.constant 0 : i32
      %dma_start3A_880 = tpu.memref_slice %arg6[%dma_start3A_871, %dma_start3A_878, %dma_start3A_879] : memref<8x32x128xf32, #tpu.memory_space<vmem>> -> memref<1x32x128xf32, #tpu.memory_space<vmem>>
      %dma_start3A_881 = tpu.memref_squeeze %dma_start3A_880 : memref<1x32x128xf32, #tpu.memory_space<vmem>> -> memref<32x128xf32, #tpu.memory_space<vmem>>
      %dma_start3A_882 = arith.constant 0 : i32
      %dma_start3A_883 = tpu.memref_slice %arg2[%dma_start3A_882, %multiple_of3A_870] : memref<32x1000000xf32, #tpu.memory_space<hbm>> -> memref<32x128xf32, #tpu.memory_space<hbm>>
      tpu.enqueue_dma source(%dma_start3A_883 : memref<32x128xf32, #tpu.memory_space<hbm>>) target(%dma_start3A_881 : memref<32x128xf32, #tpu.memory_space<vmem>>) target_semaphore(%arg10 : memref<!tpu.dma_semaphore, #tpu.memory_space<semaphore_mem>>)
      %slice3A_884 = vector.extract_strided_slice %mul3A_768 {offsets = [7], sizes = [1], strides = [1]} : vector<16xi32> to vector<1xi32>
      %squeeze3A_885 = vector.extract %slice3A_884[0] : i32 from vector<1xi32>
      %multiple_of3A_886 = tpu.assume_multiple %squeeze3A_885, 128 : i32
      %dma_start3A_887 = arith.constant 7 : i32
      %dma_start3A_888 = arith.constant 0 : i32
      %dma_start3A_889 = arith.constant 0 : i32
      %dma_start3A_890 = tpu.memref_slice %arg6[%dma_start3A_887, %dma_start3A_888, %dma_start3A_889] : memref<8x32x128xf32, #tpu.memory_space<vmem>> -> memref<1x32x128xf32, #tpu.memory_space<vmem>>
      %dma_start3A_891 = tpu.memref_squeeze %dma_start3A_890 : memref<1x32x128xf32, #tpu.memory_space<vmem>> -> memref<32x128xf32, #tpu.memory_space<vmem>>
      %dma_start3A_892 = arith.constant 0 : i32
      %dma_start3A_893 = tpu.memref_slice %arg2[%dma_start3A_892, %multiple_of3A_886] : memref<32x1000000xf32, #tpu.memory_space<hbm>> -> memref<32x128xf32, #tpu.memory_space<hbm>>
      %dma_start3A_894 = arith.constant 0 : i32
      %dma_start3A_895 = arith.constant 0 : i32
      %dma_start3A_896 = tpu.memref_slice %arg6[%dma_start3A_887, %dma_start3A_894, %dma_start3A_895] : memref<8x32x128xf32, #tpu.memory_space<vmem>> -> memref<1x32x128xf32, #tpu.memory_space<vmem>>
      %dma_start3A_897 = tpu.memref_squeeze %dma_start3A_896 : memref<1x32x128xf32, #tpu.memory_space<vmem>> -> memref<32x128xf32, #tpu.memory_space<vmem>>
      %dma_start3A_898 = arith.constant 0 : i32
      %dma_start3A_899 = tpu.memref_slice %arg2[%dma_start3A_898, %multiple_of3A_886] : memref<32x1000000xf32, #tpu.memory_space<hbm>> -> memref<32x128xf32, #tpu.memory_space<hbm>>
      tpu.enqueue_dma source(%dma_start3A_899 : memref<32x128xf32, #tpu.memory_space<hbm>>) target(%dma_start3A_897 : memref<32x128xf32, #tpu.memory_space<vmem>>) target_semaphore(%arg10 : memref<!tpu.dma_semaphore, #tpu.memory_space<semaphore_mem>>)
    } else {
    }
    return
  }
}

</mosaic_0001>

<sc_bundles>
// kernel: kernel.3.cloned.1.call-start
scs
__scs_entry_jumppad:
0x0: {  	(pc) =	sbr.rel $0x88, $3  }
0x1: {  	(tag) =	ssettag $0x0;
	lr =	simm.s32 $0x1  }
0x2: {  	[smem:$0x3F9F] =	sst lr;
	_ =	strace $0xD0000000  }
0x3: {  	_ = 	snop  }
0x4: {  	_ = 	snop  }
0x5: {  	_ = 	snop  }
0x6: {  	_ = 	snop  }
0x7: {  	_ = 	snop  }
__scs_overlays_trampoline_lowered:
0x8: {  	[smem:$0x3FAE] =	sst s0  }
0x9: {  	[smem:$0x3FAF] =	sst s1  }
0xa: {  	[smem:$0x3FB0] =	sst s2  }
0xb: {  	[smem:$0x3FB1] =	sst s3  }
0xc: {  	[smem:$0x3FB2] =	sst s4  }
0xd: {  	[smem:$0x3FB3] =	sst s5  }
0xe: {  	[smem:$0x3FB4] =	sst s6  }
0xf: {  	[smem:$0x3FB5] =	sst s7  }
0x10: {  	[smem:$0x3FB6] =	sst s8  }
0x11: {  	[smem:$0x3FB7] =	sst s9;
	s0 =	simm.s32 @!p0 $0x0  }
0x12: {  	s1 =	sld [smem:$0x3F9D];
	s0 =	simm.s32 @p0 $0x1  }
0x13: {  	[smem:$0x3FB8] =	sst s0;
	s0 =	simm.s32 @!p1 $0x0  }
0x14: {  	s2 =	sld [smem:$0x3F9C];
	s0 =	simm.s32 @p1 $0x1  }
0x15: {  	[smem:$0x3FB9] =	sst s0;
	s0 =	simm.s32 @!p2 $0x0  }
0x16: {  	s3 =	sld [smem:$0x3FDB];
	s0 =	simm.s32 @p2 $0x1  }
0x17: {  	s4 =	simm.s32 $0x1BF5;
	[smem:$0x3FBB] =	sst s0  }
0x18: {  	s0 =	sld [smem:$0x3F9E];
	_ =	swait.ge [sflag:s4], $0x0  }
0x19: {  	s7 =	sld [smem:$0x3F9F]  }
0x1a: {  	s8 =	sadd.s32 $0xFFFFE003, lr  }
0x1b: {  	s9 =	sadd.s32 $0xFFFFFEF7, lr;
	s5 =	simm.s32 $0xFFFFFFFF;
	p2 =	slt.u32 s8, $0xFFFFF086  }
0x1c: {  	p1 =	slt.u32 s9, $0xF7A;
	s5 =	simm.s32 @!p2 $0x0  }
0x1d: {  	s5 =	simm.s32 @p1 $0x1;
	p0 =	seq.s32 s7, s2  }
0x1e: {  	s7 =	smul.u32 @!p0 $0xF7A, s2;
	p2 =	seq.s32 @!p0 s5, $0x0  }
0x1f: {  	s9 =	smul.u32 $0xF7A, s1;
	s8 =	simm.s32 @!p0 $0x1BF5;
	p2 =	por !p2, p0  }
0x20: {  	[sflag:s8] =	ssyncset.s32 @!p0 $0xFFFFF086;
	s6 =	sadd.s32 @!p0 s3, s7;
	s7 =	simm.s32 @!p0 $0x108  }
0x21: {  	s3 =	sadd.s32 s3, s9;
	s6 =	sadd.s32 @!p0 $0x88, s6;
	s7 =	simm.s32 @p2 $0x1082  }
0x22: {  	[simem:s7], [sflag:s8] =	dma.local @!p0 [hbm:s6], $0xF7A  }
0x23: {  	s9 =	sor.u32 $0xD0000000, s2;
	s6 =	simm.s32 $0x108;
	_ =	swait.ge @!p0 [sflag:s8], $0x0  }
0x24: {  	s3 =	sadd.s32 $0x88, s3;
	s6 =	simm.s32 @!p1 $0x1082;
	[sflag:s4] =	ssyncset.s32 $0xFFFFF086  }
0x25: {  	[simem:s6], [sflag:s4] =	dma.local [hbm:s3], $0xF7A  }
0x26: {  	[smem:$0x3F9F] =	sst s1;
	(tag) =	ssettag s2;
	_ =	strace s9  }
0x27: {  	s1 =	sld [smem:$0x3FAF]  }
0x28: {  	s2 =	sld [smem:$0x3FB0]  }
0x29: {  	s4 =	sld [smem:$0x3FB2]  }
0x2a: {  	p0 =	seq.s32 s5, $0x0;
	s5 =	sld [smem:$0x3FB3]  }
0x2b: {  	s6 =	sld [smem:$0x3FB4]  }
0x2c: {  	s7 =	sld [smem:$0x3FB5]  }
0x2d: {  	s3 =	simm.s32 $0x108;
	s8 =	sld [smem:$0x3FB6]  }
0x2e: {  	s3 =	simm.s32 @!p0 $0x1082;
	s9 =	sld [smem:$0x3FB7]  }
0x2f: {  	lr =	sadd.s32 s0, s3;
	s0 =	sld [smem:$0x3FAE]  }
0x30: {  	s3 =	sld [smem:$0x3FB1]  }
0x31: {  	[smem:$0x3FBA] =	sst s10  }
0x32: {  	s10 =	sld [smem:$0x3FB8];
	_ =	sdelay $0x3  }
0x33: {  	p0 =	seq.s32 s10, $0x1;
	s10 =	sld [smem:$0x3FBA];
	_ =	sdelay $0x3  }
0x34: {  	[smem:$0x3FBA] =	sst s10  }
0x35: {  	s10 =	sld [smem:$0x3FB9];
	_ =	sdelay $0x3  }
0x36: {  	p1 =	seq.s32 s10, $0x1;
	s10 =	sld [smem:$0x3FBA];
	_ =	sdelay $0x3  }
0x37: {  	[smem:$0x3FBA] =	sst s10  }
0x38: {  	s10 =	sld [smem:$0x3FBB]  }
0x39: {  	_ = 	snop;
	(pc) =	sbr.ind lr, $3  }
0x3a: {  	_ = 	snop  }
0x3b: {  	_ = 	snop  }
0x3c: {  	p2 =	seq.s32 s10, $0x1;
	s10 =	sld [smem:$0x3FBA]  }
0x3d: {  	_ =	shalt  }
0x3e: {  	_ =	shalt  }
0x3f: {  	_ =	shalt  }
0x40: {  	_ =	shalt  }
0x41: {  	_ =	shalt  }
0x42: {  	_ =	shalt  }
0x43: {  	_ =	shalt  }
0x44: {  	_ =	shalt  }
0x45: {  	_ =	shalt  }
0x46: {  	_ =	shalt  }
0x47: {  	_ =	shalt  }
0x48: {  	_ =	shalt  }
0x49: {  	_ =	shalt  }
0x4a: {  	_ =	shalt  }
0x4b: {  	_ =	shalt  }
0x4c: {  	_ =	shalt  }
0x4d: {  	_ =	shalt  }
0x4e: {  	_ =	shalt  }
0x4f: {  	_ =	shalt  }
0x50: {  	_ =	shalt  }
0x51: {  	_ =	shalt  }
0x52: {  	_ =	shalt  }
0x53: {  	_ =	shalt  }
0x54: {  	_ =	shalt  }
0x55: {  	_ =	shalt  }
0x56: {  	_ =	shalt  }
0x57: {  	_ =	shalt  }
0x58: {  	_ =	shalt  }
0x59: {  	_ =	shalt  }
0x5a: {  	_ =	shalt  }
0x5b: {  	_ =	shalt  }
0x5c: {  	_ =	shalt  }
0x5d: {  	_ =	shalt  }
0x5e: {  	_ =	shalt  }
0x5f: {  	_ =	shalt  }
0x60: {  	_ =	shalt  }
0x61: {  	_ =	shalt  }
0x62: {  	_ =	shalt  }
0x63: {  	_ =	shalt  }
0x64: {  	_ =	shalt  }
0x65: {  	_ =	shalt  }
0x66: {  	_ =	shalt  }
0x67: {  	_ =	shalt  }
0x68: {  	_ =	shalt  }
0x69: {  	_ =	shalt  }
0x6a: {  	_ =	shalt  }
0x6b: {  	_ =	shalt  }
0x6c: {  	_ =	shalt  }
0x6d: {  	_ =	shalt  }
0x6e: {  	_ =	shalt  }
0x6f: {  	_ =	shalt  }
0x70: {  	_ =	shalt  }
0x71: {  	_ =	shalt  }
0x72: {  	_ =	shalt  }
0x73: {  	_ =	shalt  }
0x74: {  	_ =	shalt  }
0x75: {  	_ =	shalt  }
0x76: {  	_ =	shalt  }
0x77: {  	_ =	shalt  }
0x78: {  	_ =	shalt  }
0x79: {  	_ =	shalt  }
0x7a: {  	_ =	shalt  }
0x7b: {  	_ =	shalt  }
0x7c: {  	_ =	shalt  }
0x7d: {  	_ =	shalt  }
0x7e: {  	_ =	shalt  }
0x7f: {  	_ =	shalt  }
0x80: {  	_ =	shalt  }
0x81: {  	_ =	shalt  }
0x82: {  	_ =	shalt  }
0x83: {  	_ =	shalt  }
0x84: {  	_ =	shalt  }
0x85: {  	_ =	shalt  }
0x86: {  	_ =	shalt  }
0x87: {  	_ =	shalt  }
.Lfunc_end0:
.L_simem_size_0:
called_computation_lowered:
.L_overlay_start_0:
0x88: {  	s2 =	sld [smem:$0x3FD9]  }
0x89: {  	s3 =	sld [smem:$0x3FFE];
	_ =	sdelay $0x1  }
0x8a: {  	s1 =	srdreg.scid  }
0x8b: {  	s0 =	sand.u32 $0x1, s1  }
0x8c: {  	s17 =	sshll.u32 s0, $0xA;
	s2 =	sadd.s32 s3, s2  }
0x8d: {  	s2 =	sadd.s32 s2, s17  }
0x8e: {  	[smem:$0x3FC6] =	sst s2  }
0x8f: {  	_ = 	snop  }
0x90: {  	s2 =	sld [smem:$0x3FC9]  }
0x91: {  	s18 =	sld [smem:$0x3FC8];
	(tm) =	ssettm $0x1  }
0x92: {  	s4 =	sld [smem:$0x3FFB];
	_ =	sdelay $0x3  }
0x93: {  	_ =	strace s4  }
0x94: {  	s4 =	sld [smem:$0x3FFC];
	_ =	sdelay $0x3  }
0x95: {  	_ =	strace s4  }
0x96: {  	s4 =	sld [smem:$0x3FFD];
	_ =	sdelay $0x3  }
0x97: {  	_ =	strace s4  }
0x98: {  	_ =	strace $0x8FFFFFFF  }
0x99: {  	s19 =	sld [smem:$0x3FDB];
	_ =	sdelay $0x1  }
0x9a: {  	s5 =	simm.s32 $_scs_section_size  }
0x9b: {  	s6 =	simm.s32 $_size__tile_overlayer_lowered;
	s7 =	simm.s32 $_tile_overlayer_lowered  }
0x9c: {  	s22 =	simm.s32 $0x1BFF;
	s21 =	sshll.u32 s7, $0x1;
	s4 =	sadd.s32 s5, s19  }
0x9d: {  	s8 =	simm.s32 $0x0;
	s20 =	sshll.u32 s6, $0x1;
	s6 =	sadd.s32 s21, s4  }
0x9e: {  	[timem:s8], [sflag:s22] =	dma.local [hbm:s6], s20  }
0x9f: {  	_ =	swait.ge [sflag:s22], s20  }
0xa0: {  	s5 =	ssub.s32 $0x0, s20;
	[sflag:s22] =	ssyncset.done $0x0  }
0xa1: {  	[sflag:s22] =	ssyncadd.s32 s5;
	_ =	sdelay $0x1  }
0xa2: {  	s23 =	simm.s32 $0x1B8B  }
0xa3: {  	_ =	swait.ge [sflag:s23], $0x1  }
0xa4: {  	[sflag:s23] =	ssyncset.done $0x0  }
0xa5: {  	s25 =	simm.s32 $0x1B8E;
	s24 =	sld [smem:$0x3FFE];
	[sflag:s23] =	ssyncadd.s32 $0xFFFFFFFF  }
0xa6: {  	s26 =	simm.s32 $execute0_lowered;
	[smem:$0x3FD2] =	sst s25  }
0xa7: {  	s6 =	sshll.u32 s26, $0x1;
	_ =	strace $0x80000046;
	[dreg:$0x1] =	wrdreg $0xFFFFFFFF  }
0xa8: {  	s28 =	simm.s32 $_size_execute0_lowered;
	s4 =	sadd.s32 s4, s6;
	[dreg:$0x0] =	wrdreg $0x0  }
0xa9: {  	s6 =	sshll.u32 s28, $0x1;
	[dreg:$0x2] =	wrdreg s4  }
0xaa: {  	[dreg:$0x3] =	wrdreg s6  }
0xab: {  	[dreg:$0x4] =	wrdreg $0xC0  }
0xac: {  	_ =	task [dreg:s8], $0x5FFFF  }
0xad: {  	[dreg:$0x1] =	wrdreg $0xFFFFFFFF  }
0xae: {  	[dreg:$0x0] =	wrdreg $0x60  }
0xaf: {  	[dreg:$0x2] =	wrdreg s18  }
0xb0: {  	[dreg:$0x3] =	wrdreg s2  }
0xb1: {  	[dreg:$0x4] =	wrdreg s24  }
0xb2: {  	[dreg:$0x5] =	wrdreg $0x9  }
0xb3: {  	_ =	task.clear_ibuf [dreg:s8], $0x6FFFF;
	_ =	strace $0x90000046  }
0xb4: {  	s29 =	simm.s32 $0x9;
	_ =	strace $0x80000048  }
0xb5: {  	_ =	swait.ge [sflag:s29], $0x1  }
0xb6: {  	[sflag:s29] =	ssyncadd.s32 $0xFFFFFFFF  }
0xb7: {  	_ =	strace $0x90000048  }
0xb8: {  	_ =	sfence  }
0xb9: {  	s30 =	sld [smem:$0x0];
	_ =	sdelay $0x2  }
0xba: {  	s31 =	sshll.u32 s1, $0xD;
	s1 =	sshrl.u32 s1, $0x2  }
0xbb: {  	s3 =	sand.u32 $0x4000, s31;
	s1 =	sadd.s32 s1, s30  }
0xbc: {  	s0 =	sor.u32 s3, s0;
	s1 =	sshll.u32 s1, $0x11  }
0xbd: {  	s0 =	sor.u32 s1, s0  }
0xbe: {  	s0 =	sadd.s32 $0x8F2B, s0  }
0xbf: {  	[sflag:s0] =	ssyncadd.remote.s32 $0x1  }
0xc0: {  	_ =	sfence.sel $0xFFFF  }
0xc1: {  	[dreg:$0x0] =	wrdreg $0xFFFFFFFF;
	(pc) =	sbr.abs _section_cstart, $3  }
0xc2: {  	[dreg:$0x1] =	wrdreg $0xFFFFFFFF  }
0xc3: {  	_ =	task.clear_ibuf [dreg:s8], $0x2FFFF;
	_ =	strace $0x9FFFFFFF  }
0xc4: {  	(tm) =	ssettm $0x7FFFFFFF  }
0xc5: {  	_ =	shalt  }
tec
execute0_lowered:
.L_overlay_start_1:
0x0: {  	(tag) =	ssettag $0x1  }
0x1: {  	s1 =	rddreg [dreg:$0x0]  }
0x2: {  	s0 =	rddreg [dreg:$0x1]  }
0x3: {  	s2 =	rddreg [dreg:$0x2];
	s4 =	srdreg.scid  }
0x4: {  	s3 =	simm.s32 $0x0;
	s9 =	stileid.u32;
	s10 =	simm.s32 $0x7A1400  }
0x5: {  	s11 =	simm.s32 $0x280;
	s15 =	simm.s32 $0x4280;
	s16 =	simm.s32 $0x5280  }
0x6: {  	s17 =	simm.s32 $0x6280;
	s18 =	simm.s32 $0x7280;
	s19 =	simm.s32 $0x8280  }
0x7: {  	s28 =	simm.s32 $0x10280;
	s29 =	simm.s32 $0x11280;
	s30 =	simm.s32 $0x12280  }
0x8: {  	s31 =	simm.s32 $0x13280;
	s20 =	simm.s32 $0x16280;
	s4 =	sand.u32 $0x1, s4  }
0x9: {  	[smem:$0x7FF] =	sst s3;
	s5 =	sshll.u32 s9, $0xA;
	s2 =	sadd.s32 $0x400, s2  }
0xa: {  	s24 =	sshll.u32 s9, $0xE;
	s9 =	simm.s32 $0x400;
	s6 =	sshll.u32 s4, $0x9  }
0xb: {  	_ =	strace $0x80000047;
	s7 =	ssub.s32 $0x2, s4;
	s5 =	sor.u32 s6, s5  }
0xc: {  	v0 =	vlaneseq.u32;
	s26 =	sshll.u32 s4, $0xD;
	s21 =	sshrl.u32 s7, $0x1;
	s8 =	sshll.u32 s5, $0x4  }
0xd: {  	v0 =	vmul.u32 $0x80, v0;
	s6 =	ssub.s32 s7, s21;
	s5 =	sshrl.u32 s5, $0x3;
	s21 =	simm.s32 $0x17280  }
0xe: {  	s22 =	sadd.s32 s8, s2;
	s0 =	sadd.s32 s0, s5;
	s25 =	smax.u32 s6, $0x1  }
.Ltmp0:
0xf: {  	v1 =	vor.u32 $0x800, v0;
	v2 =	vor.u32 $0x1000, v0;
	v3 =	vor.u32 $0x1800, v0;
	s8 =	simm.s32 $0x4;
	[dreg:$0x4] =	wrdreg s0;
	(pc) =	sbr.rel .LBB2_1-.Ltmp0, $4  }
0x10: {  	v4 =	vor.u32 $0x2000, v0;
	v5 =	vor.u32 $0x2800, v0;
	v6 =	vor.u32 $0x3000, v0;
	s5 =	simm.s32 $0x0;
	s23 =	sadd.s32 $0x1F80, s22;
	[dreg:$0x6] =	wrdreg s25  }
0x11: {  	v7 =	vor.u32 $0x3800, v0;
	v8 =	vor.u32 $0x4000, v0;
	v9 =	vor.u32 $0x4800, v0;
	s0 =	sadd.s32 s24, s2;
	s2 =	simm.s32 $0x15280;
	s22 =	simm.s32 $0x1  }
0x12: {  	v10 =	vor.u32 $0x5000, v0;
	v11 =	vor.u32 $0x5800, v0;
	v12 =	vor.u32 $0x6000, v0;
	s24 =	simm.s32 $0x2;
	s25 =	simm.s32 $0x3;
	[dreg:$0x5] =	wrdreg s23  }
0x13: {  	v13 =	vor.u32 $0x6800, v0;
	v14 =	vor.u32 $0x7000, v0;
	v15 =	vor.u32 $0x7800, v0;
	s7 =	sadd.s32 s26, s0;
	s0 =	simm.s32 $0x14280;
	s23 =	simm.s32 $0x18280  }
.LBB2_4:
0x14: {  	v16 =	vld [tilespmem:$0x1F8];
	_ =	swait.ge [sflag:s22], $0x1000  }
0x15: {  	[sflag:s22] =	ssyncset.done $0x0  }
0x16: {  	[sflag:s22] =	ssyncadd.s32 $0xFFFFF000  }
0x17: {  	_ =	swait.ge [sflag:s22], $0x1000  }
0x18: {  	[sflag:s22] =	ssyncset.done $0x0  }
0x19: {  	[sflag:s22] =	ssyncadd.s32 $0xFFFFF000  }
0x1a: {  	_ =	swait.ge [sflag:s22], $0x1000  }
0x1b: {  	[sflag:s22] =	ssyncset.done $0x0  }
0x1c: {  	[sflag:s22] =	ssyncadd.s32 $0xFFFFF000  }
0x1d: {  	_ =	swait.ge [sflag:s22], $0x1000  }
0x1e: {  	[sflag:s22] =	ssyncset.done $0x0  }
0x1f: {  	[sflag:s22] =	ssyncadd.s32 $0xFFFFF000  }
0x20: {  	_ =	swait.ge [sflag:s22], $0x1000  }
0x21: {  	[sflag:s22] =	ssyncset.done $0x0  }
0x22: {  	[sflag:s22] =	ssyncadd.s32 $0xFFFFF000  }
0x23: {  	_ =	swait.ge [sflag:s22], $0x1000  }
0x24: {  	v16 =	vand.u32 $0x7F, v16;
	[sflag:s22] =	ssyncset.done $0x0  }
0x25: {  	v17 =	vbroadcast v16, $0x0;
	[sflag:s22] =	ssyncadd.s32 $0xFFFFF000  }
0x26: {  	_ =	swait.ge [sflag:s22], $0x1000  }
0x27: {  	v18 =	vor.u32 v0, v17;
	[sflag:s22] =	ssyncset.done $0x0  }
0x28: {  	[sflag:s22] =	ssyncadd.s32 $0xFFFFF000  }
0x29: {  	_ =	swait.ge [sflag:s22], $0x1000  }
0x2a: {  	[sflag:s22] =	ssyncset.done $0x0  }
0x2b: {  	[sflag:s22] =	ssyncadd.s32 $0xFFFFF000  }
0x2c: {  	v18 =	vld.idx.msk [tilespmem:v18+s11+$0x0], $0xffff  }
0x2d: {  	v17 =	vor.u32 v1, v17;
	_ =	sdelay $0x3  }
0x2e: {  	v55 =	vbroadcast v16, $0x1;
	[tilespmem:$0x18280] =	vst v18  }
0x2f: {  	v17 =	vld.idx.msk [tilespmem:v17+s11+$0x0], $0xffff  }
0x30: {  	v19 =	vor.u32 v2, v55;
	_ =	sdelay $0x3  }
0x31: {  	[tilespmem:$0x18290] =	vst v17  }
0x32: {  	v17 =	vld.idx.msk [tilespmem:v19+s11+$0x0], $0xffff  }
0x33: {  	v18 =	vor.u32 v3, v55;
	_ =	sdelay $0x3  }
0x34: {  	[tilespmem:$0x18300] =	vst v17;
	v17 =	vbroadcast v16, $0x2  }
0x35: {  	v18 =	vld.idx.msk [tilespmem:v18+s11+$0x0], $0xffff  }
0x36: {  	v56 =	vor.u32 v4, v17;
	_ =	sdelay $0x3  }
0x37: {  	[tilespmem:$0x18310] =	vst v18  }
0x38: {  	v18 =	vld.idx.msk [tilespmem:v56+s11+$0x0], $0xffff  }
0x39: {  	v17 =	vor.u32 v5, v17;
	_ =	sdelay $0x3  }
0x3a: {  	v57 =	vbroadcast v16, $0x3;
	[tilespmem:$0x18380] =	vst v18  }
0x3b: {  	v17 =	vld.idx.msk [tilespmem:v17+s11+$0x0], $0xffff  }
0x3c: {  	v58 =	vor.u32 v6, v57;
	_ =	sdelay $0x3  }
0x3d: {  	[tilespmem:$0x18390] =	vst v17  }
0x3e: {  	v17 =	vld.idx.msk [tilespmem:v58+s11+$0x0], $0xffff  }
0x3f: {  	v18 =	vor.u32 v7, v57;
	_ =	sdelay $0x3  }
0x40: {  	[tilespmem:$0x18400] =	vst v17;
	v17 =	vbroadcast v16, $0x4  }
0x41: {  	v18 =	vld.idx.msk [tilespmem:v18+s11+$0x0], $0xffff  }
0x42: {  	v59 =	vor.u32 v8, v17;
	_ =	sdelay $0x3  }
0x43: {  	[tilespmem:$0x18410] =	vst v18  }
0x44: {  	v18 =	vld.idx.msk [tilespmem:v59+s11+$0x0], $0xffff  }
0x45: {  	v17 =	vor.u32 v9, v17;
	_ =	sdelay $0x3  }
0x46: {  	v60 =	vbroadcast v16, $0x5;
	[tilespmem:$0x18480] =	vst v18  }
0x47: {  	v17 =	vld.idx.msk [tilespmem:v17+s11+$0x0], $0xffff  }
0x48: {  	v61 =	vor.u32 v10, v60;
	_ =	sdelay $0x3  }
0x49: {  	[tilespmem:$0x18490] =	vst v17  }
0x4a: {  	v17 =	vld.idx.msk [tilespmem:v61+s11+$0x0], $0xffff  }
0x4b: {  	v18 =	vor.u32 v11, v60;
	_ =	sdelay $0x3  }
0x4c: {  	[tilespmem:$0x18500] =	vst v17;
	v17 =	vbroadcast v16, $0x6  }
0x4d: {  	v18 =	vld.idx.msk [tilespmem:v18+s11+$0x0], $0xffff  }
0x4e: {  	v62 =	vor.u32 v12, v17;
	_ =	sdelay $0x3  }
0x4f: {  	[tilespmem:$0x18510] =	vst v18  }
0x50: {  	v18 =	vld.idx.msk [tilespmem:v62+s11+$0x0], $0xffff  }
0x51: {  	v17 =	vor.u32 v13, v17;
	_ =	sdelay $0x3  }
0x52: {  	v16 =	vbroadcast v16, $0x7;
	[tilespmem:$0x18580] =	vst v18  }
0x53: {  	v17 =	vld.idx.msk [tilespmem:v17+s11+$0x0], $0xffff  }
0x54: {  	v63 =	vor.u32 v14, v16;
	_ =	sdelay $0x3  }
0x55: {  	[tilespmem:$0x18590] =	vst v17  }
0x56: {  	v17 =	vld.idx.msk [tilespmem:v63+s11+$0x0], $0xffff  }
0x57: {  	v16 =	vor.u32 v15, v16;
	_ =	sdelay $0x3  }
0x58: {  	[tilespmem:$0x18600] =	vst v17  }
0x59: {  	v16 =	vld.idx.msk [tilespmem:v16+s11+$0x0], $0xffff;
	_ =	sdelay $0x4  }
0x5a: {  	s4 =	rddreg [dreg:$0x5];
	[tilespmem:$0x18610] =	vst v16  }
0x5b: {  	[hbm4b:s4+s3] =	stream.linear.scatter [tilespmem:s23], [sflag:$0x4], $0x400, $0x38;
	[tilespmem:$0x18680] =	vst v63  }
0x5c: {  	_ =	swait.ge [sflag:s8], $0x400  }
0x5d: {  	s5 =	rddreg [dreg:$0x7]  }
0x5e: {  	s26 =	rddreg [dreg:$0x6];
	s5 =	sadd.s32 $0x1, s5  }
0x5f: {  	p0 =	sne.s32 s5, s26  }
.Ltmp1:
0x60: {  	_ = 	snop;
	(pc) =	sbr.rel @!p0 .LBB2_5-.Ltmp1, $3  }
0x61: {  	_ =	sdelay $0x1  }
0x62: {  	[sflag:s8] =	ssyncset.done $0x0  }
0x63: {  	[sflag:s8] =	ssyncadd.s32 $0xFFFFFC00  }
.LBB2_1:
0x64: {  	[dreg:$0x7] =	wrdreg s5  }
0x65: {  	s4 =	rddreg [dreg:$0x4]  }
0x66: {  	[tilespmem:s3], [sflag:$0x4] =	stream.linear.gather [hbm4b:s4+s3], $0x200, $0x38;
	[tilespmem:$0x18680] =	vst v63  }
0x67: {  	_ =	swait.ge [sflag:s8], $0x200  }
0x68: {  	[sflag:s8] =	ssyncset.done $0x0  }
0x69: {  	[sflag:s8] =	ssyncadd.s32 $0xFFFFFE00  }
0x6a: {  	v16 =	vld [tilespmem:$0x0];
	_ =	sdelay $0x4  }
0x6b: {  	v16 =	vand.u32 $0xFFFFFF80, v16  }
0x6c: {  	v16 =	vadd.s32 s1, v16  }
0x6d: {  	(v2sf) =	vpush v16, $0x0;
	_ =	sdelay $0x1  }
0x6e: {  	(v2sf) =	vpush v16, $0x1;
	_ =	sdelay $0x1  }
0x6f: {  	(v2sf) =	vpush v16, $0x2;
	_ =	sdelay $0x1  }
0x70: {  	(v2sf) =	vpush v16, $0x3;
	_ =	sdelay $0x1  }
0x71: {  	(v2sf) =	vpush v16, $0x4;
	_ =	sdelay $0x1  }
0x72: {  	(v2sf) =	vpush v16, $0x5;
	_ =	sdelay $0x1  }
0x73: {  	(v2sf) =	vpush v16, $0x6;
	_ =	sdelay $0x1  }
0x74: {  	(v2sf) =	vpush v16, $0x7  }
0x75: {  	s6 =	spop (v2sf)  }
0x76: {  	[tilespmem:s11], [sflag:$0x1] =	stream.strided.gather [hbm4b:s6+s9], $0x1000, s10, s9, $0x38;
	[tilespmem:$0x18680] =	vst v63  }
0x77: {  	s13 =	simm.s32 $0x1280;
	s12 =	spop (v2sf)  }
0x78: {  	[tilespmem:s13], [sflag:$0x1] =	stream.strided.gather [hbm4b:s12+s9], $0x1000, s10, s9, $0x38;
	[tilespmem:$0x18680] =	vst v63  }
0x79: {  	s26 =	simm.s32 $0x2280;
	s14 =	spop (v2sf)  }
0x7a: {  	[tilespmem:s26], [sflag:$0x1] =	stream.strided.gather [hbm4b:s14+s9], $0x1000, s10, s9, $0x38;
	[tilespmem:$0x18680] =	vst v63  }
0x7b: {  	s6 =	spop (v2sf);
	s12 =	simm.s32 $0x3280  }
0x7c: {  	[tilespmem:s12], [sflag:$0x1] =	stream.strided.gather [hbm4b:s6+s9], $0x1000, s10, s9, $0x38;
	[tilespmem:$0x18680] =	vst v63  }
0x7d: {  	s13 =	spop (v2sf)  }
0x7e: {  	[tilespmem:s15], [sflag:$0x1] =	stream.strided.gather [hbm4b:s13+s9], $0x1000, s10, s9, $0x38;
	[tilespmem:$0x18680] =	vst v63  }
0x7f: {  	s14 =	spop (v2sf)  }
0x80: {  	[tilespmem:s16], [sflag:$0x1] =	stream.strided.gather [hbm4b:s14+s9], $0x1000, s10, s9, $0x38;
	[tilespmem:$0x18680] =	vst v63  }
0x81: {  	s26 =	spop (v2sf)  }
0x82: {  	[tilespmem:s17], [sflag:$0x1] =	stream.strided.gather [hbm4b:s26+s9], $0x1000, s10, s9, $0x38;
	[tilespmem:$0x18680] =	vst v63  }
0x83: {  	s5 =	spop (v2sf)  }
0x84: {  	[tilespmem:s18], [sflag:$0x1] =	stream.strided.gather [hbm4b:s5+s9], $0x1000, s10, s9, $0x38;
	[tilespmem:$0x18680] =	vst v63  }
0x85: {  	v16 =	vld [tilespmem:$0x8];
	_ =	sdelay $0x4  }
0x86: {  	v16 =	vand.u32 $0xFFFFFF80, v16  }
0x87: {  	v16 =	vadd.s32 s1, v16  }
0x88: {  	(v2sf) =	vpush v16, $0x0;
	_ =	sdelay $0x1  }
0x89: {  	(v2sf) =	vpush v16, $0x1;
	_ =	sdelay $0x1  }
0x8a: {  	(v2sf) =	vpush v16, $0x2;
	_ =	sdelay $0x1  }
0x8b: {  	(v2sf) =	vpush v16, $0x3;
	_ =	sdelay $0x1  }
0x8c: {  	(v2sf) =	vpush v16, $0x4;
	_ =	sdelay $0x1  }
0x8d: {  	(v2sf) =	vpush v16, $0x5;
	_ =	sdelay $0x1  }
0x8e: {  	(v2sf) =	vpush v16, $0x6;
	_ =	sdelay $0x1  }
0x8f: {  	(v2sf) =	vpush v16, $0x7  }
0x90: {  	s6 =	spop (v2sf)  }
0x91: {  	[tilespmem:s19], [sflag:$0x2] =	stream.strided.gather [hbm4b:s6+s9], $0x1000, s10, s9, $0x38;
	[tilespmem:$0x18680] =	vst v63  }
0x92: {  	s13 =	simm.s32 $0x9280;
	s12 =	spop (v2sf)  }
0x93: {  	[tilespmem:s13], [sflag:$0x2] =	stream.strided.gather [hbm4b:s12+s9], $0x1000, s10, s9, $0x38;
	[tilespmem:$0x18680] =	vst v63  }
0x94: {  	s26 =	simm.s32 $0xA280;
	s14 =	spop (v2sf)  }
0x95: {  	[tilespmem:s26], [sflag:$0x2] =	stream.strided.gather [hbm4b:s14+s9], $0x1000, s10, s9, $0x38;
	[tilespmem:$0x18680] =	vst v63  }
0x96: {  	s6 =	simm.s32 $0xB280;
	s5 =	spop (v2sf)  }
0x97: {  	[tilespmem:s6], [sflag:$0x2] =	stream.strided.gather [hbm4b:s5+s9], $0x1000, s10, s9, $0x38;
	[tilespmem:$0x18680] =	vst v63  }
0x98: {  	s13 =	simm.s32 $0xC280;
	s12 =	spop (v2sf)  }
0x99: {  	[tilespmem:s13], [sflag:$0x2] =	stream.strided.gather [hbm4b:s12+s9], $0x1000, s10, s9, $0x38;
	[tilespmem:$0x18680] =	vst v63  }
0x9a: {  	s14 =	spop (v2sf);
	s26 =	simm.s32 $0xD280  }
0x9b: {  	[tilespmem:s26], [sflag:$0x2] =	stream.strided.gather [hbm4b:s14+s9], $0x1000, s10, s9, $0x38;
	[tilespmem:$0x18680] =	vst v63  }
0x9c: {  	s5 =	spop (v2sf);
	s6 =	simm.s32 $0xE280  }
0x9d: {  	[tilespmem:s6], [sflag:$0x2] =	stream.strided.gather [hbm4b:s5+s9], $0x1000, s10, s9, $0x38;
	[tilespmem:$0x18680] =	vst v63  }
0x9e: {  	s12 =	spop (v2sf);
	s13 =	simm.s32 $0xF280  }
0x9f: {  	[tilespmem:s13], [sflag:$0x2] =	stream.strided.gather [hbm4b:s12+s9], $0x1000, s10, s9, $0x38;
	[tilespmem:$0x18680] =	vst v63  }
0xa0: {  	v16 =	vld [tilespmem:$0x10];
	_ =	sdelay $0x4  }
0xa1: {  	v16 =	vand.u32 $0xFFFFFF80, v16  }
0xa2: {  	v16 =	vadd.s32 s1, v16  }
0xa3: {  	(v2sf) =	vpush v16, $0x0;
	_ =	sdelay $0x1  }
0xa4: {  	(v2sf) =	vpush v16, $0x1;
	_ =	sdelay $0x1  }
0xa5: {  	(v2sf) =	vpush v16, $0x2;
	_ =	sdelay $0x1  }
0xa6: {  	(v2sf) =	vpush v16, $0x3;
	_ =	sdelay $0x1  }
0xa7: {  	(v2sf) =	vpush v16, $0x4;
	_ =	sdelay $0x1  }
0xa8: {  	(v2sf) =	vpush v16, $0x5;
	_ =	sdelay $0x1  }
0xa9: {  	(v2sf) =	vpush v16, $0x6;
	_ =	sdelay $0x1  }
0xaa: {  	(v2sf) =	vpush v16, $0x7  }
0xab: {  	s14 =	spop (v2sf)  }
0xac: {  	[tilespmem:s28], [sflag:$0x3] =	stream.strided.gather [hbm4b:s14+s9], $0x1000, s10, s9, $0x38;
	[tilespmem:$0x18680] =	vst v63  }
0xad: {  	s26 =	spop (v2sf)  }
0xae: {  	[tilespmem:s29], [sflag:$0x3] =	stream.strided.gather [hbm4b:s26+s9], $0x1000, s10, s9, $0x38;
	[tilespmem:$0x18680] =	vst v63  }
0xaf: {  	s5 =	spop (v2sf)  }
0xb0: {  	[tilespmem:s30], [sflag:$0x3] =	stream.strided.gather [hbm4b:s5+s9], $0x1000, s10, s9, $0x38;
	[tilespmem:$0x18680] =	vst v63  }
0xb1: {  	s6 =	spop (v2sf)  }
0xb2: {  	[tilespmem:s31], [sflag:$0x3] =	stream.strided.gather [hbm4b:s6+s9], $0x1000, s10, s9, $0x38;
	[tilespmem:$0x18680] =	vst v63  }
0xb3: {  	s12 =	spop (v2sf)  }
0xb4: {  	[tilespmem:s0], [sflag:$0x3] =	stream.strided.gather [hbm4b:s12+s9], $0x1000, s10, s9, $0x38;
	[tilespmem:$0x18680] =	vst v63  }
0xb5: {  	s13 =	spop (v2sf)  }
0xb6: {  	[tilespmem:s2], [sflag:$0x3] =	stream.strided.gather [hbm4b:s13+s9], $0x1000, s10, s9, $0x38;
	[tilespmem:$0x18680] =	vst v63  }
0xb7: {  	s14 =	spop (v2sf)  }
0xb8: {  	[tilespmem:s20], [sflag:$0x3] =	stream.strided.gather [hbm4b:s14+s9], $0x1000, s10, s9, $0x38;
	[tilespmem:$0x18680] =	vst v63  }
0xb9: {  	s4 =	simm.s32 $0x18;
	s5 =	simm.s32 $0x0;
	s26 =	spop (v2sf)  }
0xba: {  	[tilespmem:s21], [sflag:$0x3] =	stream.strided.gather [hbm4b:s26+s9], $0x1000, s10, s9, $0x38;
	[tilespmem:$0x18680] =	vst v63  }
.LBB2_2:
0xbb: {  	v16 =	vld [tilespmem:s4+$0xFFFFFFE8];
	_ =	swait.ge [sflag:s22], $0x1000  }
0xbc: {  	[sflag:s22] =	ssyncset.done $0x0  }
0xbd: {  	[sflag:s22] =	ssyncadd.s32 $0xFFFFF000  }
0xbe: {  	_ =	swait.ge [sflag:s22], $0x1000  }
0xbf: {  	[sflag:s22] =	ssyncset.done $0x0  }
0xc0: {  	[sflag:s22] =	ssyncadd.s32 $0xFFFFF000  }
0xc1: {  	_ =	swait.ge [sflag:s22], $0x1000  }
0xc2: {  	[sflag:s22] =	ssyncset.done $0x0  }
0xc3: {  	[sflag:s22] =	ssyncadd.s32 $0xFFFFF000  }
0xc4: {  	_ =	swait.ge [sflag:s22], $0x1000  }
0xc5: {  	[sflag:s22] =	ssyncset.done $0x0  }
0xc6: {  	[sflag:s22] =	ssyncadd.s32 $0xFFFFF000  }
0xc7: {  	_ =	swait.ge [sflag:s22], $0x1000  }
0xc8: {  	[sflag:s22] =	ssyncset.done $0x0  }
0xc9: {  	[sflag:s22] =	ssyncadd.s32 $0xFFFFF000  }
0xca: {  	_ =	swait.ge [sflag:s22], $0x1000  }
0xcb: {  	v16 =	vand.u32 $0x7F, v16;
	[sflag:s22] =	ssyncset.done $0x0  }
0xcc: {  	v17 =	vbroadcast v16, $0x0;
	[sflag:s22] =	ssyncadd.s32 $0xFFFFF000  }
0xcd: {  	_ =	swait.ge [sflag:s22], $0x1000  }
0xce: {  	v18 =	vor.u32 v0, v17;
	[sflag:s22] =	ssyncset.done $0x0  }
0xcf: {  	[sflag:s22] =	ssyncadd.s32 $0xFFFFF000  }
0xd0: {  	_ =	swait.ge [sflag:s22], $0x1000  }
0xd1: {  	[sflag:s22] =	ssyncset.done $0x0  }
0xd2: {  	[sflag:s22] =	ssyncadd.s32 $0xFFFFF000  }
0xd3: {  	v18 =	vld.idx.msk [tilespmem:v18+s11+$0x0], $0xffff  }
0xd4: {  	v17 =	vor.u32 v1, v17;
	_ =	sdelay $0x3  }
0xd5: {  	v33 =	vbroadcast v16, $0x1;
	[tilespmem:$0x18280] =	vst v18  }
0xd6: {  	v17 =	vld.idx.msk [tilespmem:v17+s11+$0x0], $0xffff  }
0xd7: {  	v19 =	vor.u32 v2, v33;
	_ =	sdelay $0x3  }
0xd8: {  	[tilespmem:$0x18290] =	vst v17  }
0xd9: {  	v17 =	vld.idx.msk [tilespmem:v19+s11+$0x0], $0xffff  }
0xda: {  	v18 =	vor.u32 v3, v33;
	_ =	sdelay $0x3  }
0xdb: {  	[tilespmem:$0x18300] =	vst v17;
	v17 =	vbroadcast v16, $0x2  }
0xdc: {  	v18 =	vld.idx.msk [tilespmem:v18+s11+$0x0], $0xffff  }
0xdd: {  	v34 =	vor.u32 v4, v17;
	_ =	sdelay $0x3  }
0xde: {  	[tilespmem:$0x18310] =	vst v18  }
0xdf: {  	v18 =	vld.idx.msk [tilespmem:v34+s11+$0x0], $0xffff  }
0xe0: {  	v17 =	vor.u32 v5, v17;
	_ =	sdelay $0x3  }
0xe1: {  	v35 =	vbroadcast v16, $0x3;
	[tilespmem:$0x18380] =	vst v18  }
0xe2: {  	v17 =	vld.idx.msk [tilespmem:v17+s11+$0x0], $0xffff  }
0xe3: {  	v36 =	vor.u32 v6, v35;
	_ =	sdelay $0x3  }
0xe4: {  	[tilespmem:$0x18390] =	vst v17  }
0xe5: {  	v17 =	vld.idx.msk [tilespmem:v36+s11+$0x0], $0xffff  }
0xe6: {  	v18 =	vor.u32 v7, v35;
	_ =	sdelay $0x3  }
0xe7: {  	[tilespmem:$0x18400] =	vst v17;
	v17 =	vbroadcast v16, $0x4  }
0xe8: {  	v18 =	vld.idx.msk [tilespmem:v18+s11+$0x0], $0xffff  }
0xe9: {  	v37 =	vor.u32 v8, v17;
	_ =	sdelay $0x3  }
0xea: {  	[tilespmem:$0x18410] =	vst v18  }
0xeb: {  	v18 =	vld.idx.msk [tilespmem:v37+s11+$0x0], $0xffff  }
0xec: {  	v17 =	vor.u32 v9, v17;
	_ =	sdelay $0x3  }
0xed: {  	v38 =	vbroadcast v16, $0x5;
	[tilespmem:$0x18480] =	vst v18  }
0xee: {  	v17 =	vld.idx.msk [tilespmem:v17+s11+$0x0], $0xffff  }
0xef: {  	v39 =	vor.u32 v10, v38;
	_ =	sdelay $0x3  }
0xf0: {  	[tilespmem:$0x18490] =	vst v17  }
0xf1: {  	v17 =	vld.idx.msk [tilespmem:v39+s11+$0x0], $0xffff  }
0xf2: {  	v18 =	vor.u32 v11, v38;
	_ =	sdelay $0x3  }
0xf3: {  	[tilespmem:$0x18500] =	vst v17;
	v17 =	vbroadcast v16, $0x6  }
0xf4: {  	v18 =	vld.idx.msk [tilespmem:v18+s11+$0x0], $0xffff  }
0xf5: {  	v40 =	vor.u32 v12, v17;
	_ =	sdelay $0x3  }
0xf6: {  	[tilespmem:$0x18510] =	vst v18  }
0xf7: {  	v18 =	vld.idx.msk [tilespmem:v40+s11+$0x0], $0xffff  }
0xf8: {  	v17 =	vor.u32 v13, v17;
	_ =	sdelay $0x3  }
0xf9: {  	v16 =	vbroadcast v16, $0x7;
	[tilespmem:$0x18580] =	vst v18  }
0xfa: {  	v17 =	vld.idx.msk [tilespmem:v17+s11+$0x0], $0xffff  }
0xfb: {  	v41 =	vor.u32 v14, v16;
	_ =	sdelay $0x3  }
0xfc: {  	[tilespmem:$0x18590] =	vst v17  }
0xfd: {  	v17 =	vld.idx.msk [tilespmem:v41+s11+$0x0], $0xffff  }
0xfe: {  	v16 =	vor.u32 v15, v16;
	_ =	sdelay $0x3  }
0xff: {  	[tilespmem:$0x18600] =	vst v17  }
0x100: {  	v16 =	vld.idx.msk [tilespmem:v16+s11+$0x0], $0xffff;
	_ =	sdelay $0x4  }
0x101: {  	s6 =	sadd.s32 s5, s7;
	[tilespmem:$0x18610] =	vst v16  }
0x102: {  	[hbm4b:s6+s3] =	stream.linear.scatter [tilespmem:s23], [sflag:$0x4], $0x400, $0x38;
	[tilespmem:$0x18680] =	vst v63  }
0x103: {  	_ =	swait.ge [sflag:s8], $0x400  }
0x104: {  	[sflag:s8] =	ssyncset.done $0x0  }
0x105: {  	[sflag:s8] =	ssyncadd.s32 $0xFFFFFC00  }
0x106: {  	v16 =	vld [tilespmem:s4+$0x0];
	_ =	sdelay $0x4  }
0x107: {  	v16 =	vand.u32 $0xFFFFFF80, v16  }
0x108: {  	v16 =	vadd.s32 s1, v16  }
0x109: {  	(v2sf) =	vpush v16, $0x0;
	_ =	sdelay $0x1  }
0x10a: {  	(v2sf) =	vpush v16, $0x1;
	_ =	sdelay $0x1  }
0x10b: {  	(v2sf) =	vpush v16, $0x2;
	_ =	sdelay $0x1  }
0x10c: {  	(v2sf) =	vpush v16, $0x3;
	_ =	sdelay $0x1  }
0x10d: {  	(v2sf) =	vpush v16, $0x4;
	_ =	sdelay $0x1  }
0x10e: {  	(v2sf) =	vpush v16, $0x5;
	_ =	sdelay $0x1  }
0x10f: {  	(v2sf) =	vpush v16, $0x6;
	_ =	sdelay $0x1  }
0x110: {  	(v2sf) =	vpush v16, $0x7  }
0x111: {  	s26 =	spop (v2sf)  }
0x112: {  	[tilespmem:s11], [sflag:$0x1] =	stream.strided.gather [hbm4b:s26+s9], $0x1000, s10, s9, $0x38;
	[tilespmem:$0x18680] =	vst v63  }
0x113: {  	s12 =	simm.s32 $0x1280;
	s14 =	spop (v2sf)  }
0x114: {  	[tilespmem:s12], [sflag:$0x1] =	stream.strided.gather [hbm4b:s14+s9], $0x1000, s10, s9, $0x38;
	[tilespmem:$0x18680] =	vst v63  }
0x115: {  	s13 =	spop (v2sf);
	s14 =	simm.s32 $0x2280  }
0x116: {  	[tilespmem:s14], [sflag:$0x1] =	stream.strided.gather [hbm4b:s13+s9], $0x1000, s10, s9, $0x38;
	[tilespmem:$0x18680] =	vst v63  }
0x117: {  	s13 =	spop (v2sf);
	s14 =	simm.s32 $0x3280  }
0x118: {  	[tilespmem:s14], [sflag:$0x1] =	stream.strided.gather [hbm4b:s13+s9], $0x1000, s10, s9, $0x38;
	[tilespmem:$0x18680] =	vst v63  }
0x119: {  	s13 =	spop (v2sf)  }
0x11a: {  	[tilespmem:s15], [sflag:$0x1] =	stream.strided.gather [hbm4b:s13+s9], $0x1000, s10, s9, $0x38;
	[tilespmem:$0x18680] =	vst v63  }
0x11b: {  	s14 =	spop (v2sf)  }
0x11c: {  	[tilespmem:s16], [sflag:$0x1] =	stream.strided.gather [hbm4b:s14+s9], $0x1000, s10, s9, $0x38;
	[tilespmem:$0x18680] =	vst v63  }
0x11d: {  	s12 =	spop (v2sf)  }
0x11e: {  	[tilespmem:s17], [sflag:$0x1] =	stream.strided.gather [hbm4b:s12+s9], $0x1000, s10, s9, $0x38;
	[tilespmem:$0x18680] =	vst v63  }
0x11f: {  	s13 =	spop (v2sf)  }
0x120: {  	[tilespmem:s18], [sflag:$0x1] =	stream.strided.gather [hbm4b:s13+s9], $0x1000, s10, s9, $0x38;
	[tilespmem:$0x18680] =	vst v63  }
0x121: {  	v16 =	vld [tilespmem:s4+$0xFFFFFFF0];
	_ =	swait.ge [sflag:s24], $0x1000  }
0x122: {  	[sflag:s24] =	ssyncset.done $0x0  }
0x123: {  	[sflag:s24] =	ssyncadd.s32 $0xFFFFF000  }
0x124: {  	_ =	swait.ge [sflag:s24], $0x1000  }
0x125: {  	[sflag:s24] =	ssyncset.done $0x0  }
0x126: {  	[sflag:s24] =	ssyncadd.s32 $0xFFFFF000  }
0x127: {  	_ =	swait.ge [sflag:s24], $0x1000  }
0x128: {  	[sflag:s24] =	ssyncset.done $0x0  }
0x129: {  	[sflag:s24] =	ssyncadd.s32 $0xFFFFF000  }
0x12a: {  	_ =	swait.ge [sflag:s24], $0x1000  }
0x12b: {  	[sflag:s24] =	ssyncset.done $0x0  }
0x12c: {  	[sflag:s24] =	ssyncadd.s32 $0xFFFFF000  }
0x12d: {  	_ =	swait.ge [sflag:s24], $0x1000  }
0x12e: {  	[sflag:s24] =	ssyncset.done $0x0  }
0x12f: {  	[sflag:s24] =	ssyncadd.s32 $0xFFFFF000  }
0x130: {  	_ =	swait.ge [sflag:s24], $0x1000  }
0x131: {  	v16 =	vand.u32 $0x7F, v16;
	[sflag:s24] =	ssyncset.done $0x0  }
0x132: {  	v17 =	vbroadcast v16, $0x0;
	[sflag:s24] =	ssyncadd.s32 $0xFFFFF000  }
0x133: {  	_ =	swait.ge [sflag:s24], $0x1000  }
0x134: {  	v42 =	vor.u32 v0, v17;
	[sflag:s24] =	ssyncset.done $0x0  }
0x135: {  	[sflag:s24] =	ssyncadd.s32 $0xFFFFF000  }
0x136: {  	_ =	swait.ge [sflag:s24], $0x1000  }
0x137: {  	[sflag:s24] =	ssyncset.done $0x0  }
0x138: {  	[sflag:s24] =	ssyncadd.s32 $0xFFFFF000  }
0x139: {  	v18 =	vld.idx.msk [tilespmem:v42+s19+$0x0], $0xffff  }
0x13a: {  	v17 =	vor.u32 v1, v17;
	_ =	sdelay $0x3  }
0x13b: {  	v43 =	vbroadcast v16, $0x1;
	[tilespmem:$0x18280] =	vst v18  }
0x13c: {  	v17 =	vld.idx.msk [tilespmem:v17+s19+$0x0], $0xffff  }
0x13d: {  	v44 =	vor.u32 v2, v43;
	_ =	sdelay $0x3  }
0x13e: {  	[tilespmem:$0x18290] =	vst v17  }
0x13f: {  	v17 =	vld.idx.msk [tilespmem:v44+s19+$0x0], $0xffff  }
0x140: {  	v18 =	vor.u32 v3, v43;
	_ =	sdelay $0x3  }
0x141: {  	[tilespmem:$0x18300] =	vst v17;
	v17 =	vbroadcast v16, $0x2  }
0x142: {  	v18 =	vld.idx.msk [tilespmem:v18+s19+$0x0], $0xffff  }
0x143: {  	v45 =	vor.u32 v4, v17;
	_ =	sdelay $0x3  }
0x144: {  	[tilespmem:$0x18310] =	vst v18  }
0x145: {  	v18 =	vld.idx.msk [tilespmem:v45+s19+$0x0], $0xffff  }
0x146: {  	v17 =	vor.u32 v5, v17;
	_ =	sdelay $0x3  }
0x147: {  	v46 =	vbroadcast v16, $0x3;
	[tilespmem:$0x18380] =	vst v18  }
0x148: {  	v17 =	vld.idx.msk [tilespmem:v17+s19+$0x0], $0xffff  }
0x149: {  	v47 =	vor.u32 v6, v46;
	_ =	sdelay $0x3  }
0x14a: {  	[tilespmem:$0x18390] =	vst v17  }
0x14b: {  	v17 =	vld.idx.msk [tilespmem:v47+s19+$0x0], $0xffff  }
0x14c: {  	v18 =	vor.u32 v7, v46;
	_ =	sdelay $0x3  }
0x14d: {  	[tilespmem:$0x18400] =	vst v17;
	v17 =	vbroadcast v16, $0x4  }
0x14e: {  	v18 =	vld.idx.msk [tilespmem:v18+s19+$0x0], $0xffff  }
0x14f: {  	v48 =	vor.u32 v8, v17;
	_ =	sdelay $0x3  }
0x150: {  	[tilespmem:$0x18410] =	vst v18  }
0x151: {  	v18 =	vld.idx.msk [tilespmem:v48+s19+$0x0], $0xffff  }
0x152: {  	v17 =	vor.u32 v9, v17;
	_ =	sdelay $0x3  }
0x153: {  	v49 =	vbroadcast v16, $0x5;
	[tilespmem:$0x18480] =	vst v18  }
0x154: {  	v17 =	vld.idx.msk [tilespmem:v17+s19+$0x0], $0xffff  }
0x155: {  	v50 =	vor.u32 v10, v49;
	_ =	sdelay $0x3  }
0x156: {  	[tilespmem:$0x18490] =	vst v17  }
0x157: {  	v17 =	vld.idx.msk [tilespmem:v50+s19+$0x0], $0xffff  }
0x158: {  	v18 =	vor.u32 v11, v49;
	_ =	sdelay $0x3  }
0x159: {  	[tilespmem:$0x18500] =	vst v17;
	v17 =	vbroadcast v16, $0x6  }
0x15a: {  	v18 =	vld.idx.msk [tilespmem:v18+s19+$0x0], $0xffff  }
0x15b: {  	v51 =	vor.u32 v12, v17;
	_ =	sdelay $0x3  }
0x15c: {  	[tilespmem:$0x18510] =	vst v18  }
0x15d: {  	v18 =	vld.idx.msk [tilespmem:v51+s19+$0x0], $0xffff  }
0x15e: {  	v17 =	vor.u32 v13, v17;
	_ =	sdelay $0x3  }
0x15f: {  	v16 =	vbroadcast v16, $0x7;
	[tilespmem:$0x18580] =	vst v18  }
0x160: {  	v17 =	vld.idx.msk [tilespmem:v17+s19+$0x0], $0xffff  }
0x161: {  	v52 =	vor.u32 v14, v16;
	_ =	sdelay $0x3  }
0x162: {  	[tilespmem:$0x18590] =	vst v17  }
0x163: {  	v17 =	vld.idx.msk [tilespmem:v52+s19+$0x0], $0xffff  }
0x164: {  	v16 =	vor.u32 v15, v16;
	_ =	sdelay $0x3  }
0x165: {  	[tilespmem:$0x18600] =	vst v17  }
0x166: {  	v16 =	vld.idx.msk [tilespmem:v16+s19+$0x0], $0xffff;
	_ =	sdelay $0x4  }
0x167: {  	s14 =	sadd.s32 $0x80, s6;
	[tilespmem:$0x18610] =	vst v16  }
0x168: {  	[hbm4b:s14+s3] =	stream.linear.scatter [tilespmem:s23], [sflag:$0x4], $0x400, $0x38;
	[tilespmem:$0x18680] =	vst v63  }
0x169: {  	_ =	swait.ge [sflag:s8], $0x400  }
0x16a: {  	[sflag:s8] =	ssyncset.done $0x0  }
0x16b: {  	p0 =	seq.s32 s5, $0x1E00;
	[sflag:s8] =	ssyncadd.s32 $0xFFFFFC00  }
0x16c: {  	v16 =	vld @!p0 [tilespmem:s4+$0x8];
	_ =	sdelay $0x4  }
0x16d: {  	v16 =	vand.u32 @!p0 $0xFFFFFF80, v16  }
0x16e: {  	v16 =	vadd.s32 @!p0 s1, v16  }
0x16f: {  	(v2sf) =	vpush @!p0 v16, $0x0;
	_ =	sdelay $0x2  }
0x170: {  	(v2sf) =	vpush @!p0 v16, $0x1;
	_ =	sdelay $0x1  }
0x171: {  	(v2sf) =	vpush @!p0 v16, $0x2;
	_ =	sdelay $0x1  }
0x172: {  	(v2sf) =	vpush @!p0 v16, $0x3;
	_ =	sdelay $0x1  }
0x173: {  	(v2sf) =	vpush @!p0 v16, $0x4;
	_ =	sdelay $0x1  }
0x174: {  	(v2sf) =	vpush @!p0 v16, $0x5;
	_ =	sdelay $0x1  }
0x175: {  	(v2sf) =	vpush @!p0 v16, $0x6;
	_ =	sdelay $0x1  }
0x176: {  	s26 =	spop @!p0 (v2sf);
	(v2sf) =	vpush @!p0 v16, $0x7  }
0x177: {  	s12 =	simm.s32 @!p0 $0x400;
	s13 =	simm.s32 @!p0 $0x7A1400;
	s14 =	simm.s32 @!p0 $0x8280  }
0x178: {  	[tilespmem:s14], [sflag:$0x2] =	stream.strided.gather @!p0 [hbm4b:s26+s12], $0x1000, s13, s12, $0x38;
	[tilespmem:$0x18680] =	vst v63  }
0x179: {  	s14 =	spop @!p0 (v2sf);
	s26 =	simm.s32 @!p0 $0x9280  }
0x17a: {  	[tilespmem:s26], [sflag:$0x2] =	stream.strided.gather @!p0 [hbm4b:s14+s12], $0x1000, s13, s12, $0x38;
	[tilespmem:$0x18680] =	vst v63  }
0x17b: {  	s14 =	spop @!p0 (v2sf);
	s26 =	simm.s32 @!p0 $0xA280  }
0x17c: {  	[tilespmem:s26], [sflag:$0x2] =	stream.strided.gather @!p0 [hbm4b:s14+s12], $0x1000, s13, s12, $0x38;
	[tilespmem:$0x18680] =	vst v63  }
0x17d: {  	s14 =	spop @!p0 (v2sf);
	s26 =	simm.s32 @!p0 $0xB280  }
0x17e: {  	[tilespmem:s26], [sflag:$0x2] =	stream.strided.gather @!p0 [hbm4b:s14+s12], $0x1000, s13, s12, $0x38;
	[tilespmem:$0x18680] =	vst v63  }
0x17f: {  	s14 =	spop @!p0 (v2sf);
	s26 =	simm.s32 @!p0 $0xC280  }
0x180: {  	[tilespmem:s26], [sflag:$0x2] =	stream.strided.gather @!p0 [hbm4b:s14+s12], $0x1000, s13, s12, $0x38;
	[tilespmem:$0x18680] =	vst v63  }
0x181: {  	s14 =	spop @!p0 (v2sf);
	s26 =	simm.s32 @!p0 $0xD280  }
0x182: {  	[tilespmem:s26], [sflag:$0x2] =	stream.strided.gather @!p0 [hbm4b:s14+s12], $0x1000, s13, s12, $0x38;
	[tilespmem:$0x18680] =	vst v63  }
0x183: {  	s14 =	spop @!p0 (v2sf);
	s26 =	simm.s32 @!p0 $0xE280  }
0x184: {  	[tilespmem:s26], [sflag:$0x2] =	stream.strided.gather @!p0 [hbm4b:s14+s12], $0x1000, s13, s12, $0x38;
	[tilespmem:$0x18680] =	vst v63  }
0x185: {  	s26 =	simm.s32 @!p0 $0xF280;
	s14 =	spop @!p0 (v2sf)  }
0x186: {  	[tilespmem:s26], [sflag:$0x2] =	stream.strided.gather @!p0 [hbm4b:s14+s12], $0x1000, s13, s12, $0x38;
	[tilespmem:$0x18680] =	vst v63  }
0x187: {  	v16 =	vld [tilespmem:s4+$0xFFFFFFF8];
	_ =	swait.ge [sflag:s25], $0x1000  }
0x188: {  	[sflag:s25] =	ssyncset.done $0x0  }
0x189: {  	[sflag:s25] =	ssyncadd.s32 $0xFFFFF000  }
0x18a: {  	_ =	swait.ge [sflag:s25], $0x1000  }
0x18b: {  	[sflag:s25] =	ssyncset.done $0x0  }
0x18c: {  	[sflag:s25] =	ssyncadd.s32 $0xFFFFF000  }
0x18d: {  	_ =	swait.ge [sflag:s25], $0x1000  }
0x18e: {  	[sflag:s25] =	ssyncset.done $0x0  }
0x18f: {  	[sflag:s25] =	ssyncadd.s32 $0xFFFFF000  }
0x190: {  	_ =	swait.ge [sflag:s25], $0x1000  }
0x191: {  	[sflag:s25] =	ssyncset.done $0x0  }
0x192: {  	[sflag:s25] =	ssyncadd.s32 $0xFFFFF000  }
0x193: {  	_ =	swait.ge [sflag:s25], $0x1000  }
0x194: {  	[sflag:s25] =	ssyncset.done $0x0  }
0x195: {  	[sflag:s25] =	ssyncadd.s32 $0xFFFFF000  }
0x196: {  	_ =	swait.ge [sflag:s25], $0x1000  }
0x197: {  	v16 =	vand.u32 $0x7F, v16;
	[sflag:s25] =	ssyncset.done $0x0  }
0x198: {  	v17 =	vbroadcast v16, $0x0;
	[sflag:s25] =	ssyncadd.s32 $0xFFFFF000  }
0x199: {  	_ =	swait.ge [sflag:s25], $0x1000  }
0x19a: {  	v53 =	vor.u32 v0, v17;
	[sflag:s25] =	ssyncset.done $0x0  }
0x19b: {  	[sflag:s25] =	ssyncadd.s32 $0xFFFFF000  }
0x19c: {  	_ =	swait.ge [sflag:s25], $0x1000  }
0x19d: {  	[sflag:s25] =	ssyncset.done $0x0  }
0x19e: {  	[sflag:s25] =	ssyncadd.s32 $0xFFFFF000  }
0x19f: {  	v18 =	vld.idx.msk [tilespmem:v53+s28+$0x0], $0xffff  }
0x1a0: {  	v17 =	vor.u32 v1, v17;
	_ =	sdelay $0x3  }
0x1a1: {  	v54 =	vbroadcast v16, $0x1;
	[tilespmem:$0x18280] =	vst v18  }
0x1a2: {  	v17 =	vld.idx.msk [tilespmem:v17+s28+$0x0], $0xffff  }
0x1a3: {  	v55 =	vor.u32 v2, v54;
	_ =	sdelay $0x3  }
0x1a4: {  	[tilespmem:$0x18290] =	vst v17  }
0x1a5: {  	v17 =	vld.idx.msk [tilespmem:v55+s28+$0x0], $0xffff  }
0x1a6: {  	v18 =	vor.u32 v3, v54;
	_ =	sdelay $0x3  }
0x1a7: {  	[tilespmem:$0x18300] =	vst v17;
	v17 =	vbroadcast v16, $0x2  }
0x1a8: {  	v18 =	vld.idx.msk [tilespmem:v18+s28+$0x0], $0xffff  }
0x1a9: {  	v56 =	vor.u32 v4, v17;
	_ =	sdelay $0x3  }
0x1aa: {  	[tilespmem:$0x18310] =	vst v18  }
0x1ab: {  	v18 =	vld.idx.msk [tilespmem:v56+s28+$0x0], $0xffff  }
0x1ac: {  	v17 =	vor.u32 v5, v17;
	_ =	sdelay $0x3  }
0x1ad: {  	v57 =	vbroadcast v16, $0x3;
	[tilespmem:$0x18380] =	vst v18  }
0x1ae: {  	v17 =	vld.idx.msk [tilespmem:v17+s28+$0x0], $0xffff  }
0x1af: {  	v58 =	vor.u32 v6, v57;
	_ =	sdelay $0x3  }
0x1b0: {  	[tilespmem:$0x18390] =	vst v17  }
0x1b1: {  	v17 =	vld.idx.msk [tilespmem:v58+s28+$0x0], $0xffff  }
0x1b2: {  	v18 =	vor.u32 v7, v57;
	_ =	sdelay $0x3  }
0x1b3: {  	[tilespmem:$0x18400] =	vst v17;
	v17 =	vbroadcast v16, $0x4  }
0x1b4: {  	v18 =	vld.idx.msk [tilespmem:v18+s28+$0x0], $0xffff  }
0x1b5: {  	v59 =	vor.u32 v8, v17;
	_ =	sdelay $0x3  }
0x1b6: {  	[tilespmem:$0x18410] =	vst v18  }
0x1b7: {  	v18 =	vld.idx.msk [tilespmem:v59+s28+$0x0], $0xffff  }
0x1b8: {  	v17 =	vor.u32 v9, v17;
	_ =	sdelay $0x3  }
0x1b9: {  	v60 =	vbroadcast v16, $0x5;
	[tilespmem:$0x18480] =	vst v18  }
0x1ba: {  	v17 =	vld.idx.msk [tilespmem:v17+s28+$0x0], $0xffff  }
0x1bb: {  	v61 =	vor.u32 v10, v60;
	_ =	sdelay $0x3  }
0x1bc: {  	[tilespmem:$0x18490] =	vst v17  }
0x1bd: {  	v17 =	vld.idx.msk [tilespmem:v61+s28+$0x0], $0xffff  }
0x1be: {  	v18 =	vor.u32 v11, v60;
	_ =	sdelay $0x3  }
0x1bf: {  	[tilespmem:$0x18500] =	vst v17;
	v17 =	vbroadcast v16, $0x6  }
0x1c0: {  	v18 =	vld.idx.msk [tilespmem:v18+s28+$0x0], $0xffff  }
0x1c1: {  	v62 =	vor.u32 v12, v17;
	_ =	sdelay $0x3  }
0x1c2: {  	[tilespmem:$0x18510] =	vst v18  }
0x1c3: {  	v18 =	vld.idx.msk [tilespmem:v62+s28+$0x0], $0xffff  }
0x1c4: {  	v17 =	vor.u32 v13, v17;
	_ =	sdelay $0x3  }
0x1c5: {  	v16 =	vbroadcast v16, $0x7;
	[tilespmem:$0x18580] =	vst v18  }
0x1c6: {  	v17 =	vld.idx.msk [tilespmem:v17+s28+$0x0], $0xffff  }
0x1c7: {  	v63 =	vor.u32 v14, v16;
	_ =	sdelay $0x3  }
0x1c8: {  	[tilespmem:$0x18590] =	vst v17  }
0x1c9: {  	v17 =	vld.idx.msk [tilespmem:v63+s28+$0x0], $0xffff  }
0x1ca: {  	v16 =	vor.u32 v15, v16;
	_ =	sdelay $0x3  }
0x1cb: {  	[tilespmem:$0x18600] =	vst v17  }
0x1cc: {  	v16 =	vld.idx.msk [tilespmem:v16+s28+$0x0], $0xffff;
	_ =	sdelay $0x4  }
.Ltmp2:
0x1cd: {  	s6 =	sadd.s32 $0x100, s6;
	[tilespmem:$0x18610] =	vst v16;
	(pc) =	sbr.rel @p0 .LBB2_4-.Ltmp2, $4  }
0x1ce: {  	[hbm4b:s6+s3] =	stream.linear.scatter [tilespmem:s23], [sflag:$0x4], $0x400, $0x38;
	[tilespmem:$0x18680] =	vst v63  }
0x1cf: {  	_ =	swait.ge [sflag:s8], $0x400  }
0x1d0: {  	[sflag:s8] =	ssyncset.done $0x0  }
0x1d1: {  	[sflag:s8] =	ssyncadd.s32 $0xFFFFFC00  }
0x1d2: {  	v16 =	vld [tilespmem:s4+$0x10];
	_ =	sdelay $0x4  }
0x1d3: {  	v16 =	vand.u32 $0xFFFFFF80, v16  }
0x1d4: {  	v16 =	vadd.s32 s1, v16  }
0x1d5: {  	(v2sf) =	vpush v16, $0x0;
	_ =	sdelay $0x1  }
0x1d6: {  	(v2sf) =	vpush v16, $0x1;
	_ =	sdelay $0x1  }
0x1d7: {  	(v2sf) =	vpush v16, $0x2;
	_ =	sdelay $0x1  }
0x1d8: {  	(v2sf) =	vpush v16, $0x3;
	_ =	sdelay $0x1  }
0x1d9: {  	(v2sf) =	vpush v16, $0x4;
	_ =	sdelay $0x1  }
0x1da: {  	(v2sf) =	vpush v16, $0x5;
	_ =	sdelay $0x2  }
0x1db: {  	(v2sf) =	vpush v16, $0x6;
	_ =	sdelay $0x1  }
0x1dc: {  	(v2sf) =	vpush v16, $0x7;
	s6 =	spop (v2sf)  }
0x1dd: {  	[tilespmem:s28], [sflag:$0x3] =	stream.strided.gather [hbm4b:s6+s9], $0x1000, s10, s9, $0x38;
	[tilespmem:$0x18680] =	vst v63  }
0x1de: {  	s13 =	spop (v2sf)  }
0x1df: {  	[tilespmem:s29], [sflag:$0x3] =	stream.strided.gather [hbm4b:s13+s9], $0x1000, s10, s9, $0x38;
	[tilespmem:$0x18680] =	vst v63  }
0x1e0: {  	s14 =	spop (v2sf)  }
0x1e1: {  	[tilespmem:s30], [sflag:$0x3] =	stream.strided.gather [hbm4b:s14+s9], $0x1000, s10, s9, $0x38;
	[tilespmem:$0x18680] =	vst v63  }
0x1e2: {  	s26 =	spop (v2sf)  }
0x1e3: {  	[tilespmem:s31], [sflag:$0x3] =	stream.strided.gather [hbm4b:s26+s9], $0x1000, s10, s9, $0x38;
	[tilespmem:$0x18680] =	vst v63  }
0x1e4: {  	s12 =	spop (v2sf)  }
0x1e5: {  	[tilespmem:s0], [sflag:$0x3] =	stream.strided.gather [hbm4b:s12+s9], $0x1000, s10, s9, $0x38;
	[tilespmem:$0x18680] =	vst v63  }
0x1e6: {  	s13 =	spop (v2sf)  }
0x1e7: {  	[tilespmem:s2], [sflag:$0x3] =	stream.strided.gather [hbm4b:s13+s9], $0x1000, s10, s9, $0x38;
	[tilespmem:$0x18680] =	vst v63  }
.Ltmp3:
0x1e8: {  	_ = 	snop;
	(pc) =	sbr.rel .LBB2_2-.Ltmp3, $4  }
0x1e9: {  	s14 =	spop (v2sf)  }
0x1ea: {  	[tilespmem:s20], [sflag:$0x3] =	stream.strided.gather [hbm4b:s14+s9], $0x1000, s10, s9, $0x38;
	[tilespmem:$0x18680] =	vst v63  }
0x1eb: {  	s5 =	sadd.s32 $0x180, s5;
	s4 =	sadd.s32 $0x18, s4;
	s26 =	spop (v2sf)  }
0x1ec: {  	[tilespmem:s21], [sflag:$0x3] =	stream.strided.gather [hbm4b:s26+s9], $0x1000, s10, s9, $0x38;
	[tilespmem:$0x18680] =	vst v63  }
.LBB2_5:
0x1ed: {  	_ =	sfence.sel $0x180000  }
0x1ee: {  	[bflag:$0x0] =	sbarrier.arrive $0xFFFF  }
0x1ef: {  	_ =	strace $0x90000047  }
0x1f0: {  	s0 =	stileid.u32;
	[bflag:$0x2] =	sbarrier.arrive $0xFFFF  }
0x1f1: {  	p0 =	sne.s32 s0, $0x0;
	s0 =	rddreg [dreg:$0x3]  }
0x1f2: {  	s0 =	sadd.s32 @!p0 $0x100000, s0  }
0x1f3: {  	[sflag:s0] =	ssyncadd.tile.s32 @!p0 $0x1;
	_ =	shalt  }
.Lfunc_end2:
_tile_overlayer_lowered:
.L_overlay_start_2:
0x1f4: {  	(tag) =	ssettag $0x2  }
0x1f5: {  	s0 =	rddreg [dreg:$0x0];
	s2 =	stileid.u32  }
0x1f6: {  	s1 =	rddreg [dreg:$0x1];
	p0 =	sne.s32 s2, $0x0  }
0x1f7: {  	s3 =	rddreg [dreg:$0x2];
	[bflag:$0x3] =	sbarrier.arrive $0xFFFF;
	s2 =	simm.s32 @!p0 $0x1C04  }
0x1f8: {  	[timem:s3], [sflag:s2] =	dma.local @!p0 [hbm:s0], s1  }
0x1f9: {  	s0 =	simm.s32 @!p0 $0x4  }
0x1fa: {  	_ =	swait.ge @!p0 [sflag:s0], s1  }
0x1fb: {  	s1 =	ssub.s32 @!p0 $0x0, s1;
	[sflag:s0] =	ssyncset.done @!p0 $0x0  }
0x1fc: {  	[sflag:s0] =	ssyncadd.s32 @!p0 s1  }
0x1fd: {  	[bflag:$0x3] =	sbarrier.arrive $0xFFFF  }
0x1fe: {  	_ =	shalt  }

</sc_bundles>
